<compile_context>
chip_gen: v7x
topology: tpu7x:2x2x1
jax: 0.10.2.dev20260603
libtpu: 0.0.44.dev20260713+nightly
codegen_flags: <defaults>
</compile_context>

<pallas_src>
import functools

import jax
import jax.numpy as jnp
from jax import lax
from jax.experimental import pallas as pl
from jax.experimental.pallas import tpu as pltpu
from jax.experimental.pallas import tpu_sc as plsc

N = 10000
E = 160000
D = 256
H = 512
EPS = 1e-7

NC = 2
NS = 16
CW = 128
NCHUNK = 2 * D // CW
TPB = E // NS
B = 96
NB = 106
TPBP = NB * B
NPAD = 10112
RPT = NPAD // NS
PAD_DST = NPAD - 1

_ROWBLK = 400
_NBLK = N // _ROWBLK

_DOT = functools.partial(jnp.dot, preferred_element_type=jnp.float32)


def _pq_of(y):
    msg = y + EPS
    p = jnp.exp(msg)
    q = p * msg
    return jnp.stack([p[:, :CW], p[:, CW:], q[:, :CW], q[:, CW:]], axis=0)



def _tc_in_body(x_ref, w_ref, b_ref, h_ref, pq_ref):
    h = _DOT(x_ref[...], w_ref[...]) + b_ref[...]
    h_ref[...] = h
    pq_ref[...] = _pq_of(jnp.maximum(h, 0.0))


def _tc_in(x, w, b):
    return pl.pallas_call(
        _tc_in_body,
        grid=(_NBLK,),
        in_specs=[
            pl.BlockSpec((_ROWBLK, D), lambda i: (i, 0)),
            pl.BlockSpec((D, D), lambda i: (0, 0)),
            pl.BlockSpec((1, D), lambda i: (0, 0)),
        ],
        out_specs=[
            pl.BlockSpec((_ROWBLK, D), lambda i: (i, 0)),
            pl.BlockSpec((NCHUNK, _ROWBLK, CW), lambda i: (0, i, 0)),
        ],
        out_shape=[
            jax.ShapeDtypeStruct((N, D), jnp.float32),
            jax.ShapeDtypeStruct((NCHUNK, N, CW), jnp.float32),
        ],
    )(x, w, b)


def _tc_mlp1_body(h_ref, s_ref, w1_ref, b1_ref, h1_ref, st_ref):
    i = pl.program_id(0)
    s = s_ref[...]
    se = jnp.concatenate([s[0], s[1]], axis=1)
    sq = jnp.concatenate([s[2], s[3]], axis=1)
    agg = sq / (se + 1e-16)
    u = agg + h_ref[...]
    h1 = _DOT(u, w1_ref[...]) + b1_ref[...]
    h1_ref[...] = h1

    @pl.when(i == 0)
    def _():
        st_ref[...] = jnp.zeros_like(st_ref)

    st_ref[...] += jnp.stack(
        [jnp.sum(h1, axis=0), jnp.sum(h1 * h1, axis=0)], axis=0
    )


def _tc_mlp1(h, s, w1, b1):
    return pl.pallas_call(
        _tc_mlp1_body,
        grid=(_NBLK,),
        in_specs=[
            pl.BlockSpec((_ROWBLK, D), lambda i: (i, 0)),
            pl.BlockSpec((NCHUNK, _ROWBLK, CW), lambda i: (0, i, 0)),
            pl.BlockSpec((D, H), lambda i: (0, 0)),
            pl.BlockSpec((1, H), lambda i: (0, 0)),
        ],
        out_specs=[
            pl.BlockSpec((_ROWBLK, H), lambda i: (i, 0)),
            pl.BlockSpec((2, H), lambda i: (0, 0)),
        ],
        out_shape=[
            jax.ShapeDtypeStruct((N, H), jnp.float32),
            jax.ShapeDtypeStruct((2, H), jnp.float32),
        ],
    )(h, s, w1, b1)


def _tc_mlp2_body(with_pq, h1_ref, st_ref, g_ref, be_ref, w2_ref, b2_ref, *out):
    st = st_ref[...]
    mu = st[0:1] / N
    var = st[1:2] / N - mu * mu
    inv = jax.lax.rsqrt(var + 1e-5)
    hn = (h1_ref[...] - mu) * (inv * g_ref[...]) + be_ref[...]
    hr = jnp.maximum(hn, 0.0)
    y = jnp.maximum(_DOT(hr, w2_ref[...]) + b2_ref[...], 0.0)
    out[0][...] = y
    if with_pq:
        out[1][...] = _pq_of(y)


def _tc_mlp2(h1, st, g, be, w2, b2, with_pq):
    out_specs = [pl.BlockSpec((_ROWBLK, D), lambda i: (i, 0))]
    out_shape = [jax.ShapeDtypeStruct((N, D), jnp.float32)]
    if with_pq:
        out_specs.append(pl.BlockSpec((NCHUNK, _ROWBLK, CW), lambda i: (0, i, 0)))
        out_shape.append(jax.ShapeDtypeStruct((NCHUNK, N, CW), jnp.float32))
    return pl.pallas_call(
        functools.partial(_tc_mlp2_body, with_pq),
        grid=(_NBLK,),
        in_specs=[
            pl.BlockSpec((_ROWBLK, H), lambda i: (i, 0)),
            pl.BlockSpec((2, H), lambda i: (0, 0)),
            pl.BlockSpec((1, H), lambda i: (0, 0)),
            pl.BlockSpec((1, H), lambda i: (0, 0)),
            pl.BlockSpec((H, D), lambda i: (0, 0)),
            pl.BlockSpec((1, D), lambda i: (0, 0)),
        ],
        out_specs=out_specs,
        out_shape=out_shape,
    )(h1, st, g, be, w2, b2)



def _sc_body(pq, src2, dst3, z, out, acc, src_v, dst_v, buf0, buf1,
             semg0, semg1, sems0, sems1):
    c = lax.axis_index("c")
    s = lax.axis_index("s")
    pltpu.sync_copy(src2.at[s], src_v)
    pltpu.sync_copy(dst3.at[s], dst_v)

    def do_chunk(pq_c, out_c):
        def gth(i, buf, sem):
            return pltpu.async_copy(pq_c.at[src_v.at[pl.ds(i * B, B)]], buf, sem)

        def sct(i, buf, sem):
            return pltpu.async_copy(buf, acc.at[dst_v.at[i]], sem, add=True)

        def wait_g(buf, sem):
            pltpu.make_async_copy(pq_c.at[src_v.at[pl.ds(0, B)]], buf, sem).wait()

        def wait_s(i, buf, sem):
            pltpu.make_async_copy(buf, acc.at[dst_v.at[i]], sem).wait()

        pltpu.sync_copy(z, acc.at[pl.ds(s * RPT, RPT)])
        plsc.subcore_barrier()
        gth(0, buf0, semg0)
        gth(1, buf1, semg1)

        @pl.loop(0, NB, step=2)
        def _(i):
            wait_g(buf0, semg0)
            sct(i, buf0, sems0)
            wait_g(buf1, semg1)
            sct(i + 1, buf1, sems1)
            wait_s(i, buf0, sems0)

            @pl.when(i + 2 < NB)
            def _():
                gth(i + 2, buf0, semg0)

            wait_s(i + 1, buf1, sems1)

            @pl.when(i + 3 < NB)
            def _():
                gth(i + 3, buf1, semg1)

        plsc.subcore_barrier()
        pltpu.sync_copy(
            acc.at[pl.ds(s * RPT, RPT)], out_c.at[pl.ds(s * RPT, RPT)]
        )

    @pl.when(c == 0)
    def _():
        do_chunk(pq.at[0], out.at[0])
        plsc.subcore_barrier()
        do_chunk(pq.at[1], out.at[1])

    @pl.when(c == 1)
    def _():
        do_chunk(pq.at[2], out.at[2])
        plsc.subcore_barrier()
        do_chunk(pq.at[3], out.at[3])


@functools.cache
def _sc_agg_call():
    return pl.kernel(
        _sc_body,
        out_type=jax.ShapeDtypeStruct((NCHUNK, NPAD, CW), jnp.float32),
        mesh=plsc.VectorSubcoreMesh(
            core_axis_name="c", subcore_axis_name="s",
            num_cores=NC, num_subcores=NS,
        ),
        scratch_types=[
            pltpu.VMEM_SHARED((NPAD, CW), jnp.float32),
            pltpu.VMEM((TPBP,), jnp.int32),
            pltpu.VMEM((NB, B), jnp.int32),
            pltpu.VMEM((B, CW), jnp.float32),
            pltpu.VMEM((B, CW), jnp.float32),
            pltpu.SemaphoreType.DMA,
            pltpu.SemaphoreType.DMA,
            pltpu.SemaphoreType.DMA,
            pltpu.SemaphoreType.DMA,
        ],
    )


def _sc_agg(pq, src3, dst3, z):
    return _sc_agg_call()(pq, src3, dst3, z)



def kernel(x, edge_index, Wfc, bfc, W1a, b1a, g1a, be1a, W2a, b2a,
           W1b, b1b, g1b, be1b, W2b, b2b):
    pad = jnp.full((NS, TPBP - TPB), 0, jnp.int32)
    src2 = jnp.concatenate([edge_index[0].reshape(NS, TPB), pad], axis=1)
    dst3 = jnp.concatenate(
        [edge_index[1].reshape(NS, TPB), pad + PAD_DST], axis=1
    ).reshape(NS, NB, B)
    z = jnp.zeros((RPT, CW), jnp.float32)

    h0, pq0 = _tc_in(x, Wfc, bfc.reshape(1, D))
    s0 = _sc_agg(pq0, src2, dst3, z)
    h1, st_a = _tc_mlp1(h0, s0, W1a, b1a.reshape(1, H))
    ha, pqa = _tc_mlp2(h1, st_a, g1a.reshape(1, H), be1a.reshape(1, H),
                       W2a, b2a.reshape(1, D), with_pq=True)
    sa = _sc_agg(pqa, src2, dst3, z)
    h2, st_b = _tc_mlp1(ha, sa, W1b, b1b.reshape(1, H))
    (out,) = _tc_mlp2(h2, st_b, g1b.reshape(1, H), be1b.reshape(1, H),
                      W2b, b2b.reshape(1, D), with_pq=False)
    return out

# --- scband reference (transcript-rebuilt; emitter-appended) ---
"""Pipeline reference for scband-gen-23089744183810 (READ-ONLY COPY).

The authoritative reference and input builder live on the scoring server;
editing this copy changes nothing except your own understanding.
"""

import jax, jax.numpy as jnp
import numpy as np

N = 10000
E = 160000
D = 256
H = 512
EPS = 1e-7


def _gen_conv(x, edge_index, W1, b1, g1, be1, W2, b2):
    # GENConv (PyG defaults): aggr='softmax', t=1.0, eps=1e-7, MLP channels [D, 2D, D] with BatchNorm+ReLU
    src = edge_index[0]
    dst = edge_index[1]
    # message: relu(x_j) + eps
    msg = jnp.maximum(x[src], 0.0) + EPS
    # softmax aggregation over incoming edges per dst node (t=1.0)
    m = jax.ops.segment_max(msg, dst, num_segments=N)
    m = jnp.where(jnp.isfinite(m), m, 0.0)
    e = jnp.exp(msg - m[dst])
    s = jax.ops.segment_sum(e, dst, num_segments=N)
    alpha = e / (s[dst] + 1e-16)
    agg = jax.ops.segment_sum(msg * alpha, dst, num_segments=N)
    # update: MLP(agg + x): Linear(D->2D) -> BatchNorm(train stats) -> ReLU -> Linear(2D->D)
    out = agg + x
    h = out @ W1 + b1
    mu = jnp.mean(h, axis=0)
    var = jnp.var(h, axis=0)
    h = (h - mu) / jnp.sqrt(var + 1e-5) * g1 + be1
    h = jnp.maximum(h, 0.0)
    h = h @ W2 + b2
    return h


def setup_inputs(seed: int = 0):
    key = jax.random.key(seed)
    ks = jax.random.split(key, 16)
    inp = {}
    inp["x"] = jax.random.normal(ks[0], (N, D), dtype=jnp.float32)
    inp["edge_index"] = jax.random.randint(ks[1], (2, E), 0, N, dtype=jnp.int32)
    inp["Wfc"] = jax.random.normal(ks[2], (D, D), dtype=jnp.float32) / np.sqrt(D)
    inp["bfc"] = jnp.zeros((D,), dtype=jnp.float32)
    for li, tag in enumerate(["a", "b"]):
        inp["W1" + tag] = jax.random.normal(ks[3 + 6 * li], (D, H), dtype=jnp.float32) / np.sqrt(D)
        inp["b1" + tag] = jnp.zeros((H,), dtype=jnp.float32)
        inp["g1" + tag] = jnp.ones((H,), dtype=jnp.float32)
        inp["be1" + tag] = jnp.zeros((H,), dtype=jnp.float32)
        inp["W2" + tag] = jax.random.normal(ks[4 + 6 * li], (H, D), dtype=jnp.float32) / np.sqrt(H)
        inp["b2" + tag] = jnp.zeros((D,), dtype=jnp.float32)
    return inp


def reference(x, edge_index, Wfc, bfc, W1a, b1a, g1a, be1a, W2a, b2a, W1b, b1b, g1b, be1b, W2b, b2b):
    h = x @ Wfc + bfc
    h = jnp.maximum(_gen_conv(h, edge_index, W1a, b1a, g1a, be1a, W2a, b2a), 0.0)
    h = jnp.maximum(_gen_conv(h, edge_index, W1b, b1b, g1b, be1b, W2b, b2b), 0.0)
    # dropout p=0.0 is identity
    return h

if __name__ == "__main__":
    import jax
    _d = setup_inputs()
    print(jax.jit(kernel)(*tuple(_d.values())))

</pallas_src>

<mosaic_0001>
#map = affine_map<(d0, d1) -> (0, 0, 0)>
#map1 = affine_map<(d0, d1) -> (0, 0)>
module attributes {stable_mosaic.version = 14 : i64} {
  func.func @_sc_body(%arg0: i32, %arg1: i32, %arg2: memref<4x10000x128xf32, #tpu.memory_space<hbm>>, %arg3: memref<16x10176xi32, #tpu.memory_space<hbm>>, %arg4: memref<16x106x96xi32, #tpu.memory_space<hbm>>, %arg5: memref<632x128xf32, #tpu.memory_space<hbm>>, %arg6: memref<4x10112x128xf32, #tpu.memory_space<hbm>>, %arg7: memref<10112x128xf32, #tpu.memory_space<vmem_shared>>, %arg8: memref<10176xi32, #tpu.memory_space<vmem>>, %arg9: memref<106x96xi32, #tpu.memory_space<vmem>>, %arg10: memref<96x128xf32, #tpu.memory_space<vmem>>, %arg11: memref<96x128xf32, #tpu.memory_space<vmem>>, %arg12: memref<!tpu.dma_semaphore, #tpu.memory_space<semaphore_mem>>, %arg13: memref<!tpu.dma_semaphore, #tpu.memory_space<semaphore_mem>>, %arg14: memref<!tpu.dma_semaphore, #tpu.memory_space<semaphore_mem>>, %arg15: memref<!tpu.dma_semaphore, #tpu.memory_space<semaphore_mem>>) attributes {dimension_semantics = [#tpu.dimension_semantics<core_parallel>, #tpu.dimension_semantics<subcore_parallel>], iteration_bounds = array<i64: 2, 16>, scalar_prefetch = 0 : i64, scratch_operands = 9 : i64, tpu.core_type = #tpu.core_type<sc_vector_subcore>, window_params = [{transform_indices = #map}, {transform_indices = #map1}, {transform_indices = #map}, {transform_indices = #map1}, {transform_indices = #map}]} {
    "tpu.region"() ({
      %run_scoped3A = tpu.sem_alloc : memref<!tpu.dma_semaphore, #tpu.memory_space<semaphore_mem>>
      %dma_start3A = arith.constant 0 : i32
      %dma_start3A_7 = tpu.memref_slice %arg3[%arg1, %dma_start3A] : memref<16x10176xi32, #tpu.memory_space<hbm>> -> memref<1x10176xi32, #tpu.memory_space<hbm>>
      %dma_start3A_8 = tpu.memref_squeeze %dma_start3A_7 : memref<1x10176xi32, #tpu.memory_space<hbm>> -> memref<10176xi32, #tpu.memory_space<hbm>>
      %dma_start3A_9 = arith.constant 0 : i32
      %dma_start3A_10 = tpu.memref_slice %arg3[%arg1, %dma_start3A_9] : memref<16x10176xi32, #tpu.memory_space<hbm>> -> memref<1x10176xi32, #tpu.memory_space<hbm>>
      %dma_start3A_11 = tpu.memref_squeeze %dma_start3A_10 : memref<1x10176xi32, #tpu.memory_space<hbm>> -> memref<10176xi32, #tpu.memory_space<hbm>>
      tpu.enqueue_dma source(%dma_start3A_11 : memref<10176xi32, #tpu.memory_space<hbm>>) target(%arg8 : memref<10176xi32, #tpu.memory_space<vmem>>) target_semaphore(%run_scoped3A : memref<!tpu.dma_semaphore, #tpu.memory_space<semaphore_mem>>)
      %dma_wait3A = arith.constant 0 : i32
      %dma_wait3A_12 = tpu.memref_slice %arg3[%arg1, %dma_wait3A] : memref<16x10176xi32, #tpu.memory_space<hbm>> -> memref<1x10176xi32, #tpu.memory_space<hbm>>
      %dma_wait3A_13 = tpu.memref_squeeze %dma_wait3A_12 : memref<1x10176xi32, #tpu.memory_space<hbm>> -> memref<10176xi32, #tpu.memory_space<hbm>>
      %dma_wait3A_14 = arith.constant 0 : i32
      %dma_wait3A_15 = tpu.memref_slice %arg3[%arg1, %dma_wait3A_14] : memref<16x10176xi32, #tpu.memory_space<hbm>> -> memref<1x10176xi32, #tpu.memory_space<hbm>>
      %dma_wait3A_16 = tpu.memref_squeeze %dma_wait3A_15 : memref<1x10176xi32, #tpu.memory_space<hbm>> -> memref<10176xi32, #tpu.memory_space<hbm>>
      tpu.wait_dma2 semaphore(%run_scoped3A : memref<!tpu.dma_semaphore, #tpu.memory_space<semaphore_mem>>) src(%dma_wait3A_16 : memref<10176xi32, #tpu.memory_space<hbm>>) dst(%arg8 : memref<10176xi32, #tpu.memory_space<vmem>>)
      tpu.yield
    }) : () -> ()
    "tpu.region"() ({
      %run_scoped3A = tpu.sem_alloc : memref<!tpu.dma_semaphore, #tpu.memory_space<semaphore_mem>>
      %dma_start3A = arith.constant 0 : i32
      %dma_start3A_7 = arith.constant 0 : i32
      %dma_start3A_8 = tpu.memref_slice %arg4[%arg1, %dma_start3A, %dma_start3A_7] : memref<16x106x96xi32, #tpu.memory_space<hbm>> -> memref<1x106x96xi32, #tpu.memory_space<hbm>>
      %dma_start3A_9 = tpu.memref_squeeze %dma_start3A_8 : memref<1x106x96xi32, #tpu.memory_space<hbm>> -> memref<106x96xi32, #tpu.memory_space<hbm>>
      %dma_start3A_10 = arith.constant 0 : i32
      %dma_start3A_11 = arith.constant 0 : i32
      %dma_start3A_12 = tpu.memref_slice %arg4[%arg1, %dma_start3A_10, %dma_start3A_11] : memref<16x106x96xi32, #tpu.memory_space<hbm>> -> memref<1x106x96xi32, #tpu.memory_space<hbm>>
      %dma_start3A_13 = tpu.memref_squeeze %dma_start3A_12 : memref<1x106x96xi32, #tpu.memory_space<hbm>> -> memref<106x96xi32, #tpu.memory_space<hbm>>
      tpu.enqueue_dma source(%dma_start3A_13 : memref<106x96xi32, #tpu.memory_space<hbm>>) target(%arg9 : memref<106x96xi32, #tpu.memory_space<vmem>>) target_semaphore(%run_scoped3A : memref<!tpu.dma_semaphore, #tpu.memory_space<semaphore_mem>>)
      %dma_wait3A = arith.constant 0 : i32
      %dma_wait3A_14 = arith.constant 0 : i32
      %dma_wait3A_15 = tpu.memref_slice %arg4[%arg1, %dma_wait3A, %dma_wait3A_14] : memref<16x106x96xi32, #tpu.memory_space<hbm>> -> memref<1x106x96xi32, #tpu.memory_space<hbm>>
      %dma_wait3A_16 = tpu.memref_squeeze %dma_wait3A_15 : memref<1x106x96xi32, #tpu.memory_space<hbm>> -> memref<106x96xi32, #tpu.memory_space<hbm>>
      %dma_wait3A_17 = arith.constant 0 : i32
      %dma_wait3A_18 = arith.constant 0 : i32
      %dma_wait3A_19 = tpu.memref_slice %arg4[%arg1, %dma_wait3A_17, %dma_wait3A_18] : memref<16x106x96xi32, #tpu.memory_space<hbm>> -> memref<1x106x96xi32, #tpu.memory_space<hbm>>
      %dma_wait3A_20 = tpu.memref_squeeze %dma_wait3A_19 : memref<1x106x96xi32, #tpu.memory_space<hbm>> -> memref<106x96xi32, #tpu.memory_space<hbm>>
      tpu.wait_dma2 semaphore(%run_scoped3A : memref<!tpu.dma_semaphore, #tpu.memory_space<semaphore_mem>>) src(%dma_wait3A_20 : memref<106x96xi32, #tpu.memory_space<hbm>>) dst(%arg9 : memref<106x96xi32, #tpu.memory_space<vmem>>)
      tpu.yield
    }) : () -> ()
    %eq3A = arith.constant 0 : i32
    %eq3A_0 = arith.cmpi eq, %arg0, %eq3A : i32
    %convert_element_type3A = arith.extui %eq3A_0 : i1 to i32
    %cond3A = arith.constant 0 : i32
    %cond3A_1 = arith.cmpi ne, %convert_element_type3A, %cond3A : i32
    scf.if %cond3A_1 {
      %mul3A = arith.constant 632 : i32
      %mul3A_7 = arith.muli %arg1, %mul3A : i32
      "tpu.region"() ({
        %run_scoped3A_73 = tpu.sem_alloc : memref<!tpu.dma_semaphore, #tpu.memory_space<semaphore_mem>>
        %dma_start3A_74 = arith.constant 0 : i32
        %dma_start3A_75 = tpu.memref_slice %arg7[%mul3A_7, %dma_start3A_74] : memref<10112x128xf32, #tpu.memory_space<vmem_shared>> -> memref<632x128xf32, #tpu.memory_space<vmem_shared>>
        tpu.enqueue_dma source(%arg5 : memref<632x128xf32, #tpu.memory_space<hbm>>) target(%dma_start3A_75 : memref<632x128xf32, #tpu.memory_space<vmem_shared>>) target_semaphore(%run_scoped3A_73 : memref<!tpu.dma_semaphore, #tpu.memory_space<semaphore_mem>>)
        %dma_wait3A = arith.constant 0 : i32
        %dma_wait3A_76 = tpu.memref_slice %arg7[%mul3A_7, %dma_wait3A] : memref<10112x128xf32, #tpu.memory_space<vmem_shared>> -> memref<632x128xf32, #tpu.memory_space<vmem_shared>>
        tpu.wait_dma2 semaphore(%run_scoped3A_73 : memref<!tpu.dma_semaphore, #tpu.memory_space<semaphore_mem>>) src(%arg5 : memref<632x128xf32, #tpu.memory_space<hbm>>) dst(%dma_wait3A_76 : memref<632x128xf32, #tpu.memory_space<vmem_shared>>)
        tpu.yield
      }) : () -> ()
      %barrier3A = arith.constant 0 : index
      tpu.barrier barrier_id(%barrier3A)
      %dma_start3A = arith.constant 0 : i32
      %dma_start3A_8 = arith.constant 0 : i32
      %dma_start3A_9 = tpu.memref_slice %arg8[%dma_start3A_8] : memref<10176xi32, #tpu.memory_space<vmem>> -> memref<96xi32, #tpu.memory_space<vmem>>
      %dma_start3A_10 = arith.constant 0 : i32
      %dma_start3A_11 = arith.constant 0 : i32
      %dma_start3A_12 = tpu.memref_slice %arg2[%dma_start3A, %dma_start3A_10, %dma_start3A_11] : memref<4x10000x128xf32, #tpu.memory_space<hbm>> -> memref<1x10000x128xf32, #tpu.memory_space<hbm>>
      %dma_start3A_13 = tpu.memref_squeeze %dma_start3A_12 : memref<1x10000x128xf32, #tpu.memory_space<hbm>> -> memref<10000x128xf32, #tpu.memory_space<hbm>>
      %dma_start3A_14 = arith.constant 0 : i32
      %dma_start3A_15 = arith.constant 0 : i32
      %dma_start3A_16 = tpu.memref_slice %dma_start3A_13[%dma_start3A_14, %dma_start3A_15] : memref<10000x128xf32, #tpu.memory_space<hbm>> -> memref<10000x128xf32, #tpu.memory_space<hbm>>
      tpu.enqueue_indirect_dma source(%dma_start3A_16 : memref<10000x128xf32, #tpu.memory_space<hbm>>) target(%arg10 : memref<96x128xf32, #tpu.memory_space<vmem>>) offsets(%dma_start3A_9 : memref<96xi32, #tpu.memory_space<vmem>>) semaphore(%arg12 : memref<!tpu.dma_semaphore, #tpu.memory_space<semaphore_mem>>)
      %dma_start3A_17 = arith.constant 0 : i32
      %dma_start3A_18 = arith.constant 96 : i32
      %dma_start3A_19 = tpu.memref_slice %arg8[%dma_start3A_18] : memref<10176xi32, #tpu.memory_space<vmem>> -> memref<96xi32, #tpu.memory_space<vmem>>
      %dma_start3A_20 = arith.constant 0 : i32
      %dma_start3A_21 = arith.constant 0 : i32
      %dma_start3A_22 = tpu.memref_slice %arg2[%dma_start3A_17, %dma_start3A_20, %dma_start3A_21] : memref<4x10000x128xf32, #tpu.memory_space<hbm>> -> memref<1x10000x128xf32, #tpu.memory_space<hbm>>
      %dma_start3A_23 = tpu.memref_squeeze %dma_start3A_22 : memref<1x10000x128xf32, #tpu.memory_space<hbm>> -> memref<10000x128xf32, #tpu.memory_space<hbm>>
      %dma_start3A_24 = arith.constant 0 : i32
      %dma_start3A_25 = arith.constant 0 : i32
      %dma_start3A_26 = tpu.memref_slice %dma_start3A_23[%dma_start3A_24, %dma_start3A_25] : memref<10000x128xf32, #tpu.memory_space<hbm>> -> memref<10000x128xf32, #tpu.memory_space<hbm>>
      tpu.enqueue_indirect_dma source(%dma_start3A_26 : memref<10000x128xf32, #tpu.memory_space<hbm>>) target(%arg11 : memref<96x128xf32, #tpu.memory_space<vmem>>) offsets(%dma_start3A_19 : memref<96xi32, #tpu.memory_space<vmem>>) semaphore(%arg13 : memref<!tpu.dma_semaphore, #tpu.memory_space<semaphore_mem>>)
      %scan3A = arith.constant 0 : i32
      %scan3A_27 = arith.constant 0 : i32
      %scan3A_28 = arith.constant 53 : i32
      %scan3A_29 = arith.addi %scan3A_27, %scan3A_28 : i32
      %scan3A_30 = arith.constant 1 : i32
      scf.for %scan3A_73 = %scan3A_27 to %scan3A_29 step %scan3A_30  : i32 {
        %mul3A_74 = arith.constant 2 : i32
        %mul3A_75 = arith.muli %scan3A_73, %mul3A_74 : i32
        %add3A = arith.constant 0 : i32
        %add3A_76 = arith.addi %add3A, %mul3A_75 : i32
        %dma_wait3A = arith.constant 0 : i32
        %dma_wait3A_77 = tpu.memref_slice %arg8[%dma_wait3A] : memref<10176xi32, #tpu.memory_space<vmem>> -> memref<96xi32, #tpu.memory_space<vmem>>
        %dma_wait3A_78 = arith.constant 0 : i32
        %dma_wait3A_79 = arith.constant 0 : i32
        %dma_wait3A_80 = tpu.memref_slice %arg2[%scan3A, %dma_wait3A_78, %dma_wait3A_79] : memref<4x10000x128xf32, #tpu.memory_space<hbm>> -> memref<1x10000x128xf32, #tpu.memory_space<hbm>>
        %dma_wait3A_81 = tpu.memref_squeeze %dma_wait3A_80 : memref<1x10000x128xf32, #tpu.memory_space<hbm>> -> memref<10000x128xf32, #tpu.memory_space<hbm>>
        %dma_wait3A_82 = arith.constant 0 : i32
        %dma_wait3A_83 = arith.constant 0 : i32
        %dma_wait3A_84 = tpu.memref_slice %dma_wait3A_81[%dma_wait3A_82, %dma_wait3A_83] : memref<10000x128xf32, #tpu.memory_space<hbm>> -> memref<10000x128xf32, #tpu.memory_space<hbm>>
        tpu.wait_indirect_dma semaphore(%arg12 : memref<!tpu.dma_semaphore, #tpu.memory_space<semaphore_mem>>) src(%dma_wait3A_84 : memref<10000x128xf32, #tpu.memory_space<hbm>>) dst(%arg10 : memref<96x128xf32, #tpu.memory_space<vmem>>)
        %dma_start3A_85 = arith.constant 0 : i32
        %dma_start3A_86 = tpu.memref_slice %arg9[%add3A_76, %dma_start3A_85] : memref<106x96xi32, #tpu.memory_space<vmem>> -> memref<1x96xi32, #tpu.memory_space<vmem>>
        %dma_start3A_87 = tpu.memref_squeeze %dma_start3A_86 : memref<1x96xi32, #tpu.memory_space<vmem>> -> memref<96xi32, #tpu.memory_space<vmem>>
        %dma_start3A_88 = arith.constant 0 : i32
        %dma_start3A_89 = arith.constant 0 : i32
        %dma_start3A_90 = tpu.memref_slice %arg7[%dma_start3A_88, %dma_start3A_89] : memref<10112x128xf32, #tpu.memory_space<vmem_shared>> -> memref<10112x128xf32, #tpu.memory_space<vmem_shared>>
        tpu.enqueue_indirect_dma source(%arg10 : memref<96x128xf32, #tpu.memory_space<vmem>>) target(%dma_start3A_90 : memref<10112x128xf32, #tpu.memory_space<vmem_shared>>) offsets(%dma_start3A_87 : memref<96xi32, #tpu.memory_space<vmem>>) semaphore(%arg14 : memref<!tpu.dma_semaphore, #tpu.memory_space<semaphore_mem>>) {add = true}
        %dma_wait3A_91 = arith.constant 0 : i32
        %dma_wait3A_92 = tpu.memref_slice %arg8[%dma_wait3A_91] : memref<10176xi32, #tpu.memory_space<vmem>> -> memref<96xi32, #tpu.memory_space<vmem>>
        %dma_wait3A_93 = arith.constant 0 : i32
        %dma_wait3A_94 = arith.constant 0 : i32
        %dma_wait3A_95 = tpu.memref_slice %arg2[%scan3A, %dma_wait3A_93, %dma_wait3A_94] : memref<4x10000x128xf32, #tpu.memory_space<hbm>> -> memref<1x10000x128xf32, #tpu.memory_space<hbm>>
        %dma_wait3A_96 = tpu.memref_squeeze %dma_wait3A_95 : memref<1x10000x128xf32, #tpu.memory_space<hbm>> -> memref<10000x128xf32, #tpu.memory_space<hbm>>
        %dma_wait3A_97 = arith.constant 0 : i32
        %dma_wait3A_98 = arith.constant 0 : i32
        %dma_wait3A_99 = tpu.memref_slice %dma_wait3A_96[%dma_wait3A_97, %dma_wait3A_98] : memref<10000x128xf32, #tpu.memory_space<hbm>> -> memref<10000x128xf32, #tpu.memory_space<hbm>>
        tpu.wait_indirect_dma semaphore(%arg13 : memref<!tpu.dma_semaphore, #tpu.memory_space<semaphore_mem>>) src(%dma_wait3A_99 : memref<10000x128xf32, #tpu.memory_space<hbm>>) dst(%arg11 : memref<96x128xf32, #tpu.memory_space<vmem>>)
        %add3A_100 = arith.constant 1 : i32
        %add3A_101 = arith.addi %add3A_76, %add3A_100 : i32
        %dma_start3A_102 = arith.constant 0 : i32
        %dma_start3A_103 = tpu.memref_slice %arg9[%add3A_101, %dma_start3A_102] : memref<106x96xi32, #tpu.memory_space<vmem>> -> memref<1x96xi32, #tpu.memory_space<vmem>>
        %dma_start3A_104 = tpu.memref_squeeze %dma_start3A_103 : memref<1x96xi32, #tpu.memory_space<vmem>> -> memref<96xi32, #tpu.memory_space<vmem>>
        %dma_start3A_105 = arith.constant 0 : i32
        %dma_start3A_106 = arith.constant 0 : i32
        %dma_start3A_107 = tpu.memref_slice %arg7[%dma_start3A_105, %dma_start3A_106] : memref<10112x128xf32, #tpu.memory_space<vmem_shared>> -> memref<10112x128xf32, #tpu.memory_space<vmem_shared>>
        tpu.enqueue_indirect_dma source(%arg11 : memref<96x128xf32, #tpu.memory_space<vmem>>) target(%dma_start3A_107 : memref<10112x128xf32, #tpu.memory_space<vmem_shared>>) offsets(%dma_start3A_104 : memref<96xi32, #tpu.memory_space<vmem>>) semaphore(%arg15 : memref<!tpu.dma_semaphore, #tpu.memory_space<semaphore_mem>>) {add = true}
        %dma_wait3A_108 = arith.constant 0 : i32
        %dma_wait3A_109 = tpu.memref_slice %arg9[%add3A_76, %dma_wait3A_108] : memref<106x96xi32, #tpu.memory_space<vmem>> -> memref<1x96xi32, #tpu.memory_space<vmem>>
        %dma_wait3A_110 = tpu.memref_squeeze %dma_wait3A_109 : memref<1x96xi32, #tpu.memory_space<vmem>> -> memref<96xi32, #tpu.memory_space<vmem>>
        %dma_wait3A_111 = arith.constant 0 : i32
        %dma_wait3A_112 = arith.constant 0 : i32
        %dma_wait3A_113 = tpu.memref_slice %arg7[%dma_wait3A_111, %dma_wait3A_112] : memref<10112x128xf32, #tpu.memory_space<vmem_shared>> -> memref<10112x128xf32, #tpu.memory_space<vmem_shared>>
        tpu.wait_indirect_dma semaphore(%arg14 : memref<!tpu.dma_semaphore, #tpu.memory_space<semaphore_mem>>) src(%arg10 : memref<96x128xf32, #tpu.memory_space<vmem>>) dst(%dma_wait3A_113 : memref<10112x128xf32, #tpu.memory_space<vmem_shared>>)
        %add3A_114 = arith.constant 2 : i32
        %add3A_115 = arith.addi %add3A_76, %add3A_114 : i32
        %lt3A = arith.constant 106 : i32
        %lt3A_116 = arith.cmpi slt, %add3A_115, %lt3A : i32
        %convert_element_type3A_117 = arith.extui %lt3A_116 : i1 to i32
        %cond3A_118 = arith.constant 0 : i32
        %cond3A_119 = arith.cmpi ne, %convert_element_type3A_117, %cond3A_118 : i32
        scf.if %cond3A_119 {
          %add3A_135 = arith.constant 2 : i32
          %add3A_136 = arith.addi %add3A_76, %add3A_135 : i32
          %mul3A_137 = arith.constant 96 : i32
          %mul3A_138 = arith.muli %add3A_136, %mul3A_137 : i32
          %dma_start3A_139 = tpu.memref_slice %arg8[%mul3A_138] : memref<10176xi32, #tpu.memory_space<vmem>> -> memref<96xi32, #tpu.memory_space<vmem>>
          %dma_start3A_140 = arith.constant 0 : i32
          %dma_start3A_141 = arith.constant 0 : i32
          %dma_start3A_142 = tpu.memref_slice %arg2[%scan3A, %dma_start3A_140, %dma_start3A_141] : memref<4x10000x128xf32, #tpu.memory_space<hbm>> -> memref<1x10000x128xf32, #tpu.memory_space<hbm>>
          %dma_start3A_143 = tpu.memref_squeeze %dma_start3A_142 : memref<1x10000x128xf32, #tpu.memory_space<hbm>> -> memref<10000x128xf32, #tpu.memory_space<hbm>>
          %dma_start3A_144 = arith.constant 0 : i32
          %dma_start3A_145 = arith.constant 0 : i32
          %dma_start3A_146 = tpu.memref_slice %dma_start3A_143[%dma_start3A_144, %dma_start3A_145] : memref<10000x128xf32, #tpu.memory_space<hbm>> -> memref<10000x128xf32, #tpu.memory_space<hbm>>
          tpu.enqueue_indirect_dma source(%dma_start3A_146 : memref<10000x128xf32, #tpu.memory_space<hbm>>) target(%arg10 : memref<96x128xf32, #tpu.memory_space<vmem>>) offsets(%dma_start3A_139 : memref<96xi32, #tpu.memory_space<vmem>>) semaphore(%arg12 : memref<!tpu.dma_semaphore, #tpu.memory_space<semaphore_mem>>)
        } else {
        }
        %add3A_120 = arith.constant 1 : i32
        %add3A_121 = arith.addi %add3A_76, %add3A_120 : i32
        %dma_wait3A_122 = arith.constant 0 : i32
        %dma_wait3A_123 = tpu.memref_slice %arg9[%add3A_121, %dma_wait3A_122] : memref<106x96xi32, #tpu.memory_space<vmem>> -> memref<1x96xi32, #tpu.memory_space<vmem>>
        %dma_wait3A_124 = tpu.memref_squeeze %dma_wait3A_123 : memref<1x96xi32, #tpu.memory_space<vmem>> -> memref<96xi32, #tpu.memory_space<vmem>>
        %dma_wait3A_125 = arith.constant 0 : i32
        %dma_wait3A_126 = arith.constant 0 : i32
        %dma_wait3A_127 = tpu.memref_slice %arg7[%dma_wait3A_125, %dma_wait3A_126] : memref<10112x128xf32, #tpu.memory_space<vmem_shared>> -> memref<10112x128xf32, #tpu.memory_space<vmem_shared>>
        tpu.wait_indirect_dma semaphore(%arg15 : memref<!tpu.dma_semaphore, #tpu.memory_space<semaphore_mem>>) src(%arg11 : memref<96x128xf32, #tpu.memory_space<vmem>>) dst(%dma_wait3A_127 : memref<10112x128xf32, #tpu.memory_space<vmem_shared>>)
        %add3A_128 = arith.constant 3 : i32
        %add3A_129 = arith.addi %add3A_76, %add3A_128 : i32
        %lt3A_130 = arith.constant 106 : i32
        %lt3A_131 = arith.cmpi slt, %add3A_129, %lt3A_130 : i32
        %convert_element_type3A_132 = arith.extui %lt3A_131 : i1 to i32
        %cond3A_133 = arith.constant 0 : i32
        %cond3A_134 = arith.cmpi ne, %convert_element_type3A_132, %cond3A_133 : i32
        scf.if %cond3A_134 {
          %add3A_135 = arith.constant 3 : i32
          %add3A_136 = arith.addi %add3A_76, %add3A_135 : i32
          %mul3A_137 = arith.constant 96 : i32
          %mul3A_138 = arith.muli %add3A_136, %mul3A_137 : i32
          %dma_start3A_139 = tpu.memref_slice %arg8[%mul3A_138] : memref<10176xi32, #tpu.memory_space<vmem>> -> memref<96xi32, #tpu.memory_space<vmem>>
          %dma_start3A_140 = arith.constant 0 : i32
          %dma_start3A_141 = arith.constant 0 : i32
          %dma_start3A_142 = tpu.memref_slice %arg2[%scan3A, %dma_start3A_140, %dma_start3A_141] : memref<4x10000x128xf32, #tpu.memory_space<hbm>> -> memref<1x10000x128xf32, #tpu.memory_space<hbm>>
          %dma_start3A_143 = tpu.memref_squeeze %dma_start3A_142 : memref<1x10000x128xf32, #tpu.memory_space<hbm>> -> memref<10000x128xf32, #tpu.memory_space<hbm>>
          %dma_start3A_144 = arith.constant 0 : i32
          %dma_start3A_145 = arith.constant 0 : i32
          %dma_start3A_146 = tpu.memref_slice %dma_start3A_143[%dma_start3A_144, %dma_start3A_145] : memref<10000x128xf32, #tpu.memory_space<hbm>> -> memref<10000x128xf32, #tpu.memory_space<hbm>>
          tpu.enqueue_indirect_dma source(%dma_start3A_146 : memref<10000x128xf32, #tpu.memory_space<hbm>>) target(%arg11 : memref<96x128xf32, #tpu.memory_space<vmem>>) offsets(%dma_start3A_139 : memref<96xi32, #tpu.memory_space<vmem>>) semaphore(%arg13 : memref<!tpu.dma_semaphore, #tpu.memory_space<semaphore_mem>>)
        } else {
        }
      }
      %scan3A_31 = arith.constant 53 : i32
      %barrier3A_32 = arith.constant 0 : index
      tpu.barrier barrier_id(%barrier3A_32)
      %mul3A_33 = arith.constant 632 : i32
      %mul3A_34 = arith.muli %arg1, %mul3A_33 : i32
      %mul3A_35 = arith.constant 632 : i32
      %mul3A_36 = arith.muli %arg1, %mul3A_35 : i32
      %run_scoped3A = arith.constant 0 : i32
      "tpu.region"() ({
        %run_scoped3A_73 = tpu.sem_alloc : memref<!tpu.dma_semaphore, #tpu.memory_space<semaphore_mem>>
        %dma_start3A_74 = arith.constant 0 : i32
        %dma_start3A_75 = arith.constant 0 : i32
        %dma_start3A_76 = tpu.memref_slice %arg6[%run_scoped3A, %dma_start3A_74, %dma_start3A_75] : memref<4x10112x128xf32, #tpu.memory_space<hbm>> -> memref<1x10112x128xf32, #tpu.memory_space<hbm>>
        %dma_start3A_77 = tpu.memref_squeeze %dma_start3A_76 : memref<1x10112x128xf32, #tpu.memory_space<hbm>> -> memref<10112x128xf32, #tpu.memory_space<hbm>>
        %dma_start3A_78 = arith.constant 0 : i32
        %dma_start3A_79 = tpu.memref_slice %dma_start3A_77[%mul3A_36, %dma_start3A_78] : memref<10112x128xf32, #tpu.memory_space<hbm>> -> memref<632x128xf32, #tpu.memory_space<hbm>>
        %dma_start3A_80 = arith.constant 0 : i32
        %dma_start3A_81 = tpu.memref_slice %arg7[%mul3A_34, %dma_start3A_80] : memref<10112x128xf32, #tpu.memory_space<vmem_shared>> -> memref<632x128xf32, #tpu.memory_space<vmem_shared>>
        tpu.enqueue_dma source(%dma_start3A_81 : memref<632x128xf32, #tpu.memory_space<vmem_shared>>) target(%dma_start3A_79 : memref<632x128xf32, #tpu.memory_space<hbm>>) target_semaphore(%run_scoped3A_73 : memref<!tpu.dma_semaphore, #tpu.memory_space<semaphore_mem>>)
        %dma_wait3A = arith.constant 0 : i32
        %dma_wait3A_82 = arith.constant 0 : i32
        %dma_wait3A_83 = tpu.memref_slice %arg6[%run_scoped3A, %dma_wait3A, %dma_wait3A_82] : memref<4x10112x128xf32, #tpu.memory_space<hbm>> -> memref<1x10112x128xf32, #tpu.memory_space<hbm>>
        %dma_wait3A_84 = tpu.memref_squeeze %dma_wait3A_83 : memref<1x10112x128xf32, #tpu.memory_space<hbm>> -> memref<10112x128xf32, #tpu.memory_space<hbm>>
        %dma_wait3A_85 = arith.constant 0 : i32
        %dma_wait3A_86 = tpu.memref_slice %dma_wait3A_84[%mul3A_36, %dma_wait3A_85] : memref<10112x128xf32, #tpu.memory_space<hbm>> -> memref<632x128xf32, #tpu.memory_space<hbm>>
        %dma_wait3A_87 = arith.constant 0 : i32
        %dma_wait3A_88 = tpu.memref_slice %arg7[%mul3A_34, %dma_wait3A_87] : memref<10112x128xf32, #tpu.memory_space<vmem_shared>> -> memref<632x128xf32, #tpu.memory_space<vmem_shared>>
        tpu.wait_dma2 semaphore(%run_scoped3A_73 : memref<!tpu.dma_semaphore, #tpu.memory_space<semaphore_mem>>) src(%dma_wait3A_88 : memref<632x128xf32, #tpu.memory_space<vmem_shared>>) dst(%dma_wait3A_86 : memref<632x128xf32, #tpu.memory_space<hbm>>)
        tpu.yield
      }) : () -> ()
      %barrier3A_37 = arith.constant 0 : index
      tpu.barrier barrier_id(%barrier3A_37)
      %mul3A_38 = arith.constant 632 : i32
      %mul3A_39 = arith.muli %arg1, %mul3A_38 : i32
      "tpu.region"() ({
        %run_scoped3A_73 = tpu.sem_alloc : memref<!tpu.dma_semaphore, #tpu.memory_space<semaphore_mem>>
        %dma_start3A_74 = arith.constant 0 : i32
        %dma_start3A_75 = tpu.memref_slice %arg7[%mul3A_39, %dma_start3A_74] : memref<10112x128xf32, #tpu.memory_space<vmem_shared>> -> memref<632x128xf32, #tpu.memory_space<vmem_shared>>
        tpu.enqueue_dma source(%arg5 : memref<632x128xf32, #tpu.memory_space<hbm>>) target(%dma_start3A_75 : memref<632x128xf32, #tpu.memory_space<vmem_shared>>) target_semaphore(%run_scoped3A_73 : memref<!tpu.dma_semaphore, #tpu.memory_space<semaphore_mem>>)
        %dma_wait3A = arith.constant 0 : i32
        %dma_wait3A_76 = tpu.memref_slice %arg7[%mul3A_39, %dma_wait3A] : memref<10112x128xf32, #tpu.memory_space<vmem_shared>> -> memref<632x128xf32, #tpu.memory_space<vmem_shared>>
        tpu.wait_dma2 semaphore(%run_scoped3A_73 : memref<!tpu.dma_semaphore, #tpu.memory_space<semaphore_mem>>) src(%arg5 : memref<632x128xf32, #tpu.memory_space<hbm>>) dst(%dma_wait3A_76 : memref<632x128xf32, #tpu.memory_space<vmem_shared>>)
        tpu.yield
      }) : () -> ()
      %barrier3A_40 = arith.constant 0 : index
      tpu.barrier barrier_id(%barrier3A_40)
      %dma_start3A_41 = arith.constant 1 : i32
      %dma_start3A_42 = arith.constant 0 : i32
      %dma_start3A_43 = tpu.memref_slice %arg8[%dma_start3A_42] : memref<10176xi32, #tpu.memory_space<vmem>> -> memref<96xi32, #tpu.memory_space<vmem>>
      %dma_start3A_44 = arith.constant 0 : i32
      %dma_start3A_45 = arith.constant 0 : i32
      %dma_start3A_46 = tpu.memref_slice %arg2[%dma_start3A_41, %dma_start3A_44, %dma_start3A_45] : memref<4x10000x128xf32, #tpu.memory_space<hbm>> -> memref<1x10000x128xf32, #tpu.memory_space<hbm>>
      %dma_start3A_47 = tpu.memref_squeeze %dma_start3A_46 : memref<1x10000x128xf32, #tpu.memory_space<hbm>> -> memref<10000x128xf32, #tpu.memory_space<hbm>>
      %dma_start3A_48 = arith.constant 0 : i32
      %dma_start3A_49 = arith.constant 0 : i32
      %dma_start3A_50 = tpu.memref_slice %dma_start3A_47[%dma_start3A_48, %dma_start3A_49] : memref<10000x128xf32, #tpu.memory_space<hbm>> -> memref<10000x128xf32, #tpu.memory_space<hbm>>
      tpu.enqueue_indirect_dma source(%dma_start3A_50 : memref<10000x128xf32, #tpu.memory_space<hbm>>) target(%arg10 : memref<96x128xf32, #tpu.memory_space<vmem>>) offsets(%dma_start3A_43 : memref<96xi32, #tpu.memory_space<vmem>>) semaphore(%arg12 : memref<!tpu.dma_semaphore, #tpu.memory_space<semaphore_mem>>)
      %dma_start3A_51 = arith.constant 1 : i32
      %dma_start3A_52 = arith.constant 96 : i32
      %dma_start3A_53 = tpu.memref_slice %arg8[%dma_start3A_52] : memref<10176xi32, #tpu.memory_space<vmem>> -> memref<96xi32, #tpu.memory_space<vmem>>
      %dma_start3A_54 = arith.constant 0 : i32
      %dma_start3A_55 = arith.constant 0 : i32
      %dma_start3A_56 = tpu.memref_slice %arg2[%dma_start3A_51, %dma_start3A_54, %dma_start3A_55] : memref<4x10000x128xf32, #tpu.memory_space<hbm>> -> memref<1x10000x128xf32, #tpu.memory_space<hbm>>
      %dma_start3A_57 = tpu.memref_squeeze %dma_start3A_56 : memref<1x10000x128xf32, #tpu.memory_space<hbm>> -> memref<10000x128xf32, #tpu.memory_space<hbm>>
      %dma_start3A_58 = arith.constant 0 : i32
      %dma_start3A_59 = arith.constant 0 : i32
      %dma_start3A_60 = tpu.memref_slice %dma_start3A_57[%dma_start3A_58, %dma_start3A_59] : memref<10000x128xf32, #tpu.memory_space<hbm>> -> memref<10000x128xf32, #tpu.memory_space<hbm>>
      tpu.enqueue_indirect_dma source(%dma_start3A_60 : memref<10000x128xf32, #tpu.memory_space<hbm>>) target(%arg11 : memref<96x128xf32, #tpu.memory_space<vmem>>) offsets(%dma_start3A_53 : memref<96xi32, #tpu.memory_space<vmem>>) semaphore(%arg13 : memref<!tpu.dma_semaphore, #tpu.memory_space<semaphore_mem>>)
      %scan3A_61 = arith.constant 1 : i32
      %scan3A_62 = arith.constant 0 : i32
      %scan3A_63 = arith.constant 53 : i32
      %scan3A_64 = arith.addi %scan3A_62, %scan3A_63 : i32
      %scan3A_65 = arith.constant 1 : i32
      scf.for %scan3A_73 = %scan3A_62 to %scan3A_64 step %scan3A_65  : i32 {
        %mul3A_74 = arith.constant 2 : i32
        %mul3A_75 = arith.muli %scan3A_73, %mul3A_74 : i32
        %add3A = arith.constant 0 : i32
        %add3A_76 = arith.addi %add3A, %mul3A_75 : i32
        %dma_wait3A = arith.constant 0 : i32
        %dma_wait3A_77 = tpu.memref_slice %arg8[%dma_wait3A] : memref<10176xi32, #tpu.memory_space<vmem>> -> memref<96xi32, #tpu.memory_space<vmem>>
        %dma_wait3A_78 = arith.constant 0 : i32
        %dma_wait3A_79 = arith.constant 0 : i32
        %dma_wait3A_80 = tpu.memref_slice %arg2[%scan3A_61, %dma_wait3A_78, %dma_wait3A_79] : memref<4x10000x128xf32, #tpu.memory_space<hbm>> -> memref<1x10000x128xf32, #tpu.memory_space<hbm>>
        %dma_wait3A_81 = tpu.memref_squeeze %dma_wait3A_80 : memref<1x10000x128xf32, #tpu.memory_space<hbm>> -> memref<10000x128xf32, #tpu.memory_space<hbm>>
        %dma_wait3A_82 = arith.constant 0 : i32
        %dma_wait3A_83 = arith.constant 0 : i32
        %dma_wait3A_84 = tpu.memref_slice %dma_wait3A_81[%dma_wait3A_82, %dma_wait3A_83] : memref<10000x128xf32, #tpu.memory_space<hbm>> -> memref<10000x128xf32, #tpu.memory_space<hbm>>
        tpu.wait_indirect_dma semaphore(%arg12 : memref<!tpu.dma_semaphore, #tpu.memory_space<semaphore_mem>>) src(%dma_wait3A_84 : memref<10000x128xf32, #tpu.memory_space<hbm>>) dst(%arg10 : memref<96x128xf32, #tpu.memory_space<vmem>>)
        %dma_start3A_85 = arith.constant 0 : i32
        %dma_start3A_86 = tpu.memref_slice %arg9[%add3A_76, %dma_start3A_85] : memref<106x96xi32, #tpu.memory_space<vmem>> -> memref<1x96xi32, #tpu.memory_space<vmem>>
        %dma_start3A_87 = tpu.memref_squeeze %dma_start3A_86 : memref<1x96xi32, #tpu.memory_space<vmem>> -> memref<96xi32, #tpu.memory_space<vmem>>
        %dma_start3A_88 = arith.constant 0 : i32
        %dma_start3A_89 = arith.constant 0 : i32
        %dma_start3A_90 = tpu.memref_slice %arg7[%dma_start3A_88, %dma_start3A_89] : memref<10112x128xf32, #tpu.memory_space<vmem_shared>> -> memref<10112x128xf32, #tpu.memory_space<vmem_shared>>
        tpu.enqueue_indirect_dma source(%arg10 : memref<96x128xf32, #tpu.memory_space<vmem>>) target(%dma_start3A_90 : memref<10112x128xf32, #tpu.memory_space<vmem_shared>>) offsets(%dma_start3A_87 : memref<96xi32, #tpu.memory_space<vmem>>) semaphore(%arg14 : memref<!tpu.dma_semaphore, #tpu.memory_space<semaphore_mem>>) {add = true}
        %dma_wait3A_91 = arith.constant 0 : i32
        %dma_wait3A_92 = tpu.memref_slice %arg8[%dma_wait3A_91] : memref<10176xi32, #tpu.memory_space<vmem>> -> memref<96xi32, #tpu.memory_space<vmem>>
        %dma_wait3A_93 = arith.constant 0 : i32
        %dma_wait3A_94 = arith.constant 0 : i32
        %dma_wait3A_95 = tpu.memref_slice %arg2[%scan3A_61, %dma_wait3A_93, %dma_wait3A_94] : memref<4x10000x128xf32, #tpu.memory_space<hbm>> -> memref<1x10000x128xf32, #tpu.memory_space<hbm>>
        %dma_wait3A_96 = tpu.memref_squeeze %dma_wait3A_95 : memref<1x10000x128xf32, #tpu.memory_space<hbm>> -> memref<10000x128xf32, #tpu.memory_space<hbm>>
        %dma_wait3A_97 = arith.constant 0 : i32
        %dma_wait3A_98 = arith.constant 0 : i32
        %dma_wait3A_99 = tpu.memref_slice %dma_wait3A_96[%dma_wait3A_97, %dma_wait3A_98] : memref<10000x128xf32, #tpu.memory_space<hbm>> -> memref<10000x128xf32, #tpu.memory_space<hbm>>
        tpu.wait_indirect_dma semaphore(%arg13 : memref<!tpu.dma_semaphore, #tpu.memory_space<semaphore_mem>>) src(%dma_wait3A_99 : memref<10000x128xf32, #tpu.memory_space<hbm>>) dst(%arg11 : memref<96x128xf32, #tpu.memory_space<vmem>>)
        %add3A_100 = arith.constant 1 : i32
        %add3A_101 = arith.addi %add3A_76, %add3A_100 : i32
        %dma_start3A_102 = arith.constant 0 : i32
        %dma_start3A_103 = tpu.memref_slice %arg9[%add3A_101, %dma_start3A_102] : memref<106x96xi32, #tpu.memory_space<vmem>> -> memref<1x96xi32, #tpu.memory_space<vmem>>
        %dma_start3A_104 = tpu.memref_squeeze %dma_start3A_103 : memref<1x96xi32, #tpu.memory_space<vmem>> -> memref<96xi32, #tpu.memory_space<vmem>>
        %dma_start3A_105 = arith.constant 0 : i32
        %dma_start3A_106 = arith.constant 0 : i32
        %dma_start3A_107 = tpu.memref_slice %arg7[%dma_start3A_105, %dma_start3A_106] : memref<10112x128xf32, #tpu.memory_space<vmem_shared>> -> memref<10112x128xf32, #tpu.memory_space<vmem_shared>>
        tpu.enqueue_indirect_dma source(%arg11 : memref<96x128xf32, #tpu.memory_space<vmem>>) target(%dma_start3A_107 : memref<10112x128xf32, #tpu.memory_space<vmem_shared>>) offsets(%dma_start3A_104 : memref<96xi32, #tpu.memory_space<vmem>>) semaphore(%arg15 : memref<!tpu.dma_semaphore, #tpu.memory_space<semaphore_mem>>) {add = true}
        %dma_wait3A_108 = arith.constant 0 : i32
        %dma_wait3A_109 = tpu.memref_slice %arg9[%add3A_76, %dma_wait3A_108] : memref<106x96xi32, #tpu.memory_space<vmem>> -> memref<1x96xi32, #tpu.memory_space<vmem>>
        %dma_wait3A_110 = tpu.memref_squeeze %dma_wait3A_109 : memref<1x96xi32, #tpu.memory_space<vmem>> -> memref<96xi32, #tpu.memory_space<vmem>>
        %dma_wait3A_111 = arith.constant 0 : i32
        %dma_wait3A_112 = arith.constant 0 : i32
        %dma_wait3A_113 = tpu.memref_slice %arg7[%dma_wait3A_111, %dma_wait3A_112] : memref<10112x128xf32, #tpu.memory_space<vmem_shared>> -> memref<10112x128xf32, #tpu.memory_space<vmem_shared>>
        tpu.wait_indirect_dma semaphore(%arg14 : memref<!tpu.dma_semaphore, #tpu.memory_space<semaphore_mem>>) src(%arg10 : memref<96x128xf32, #tpu.memory_space<vmem>>) dst(%dma_wait3A_113 : memref<10112x128xf32, #tpu.memory_space<vmem_shared>>)
        %add3A_114 = arith.constant 2 : i32
        %add3A_115 = arith.addi %add3A_76, %add3A_114 : i32
        %lt3A = arith.constant 106 : i32
        %lt3A_116 = arith.cmpi slt, %add3A_115, %lt3A : i32
        %convert_element_type3A_117 = arith.extui %lt3A_116 : i1 to i32
        %cond3A_118 = arith.constant 0 : i32
        %cond3A_119 = arith.cmpi ne, %convert_element_type3A_117, %cond3A_118 : i32
        scf.if %cond3A_119 {
          %add3A_135 = arith.constant 2 : i32
          %add3A_136 = arith.addi %add3A_76, %add3A_135 : i32
          %mul3A_137 = arith.constant 96 : i32
          %mul3A_138 = arith.muli %add3A_136, %mul3A_137 : i32
          %dma_start3A_139 = tpu.memref_slice %arg8[%mul3A_138] : memref<10176xi32, #tpu.memory_space<vmem>> -> memref<96xi32, #tpu.memory_space<vmem>>
          %dma_start3A_140 = arith.constant 0 : i32
          %dma_start3A_141 = arith.constant 0 : i32
          %dma_start3A_142 = tpu.memref_slice %arg2[%scan3A_61, %dma_start3A_140, %dma_start3A_141] : memref<4x10000x128xf32, #tpu.memory_space<hbm>> -> memref<1x10000x128xf32, #tpu.memory_space<hbm>>
          %dma_start3A_143 = tpu.memref_squeeze %dma_start3A_142 : memref<1x10000x128xf32, #tpu.memory_space<hbm>> -> memref<10000x128xf32, #tpu.memory_space<hbm>>
          %dma_start3A_144 = arith.constant 0 : i32
          %dma_start3A_145 = arith.constant 0 : i32
          %dma_start3A_146 = tpu.memref_slice %dma_start3A_143[%dma_start3A_144, %dma_start3A_145] : memref<10000x128xf32, #tpu.memory_space<hbm>> -> memref<10000x128xf32, #tpu.memory_space<hbm>>
          tpu.enqueue_indirect_dma source(%dma_start3A_146 : memref<10000x128xf32, #tpu.memory_space<hbm>>) target(%arg10 : memref<96x128xf32, #tpu.memory_space<vmem>>) offsets(%dma_start3A_139 : memref<96xi32, #tpu.memory_space<vmem>>) semaphore(%arg12 : memref<!tpu.dma_semaphore, #tpu.memory_space<semaphore_mem>>)
        } else {
        }
        %add3A_120 = arith.constant 1 : i32
        %add3A_121 = arith.addi %add3A_76, %add3A_120 : i32
        %dma_wait3A_122 = arith.constant 0 : i32
        %dma_wait3A_123 = tpu.memref_slice %arg9[%add3A_121, %dma_wait3A_122] : memref<106x96xi32, #tpu.memory_space<vmem>> -> memref<1x96xi32, #tpu.memory_space<vmem>>
        %dma_wait3A_124 = tpu.memref_squeeze %dma_wait3A_123 : memref<1x96xi32, #tpu.memory_space<vmem>> -> memref<96xi32, #tpu.memory_space<vmem>>
        %dma_wait3A_125 = arith.constant 0 : i32
        %dma_wait3A_126 = arith.constant 0 : i32
        %dma_wait3A_127 = tpu.memref_slice %arg7[%dma_wait3A_125, %dma_wait3A_126] : memref<10112x128xf32, #tpu.memory_space<vmem_shared>> -> memref<10112x128xf32, #tpu.memory_space<vmem_shared>>
        tpu.wait_indirect_dma semaphore(%arg15 : memref<!tpu.dma_semaphore, #tpu.memory_space<semaphore_mem>>) src(%arg11 : memref<96x128xf32, #tpu.memory_space<vmem>>) dst(%dma_wait3A_127 : memref<10112x128xf32, #tpu.memory_space<vmem_shared>>)
        %add3A_128 = arith.constant 3 : i32
        %add3A_129 = arith.addi %add3A_76, %add3A_128 : i32
        %lt3A_130 = arith.constant 106 : i32
        %lt3A_131 = arith.cmpi slt, %add3A_129, %lt3A_130 : i32
        %convert_element_type3A_132 = arith.extui %lt3A_131 : i1 to i32
        %cond3A_133 = arith.constant 0 : i32
        %cond3A_134 = arith.cmpi ne, %convert_element_type3A_132, %cond3A_133 : i32
        scf.if %cond3A_134 {
          %add3A_135 = arith.constant 3 : i32
          %add3A_136 = arith.addi %add3A_76, %add3A_135 : i32
          %mul3A_137 = arith.constant 96 : i32
          %mul3A_138 = arith.muli %add3A_136, %mul3A_137 : i32
          %dma_start3A_139 = tpu.memref_slice %arg8[%mul3A_138] : memref<10176xi32, #tpu.memory_space<vmem>> -> memref<96xi32, #tpu.memory_space<vmem>>
          %dma_start3A_140 = arith.constant 0 : i32
          %dma_start3A_141 = arith.constant 0 : i32
          %dma_start3A_142 = tpu.memref_slice %arg2[%scan3A_61, %dma_start3A_140, %dma_start3A_141] : memref<4x10000x128xf32, #tpu.memory_space<hbm>> -> memref<1x10000x128xf32, #tpu.memory_space<hbm>>
          %dma_start3A_143 = tpu.memref_squeeze %dma_start3A_142 : memref<1x10000x128xf32, #tpu.memory_space<hbm>> -> memref<10000x128xf32, #tpu.memory_space<hbm>>
          %dma_start3A_144 = arith.constant 0 : i32
          %dma_start3A_145 = arith.constant 0 : i32
          %dma_start3A_146 = tpu.memref_slice %dma_start3A_143[%dma_start3A_144, %dma_start3A_145] : memref<10000x128xf32, #tpu.memory_space<hbm>> -> memref<10000x128xf32, #tpu.memory_space<hbm>>
          tpu.enqueue_indirect_dma source(%dma_start3A_146 : memref<10000x128xf32, #tpu.memory_space<hbm>>) target(%arg11 : memref<96x128xf32, #tpu.memory_space<vmem>>) offsets(%dma_start3A_139 : memref<96xi32, #tpu.memory_space<vmem>>) semaphore(%arg13 : memref<!tpu.dma_semaphore, #tpu.memory_space<semaphore_mem>>)
        } else {
        }
      }
      %scan3A_66 = arith.constant 53 : i32
      %barrier3A_67 = arith.constant 0 : index
      tpu.barrier barrier_id(%barrier3A_67)
      %mul3A_68 = arith.constant 632 : i32
      %mul3A_69 = arith.muli %arg1, %mul3A_68 : i32
      %mul3A_70 = arith.constant 632 : i32
      %mul3A_71 = arith.muli %arg1, %mul3A_70 : i32
      %run_scoped3A_72 = arith.constant 1 : i32
      "tpu.region"() ({
        %run_scoped3A_73 = tpu.sem_alloc : memref<!tpu.dma_semaphore, #tpu.memory_space<semaphore_mem>>
        %dma_start3A_74 = arith.constant 0 : i32
        %dma_start3A_75 = arith.constant 0 : i32
        %dma_start3A_76 = tpu.memref_slice %arg6[%run_scoped3A_72, %dma_start3A_74, %dma_start3A_75] : memref<4x10112x128xf32, #tpu.memory_space<hbm>> -> memref<1x10112x128xf32, #tpu.memory_space<hbm>>
        %dma_start3A_77 = tpu.memref_squeeze %dma_start3A_76 : memref<1x10112x128xf32, #tpu.memory_space<hbm>> -> memref<10112x128xf32, #tpu.memory_space<hbm>>
        %dma_start3A_78 = arith.constant 0 : i32
        %dma_start3A_79 = tpu.memref_slice %dma_start3A_77[%mul3A_71, %dma_start3A_78] : memref<10112x128xf32, #tpu.memory_space<hbm>> -> memref<632x128xf32, #tpu.memory_space<hbm>>
        %dma_start3A_80 = arith.constant 0 : i32
        %dma_start3A_81 = tpu.memref_slice %arg7[%mul3A_69, %dma_start3A_80] : memref<10112x128xf32, #tpu.memory_space<vmem_shared>> -> memref<632x128xf32, #tpu.memory_space<vmem_shared>>
        tpu.enqueue_dma source(%dma_start3A_81 : memref<632x128xf32, #tpu.memory_space<vmem_shared>>) target(%dma_start3A_79 : memref<632x128xf32, #tpu.memory_space<hbm>>) target_semaphore(%run_scoped3A_73 : memref<!tpu.dma_semaphore, #tpu.memory_space<semaphore_mem>>)
        %dma_wait3A = arith.constant 0 : i32
        %dma_wait3A_82 = arith.constant 0 : i32
        %dma_wait3A_83 = tpu.memref_slice %arg6[%run_scoped3A_72, %dma_wait3A, %dma_wait3A_82] : memref<4x10112x128xf32, #tpu.memory_space<hbm>> -> memref<1x10112x128xf32, #tpu.memory_space<hbm>>
        %dma_wait3A_84 = tpu.memref_squeeze %dma_wait3A_83 : memref<1x10112x128xf32, #tpu.memory_space<hbm>> -> memref<10112x128xf32, #tpu.memory_space<hbm>>
        %dma_wait3A_85 = arith.constant 0 : i32
        %dma_wait3A_86 = tpu.memref_slice %dma_wait3A_84[%mul3A_71, %dma_wait3A_85] : memref<10112x128xf32, #tpu.memory_space<hbm>> -> memref<632x128xf32, #tpu.memory_space<hbm>>
        %dma_wait3A_87 = arith.constant 0 : i32
        %dma_wait3A_88 = tpu.memref_slice %arg7[%mul3A_69, %dma_wait3A_87] : memref<10112x128xf32, #tpu.memory_space<vmem_shared>> -> memref<632x128xf32, #tpu.memory_space<vmem_shared>>
        tpu.wait_dma2 semaphore(%run_scoped3A_73 : memref<!tpu.dma_semaphore, #tpu.memory_space<semaphore_mem>>) src(%dma_wait3A_88 : memref<632x128xf32, #tpu.memory_space<vmem_shared>>) dst(%dma_wait3A_86 : memref<632x128xf32, #tpu.memory_space<hbm>>)
        tpu.yield
      }) : () -> ()
    } else {
    }
    %eq3A_2 = arith.constant 1 : i32
    %eq3A_3 = arith.cmpi eq, %arg0, %eq3A_2 : i32
    %convert_element_type3A_4 = arith.extui %eq3A_3 : i1 to i32
    %cond3A_5 = arith.constant 0 : i32
    %cond3A_6 = arith.cmpi ne, %convert_element_type3A_4, %cond3A_5 : i32
    scf.if %cond3A_6 {
      %mul3A = arith.constant 632 : i32
      %mul3A_7 = arith.muli %arg1, %mul3A : i32
      "tpu.region"() ({
        %run_scoped3A_73 = tpu.sem_alloc : memref<!tpu.dma_semaphore, #tpu.memory_space<semaphore_mem>>
        %dma_start3A_74 = arith.constant 0 : i32
        %dma_start3A_75 = tpu.memref_slice %arg7[%mul3A_7, %dma_start3A_74] : memref<10112x128xf32, #tpu.memory_space<vmem_shared>> -> memref<632x128xf32, #tpu.memory_space<vmem_shared>>
        tpu.enqueue_dma source(%arg5 : memref<632x128xf32, #tpu.memory_space<hbm>>) target(%dma_start3A_75 : memref<632x128xf32, #tpu.memory_space<vmem_shared>>) target_semaphore(%run_scoped3A_73 : memref<!tpu.dma_semaphore, #tpu.memory_space<semaphore_mem>>)
        %dma_wait3A = arith.constant 0 : i32
        %dma_wait3A_76 = tpu.memref_slice %arg7[%mul3A_7, %dma_wait3A] : memref<10112x128xf32, #tpu.memory_space<vmem_shared>> -> memref<632x128xf32, #tpu.memory_space<vmem_shared>>
        tpu.wait_dma2 semaphore(%run_scoped3A_73 : memref<!tpu.dma_semaphore, #tpu.memory_space<semaphore_mem>>) src(%arg5 : memref<632x128xf32, #tpu.memory_space<hbm>>) dst(%dma_wait3A_76 : memref<632x128xf32, #tpu.memory_space<vmem_shared>>)
        tpu.yield
      }) : () -> ()
      %barrier3A = arith.constant 0 : index
      tpu.barrier barrier_id(%barrier3A)
      %dma_start3A = arith.constant 2 : i32
      %dma_start3A_8 = arith.constant 0 : i32
      %dma_start3A_9 = tpu.memref_slice %arg8[%dma_start3A_8] : memref<10176xi32, #tpu.memory_space<vmem>> -> memref<96xi32, #tpu.memory_space<vmem>>
      %dma_start3A_10 = arith.constant 0 : i32
      %dma_start3A_11 = arith.constant 0 : i32
      %dma_start3A_12 = tpu.memref_slice %arg2[%dma_start3A, %dma_start3A_10, %dma_start3A_11] : memref<4x10000x128xf32, #tpu.memory_space<hbm>> -> memref<1x10000x128xf32, #tpu.memory_space<hbm>>
      %dma_start3A_13 = tpu.memref_squeeze %dma_start3A_12 : memref<1x10000x128xf32, #tpu.memory_space<hbm>> -> memref<10000x128xf32, #tpu.memory_space<hbm>>
      %dma_start3A_14 = arith.constant 0 : i32
      %dma_start3A_15 = arith.constant 0 : i32
      %dma_start3A_16 = tpu.memref_slice %dma_start3A_13[%dma_start3A_14, %dma_start3A_15] : memref<10000x128xf32, #tpu.memory_space<hbm>> -> memref<10000x128xf32, #tpu.memory_space<hbm>>
      tpu.enqueue_indirect_dma source(%dma_start3A_16 : memref<10000x128xf32, #tpu.memory_space<hbm>>) target(%arg10 : memref<96x128xf32, #tpu.memory_space<vmem>>) offsets(%dma_start3A_9 : memref<96xi32, #tpu.memory_space<vmem>>) semaphore(%arg12 : memref<!tpu.dma_semaphore, #tpu.memory_space<semaphore_mem>>)
      %dma_start3A_17 = arith.constant 2 : i32
      %dma_start3A_18 = arith.constant 96 : i32
      %dma_start3A_19 = tpu.memref_slice %arg8[%dma_start3A_18] : memref<10176xi32, #tpu.memory_space<vmem>> -> memref<96xi32, #tpu.memory_space<vmem>>
      %dma_start3A_20 = arith.constant 0 : i32
      %dma_start3A_21 = arith.constant 0 : i32
      %dma_start3A_22 = tpu.memref_slice %arg2[%dma_start3A_17, %dma_start3A_20, %dma_start3A_21] : memref<4x10000x128xf32, #tpu.memory_space<hbm>> -> memref<1x10000x128xf32, #tpu.memory_space<hbm>>
      %dma_start3A_23 = tpu.memref_squeeze %dma_start3A_22 : memref<1x10000x128xf32, #tpu.memory_space<hbm>> -> memref<10000x128xf32, #tpu.memory_space<hbm>>
      %dma_start3A_24 = arith.constant 0 : i32
      %dma_start3A_25 = arith.constant 0 : i32
      %dma_start3A_26 = tpu.memref_slice %dma_start3A_23[%dma_start3A_24, %dma_start3A_25] : memref<10000x128xf32, #tpu.memory_space<hbm>> -> memref<10000x128xf32, #tpu.memory_space<hbm>>
      tpu.enqueue_indirect_dma source(%dma_start3A_26 : memref<10000x128xf32, #tpu.memory_space<hbm>>) target(%arg11 : memref<96x128xf32, #tpu.memory_space<vmem>>) offsets(%dma_start3A_19 : memref<96xi32, #tpu.memory_space<vmem>>) semaphore(%arg13 : memref<!tpu.dma_semaphore, #tpu.memory_space<semaphore_mem>>)
      %scan3A = arith.constant 2 : i32
      %scan3A_27 = arith.constant 0 : i32
      %scan3A_28 = arith.constant 53 : i32
      %scan3A_29 = arith.addi %scan3A_27, %scan3A_28 : i32
      %scan3A_30 = arith.constant 1 : i32
      scf.for %scan3A_73 = %scan3A_27 to %scan3A_29 step %scan3A_30  : i32 {
        %mul3A_74 = arith.constant 2 : i32
        %mul3A_75 = arith.muli %scan3A_73, %mul3A_74 : i32
        %add3A = arith.constant 0 : i32
        %add3A_76 = arith.addi %add3A, %mul3A_75 : i32
        %dma_wait3A = arith.constant 0 : i32
        %dma_wait3A_77 = tpu.memref_slice %arg8[%dma_wait3A] : memref<10176xi32, #tpu.memory_space<vmem>> -> memref<96xi32, #tpu.memory_space<vmem>>
        %dma_wait3A_78 = arith.constant 0 : i32
        %dma_wait3A_79 = arith.constant 0 : i32
        %dma_wait3A_80 = tpu.memref_slice %arg2[%scan3A, %dma_wait3A_78, %dma_wait3A_79] : memref<4x10000x128xf32, #tpu.memory_space<hbm>> -> memref<1x10000x128xf32, #tpu.memory_space<hbm>>
        %dma_wait3A_81 = tpu.memref_squeeze %dma_wait3A_80 : memref<1x10000x128xf32, #tpu.memory_space<hbm>> -> memref<10000x128xf32, #tpu.memory_space<hbm>>
        %dma_wait3A_82 = arith.constant 0 : i32
        %dma_wait3A_83 = arith.constant 0 : i32
        %dma_wait3A_84 = tpu.memref_slice %dma_wait3A_81[%dma_wait3A_82, %dma_wait3A_83] : memref<10000x128xf32, #tpu.memory_space<hbm>> -> memref<10000x128xf32, #tpu.memory_space<hbm>>
        tpu.wait_indirect_dma semaphore(%arg12 : memref<!tpu.dma_semaphore, #tpu.memory_space<semaphore_mem>>) src(%dma_wait3A_84 : memref<10000x128xf32, #tpu.memory_space<hbm>>) dst(%arg10 : memref<96x128xf32, #tpu.memory_space<vmem>>)
        %dma_start3A_85 = arith.constant 0 : i32
        %dma_start3A_86 = tpu.memref_slice %arg9[%add3A_76, %dma_start3A_85] : memref<106x96xi32, #tpu.memory_space<vmem>> -> memref<1x96xi32, #tpu.memory_space<vmem>>
        %dma_start3A_87 = tpu.memref_squeeze %dma_start3A_86 : memref<1x96xi32, #tpu.memory_space<vmem>> -> memref<96xi32, #tpu.memory_space<vmem>>
        %dma_start3A_88 = arith.constant 0 : i32
        %dma_start3A_89 = arith.constant 0 : i32
        %dma_start3A_90 = tpu.memref_slice %arg7[%dma_start3A_88, %dma_start3A_89] : memref<10112x128xf32, #tpu.memory_space<vmem_shared>> -> memref<10112x128xf32, #tpu.memory_space<vmem_shared>>
        tpu.enqueue_indirect_dma source(%arg10 : memref<96x128xf32, #tpu.memory_space<vmem>>) target(%dma_start3A_90 : memref<10112x128xf32, #tpu.memory_space<vmem_shared>>) offsets(%dma_start3A_87 : memref<96xi32, #tpu.memory_space<vmem>>) semaphore(%arg14 : memref<!tpu.dma_semaphore, #tpu.memory_space<semaphore_mem>>) {add = true}
        %dma_wait3A_91 = arith.constant 0 : i32
        %dma_wait3A_92 = tpu.memref_slice %arg8[%dma_wait3A_91] : memref<10176xi32, #tpu.memory_space<vmem>> -> memref<96xi32, #tpu.memory_space<vmem>>
        %dma_wait3A_93 = arith.constant 0 : i32
        %dma_wait3A_94 = arith.constant 0 : i32
        %dma_wait3A_95 = tpu.memref_slice %arg2[%scan3A, %dma_wait3A_93, %dma_wait3A_94] : memref<4x10000x128xf32, #tpu.memory_space<hbm>> -> memref<1x10000x128xf32, #tpu.memory_space<hbm>>
        %dma_wait3A_96 = tpu.memref_squeeze %dma_wait3A_95 : memref<1x10000x128xf32, #tpu.memory_space<hbm>> -> memref<10000x128xf32, #tpu.memory_space<hbm>>
        %dma_wait3A_97 = arith.constant 0 : i32
        %dma_wait3A_98 = arith.constant 0 : i32
        %dma_wait3A_99 = tpu.memref_slice %dma_wait3A_96[%dma_wait3A_97, %dma_wait3A_98] : memref<10000x128xf32, #tpu.memory_space<hbm>> -> memref<10000x128xf32, #tpu.memory_space<hbm>>
        tpu.wait_indirect_dma semaphore(%arg13 : memref<!tpu.dma_semaphore, #tpu.memory_space<semaphore_mem>>) src(%dma_wait3A_99 : memref<10000x128xf32, #tpu.memory_space<hbm>>) dst(%arg11 : memref<96x128xf32, #tpu.memory_space<vmem>>)
        %add3A_100 = arith.constant 1 : i32
        %add3A_101 = arith.addi %add3A_76, %add3A_100 : i32
        %dma_start3A_102 = arith.constant 0 : i32
        %dma_start3A_103 = tpu.memref_slice %arg9[%add3A_101, %dma_start3A_102] : memref<106x96xi32, #tpu.memory_space<vmem>> -> memref<1x96xi32, #tpu.memory_space<vmem>>
        %dma_start3A_104 = tpu.memref_squeeze %dma_start3A_103 : memref<1x96xi32, #tpu.memory_space<vmem>> -> memref<96xi32, #tpu.memory_space<vmem>>
        %dma_start3A_105 = arith.constant 0 : i32
        %dma_start3A_106 = arith.constant 0 : i32
        %dma_start3A_107 = tpu.memref_slice %arg7[%dma_start3A_105, %dma_start3A_106] : memref<10112x128xf32, #tpu.memory_space<vmem_shared>> -> memref<10112x128xf32, #tpu.memory_space<vmem_shared>>
        tpu.enqueue_indirect_dma source(%arg11 : memref<96x128xf32, #tpu.memory_space<vmem>>) target(%dma_start3A_107 : memref<10112x128xf32, #tpu.memory_space<vmem_shared>>) offsets(%dma_start3A_104 : memref<96xi32, #tpu.memory_space<vmem>>) semaphore(%arg15 : memref<!tpu.dma_semaphore, #tpu.memory_space<semaphore_mem>>) {add = true}
        %dma_wait3A_108 = arith.constant 0 : i32
        %dma_wait3A_109 = tpu.memref_slice %arg9[%add3A_76, %dma_wait3A_108] : memref<106x96xi32, #tpu.memory_space<vmem>> -> memref<1x96xi32, #tpu.memory_space<vmem>>
        %dma_wait3A_110 = tpu.memref_squeeze %dma_wait3A_109 : memref<1x96xi32, #tpu.memory_space<vmem>> -> memref<96xi32, #tpu.memory_space<vmem>>
        %dma_wait3A_111 = arith.constant 0 : i32
        %dma_wait3A_112 = arith.constant 0 : i32
        %dma_wait3A_113 = tpu.memref_slice %arg7[%dma_wait3A_111, %dma_wait3A_112] : memref<10112x128xf32, #tpu.memory_space<vmem_shared>> -> memref<10112x128xf32, #tpu.memory_space<vmem_shared>>
        tpu.wait_indirect_dma semaphore(%arg14 : memref<!tpu.dma_semaphore, #tpu.memory_space<semaphore_mem>>) src(%arg10 : memref<96x128xf32, #tpu.memory_space<vmem>>) dst(%dma_wait3A_113 : memref<10112x128xf32, #tpu.memory_space<vmem_shared>>)
        %add3A_114 = arith.constant 2 : i32
        %add3A_115 = arith.addi %add3A_76, %add3A_114 : i32
        %lt3A = arith.constant 106 : i32
        %lt3A_116 = arith.cmpi slt, %add3A_115, %lt3A : i32
        %convert_element_type3A_117 = arith.extui %lt3A_116 : i1 to i32
        %cond3A_118 = arith.constant 0 : i32
        %cond3A_119 = arith.cmpi ne, %convert_element_type3A_117, %cond3A_118 : i32
        scf.if %cond3A_119 {
          %add3A_135 = arith.constant 2 : i32
          %add3A_136 = arith.addi %add3A_76, %add3A_135 : i32
          %mul3A_137 = arith.constant 96 : i32
          %mul3A_138 = arith.muli %add3A_136, %mul3A_137 : i32
          %dma_start3A_139 = tpu.memref_slice %arg8[%mul3A_138] : memref<10176xi32, #tpu.memory_space<vmem>> -> memref<96xi32, #tpu.memory_space<vmem>>
          %dma_start3A_140 = arith.constant 0 : i32
          %dma_start3A_141 = arith.constant 0 : i32
          %dma_start3A_142 = tpu.memref_slice %arg2[%scan3A, %dma_start3A_140, %dma_start3A_141] : memref<4x10000x128xf32, #tpu.memory_space<hbm>> -> memref<1x10000x128xf32, #tpu.memory_space<hbm>>
          %dma_start3A_143 = tpu.memref_squeeze %dma_start3A_142 : memref<1x10000x128xf32, #tpu.memory_space<hbm>> -> memref<10000x128xf32, #tpu.memory_space<hbm>>
          %dma_start3A_144 = arith.constant 0 : i32
          %dma_start3A_145 = arith.constant 0 : i32
          %dma_start3A_146 = tpu.memref_slice %dma_start3A_143[%dma_start3A_144, %dma_start3A_145] : memref<10000x128xf32, #tpu.memory_space<hbm>> -> memref<10000x128xf32, #tpu.memory_space<hbm>>
          tpu.enqueue_indirect_dma source(%dma_start3A_146 : memref<10000x128xf32, #tpu.memory_space<hbm>>) target(%arg10 : memref<96x128xf32, #tpu.memory_space<vmem>>) offsets(%dma_start3A_139 : memref<96xi32, #tpu.memory_space<vmem>>) semaphore(%arg12 : memref<!tpu.dma_semaphore, #tpu.memory_space<semaphore_mem>>)
        } else {
        }
        %add3A_120 = arith.constant 1 : i32
        %add3A_121 = arith.addi %add3A_76, %add3A_120 : i32
        %dma_wait3A_122 = arith.constant 0 : i32
        %dma_wait3A_123 = tpu.memref_slice %arg9[%add3A_121, %dma_wait3A_122] : memref<106x96xi32, #tpu.memory_space<vmem>> -> memref<1x96xi32, #tpu.memory_space<vmem>>
        %dma_wait3A_124 = tpu.memref_squeeze %dma_wait3A_123 : memref<1x96xi32, #tpu.memory_space<vmem>> -> memref<96xi32, #tpu.memory_space<vmem>>
        %dma_wait3A_125 = arith.constant 0 : i32
        %dma_wait3A_126 = arith.constant 0 : i32
        %dma_wait3A_127 = tpu.memref_slice %arg7[%dma_wait3A_125, %dma_wait3A_126] : memref<10112x128xf32, #tpu.memory_space<vmem_shared>> -> memref<10112x128xf32, #tpu.memory_space<vmem_shared>>
        tpu.wait_indirect_dma semaphore(%arg15 : memref<!tpu.dma_semaphore, #tpu.memory_space<semaphore_mem>>) src(%arg11 : memref<96x128xf32, #tpu.memory_space<vmem>>) dst(%dma_wait3A_127 : memref<10112x128xf32, #tpu.memory_space<vmem_shared>>)
        %add3A_128 = arith.constant 3 : i32
        %add3A_129 = arith.addi %add3A_76, %add3A_128 : i32
        %lt3A_130 = arith.constant 106 : i32
        %lt3A_131 = arith.cmpi slt, %add3A_129, %lt3A_130 : i32
        %convert_element_type3A_132 = arith.extui %lt3A_131 : i1 to i32
        %cond3A_133 = arith.constant 0 : i32
        %cond3A_134 = arith.cmpi ne, %convert_element_type3A_132, %cond3A_133 : i32
        scf.if %cond3A_134 {
          %add3A_135 = arith.constant 3 : i32
          %add3A_136 = arith.addi %add3A_76, %add3A_135 : i32
          %mul3A_137 = arith.constant 96 : i32
          %mul3A_138 = arith.muli %add3A_136, %mul3A_137 : i32
          %dma_start3A_139 = tpu.memref_slice %arg8[%mul3A_138] : memref<10176xi32, #tpu.memory_space<vmem>> -> memref<96xi32, #tpu.memory_space<vmem>>
          %dma_start3A_140 = arith.constant 0 : i32
          %dma_start3A_141 = arith.constant 0 : i32
          %dma_start3A_142 = tpu.memref_slice %arg2[%scan3A, %dma_start3A_140, %dma_start3A_141] : memref<4x10000x128xf32, #tpu.memory_space<hbm>> -> memref<1x10000x128xf32, #tpu.memory_space<hbm>>
          %dma_start3A_143 = tpu.memref_squeeze %dma_start3A_142 : memref<1x10000x128xf32, #tpu.memory_space<hbm>> -> memref<10000x128xf32, #tpu.memory_space<hbm>>
          %dma_start3A_144 = arith.constant 0 : i32
          %dma_start3A_145 = arith.constant 0 : i32
          %dma_start3A_146 = tpu.memref_slice %dma_start3A_143[%dma_start3A_144, %dma_start3A_145] : memref<10000x128xf32, #tpu.memory_space<hbm>> -> memref<10000x128xf32, #tpu.memory_space<hbm>>
          tpu.enqueue_indirect_dma source(%dma_start3A_146 : memref<10000x128xf32, #tpu.memory_space<hbm>>) target(%arg11 : memref<96x128xf32, #tpu.memory_space<vmem>>) offsets(%dma_start3A_139 : memref<96xi32, #tpu.memory_space<vmem>>) semaphore(%arg13 : memref<!tpu.dma_semaphore, #tpu.memory_space<semaphore_mem>>)
        } else {
        }
      }
      %scan3A_31 = arith.constant 53 : i32
      %barrier3A_32 = arith.constant 0 : index
      tpu.barrier barrier_id(%barrier3A_32)
      %mul3A_33 = arith.constant 632 : i32
      %mul3A_34 = arith.muli %arg1, %mul3A_33 : i32
      %mul3A_35 = arith.constant 632 : i32
      %mul3A_36 = arith.muli %arg1, %mul3A_35 : i32
      %run_scoped3A = arith.constant 2 : i32
      "tpu.region"() ({
        %run_scoped3A_73 = tpu.sem_alloc : memref<!tpu.dma_semaphore, #tpu.memory_space<semaphore_mem>>
        %dma_start3A_74 = arith.constant 0 : i32
        %dma_start3A_75 = arith.constant 0 : i32
        %dma_start3A_76 = tpu.memref_slice %arg6[%run_scoped3A, %dma_start3A_74, %dma_start3A_75] : memref<4x10112x128xf32, #tpu.memory_space<hbm>> -> memref<1x10112x128xf32, #tpu.memory_space<hbm>>
        %dma_start3A_77 = tpu.memref_squeeze %dma_start3A_76 : memref<1x10112x128xf32, #tpu.memory_space<hbm>> -> memref<10112x128xf32, #tpu.memory_space<hbm>>
        %dma_start3A_78 = arith.constant 0 : i32
        %dma_start3A_79 = tpu.memref_slice %dma_start3A_77[%mul3A_36, %dma_start3A_78] : memref<10112x128xf32, #tpu.memory_space<hbm>> -> memref<632x128xf32, #tpu.memory_space<hbm>>
        %dma_start3A_80 = arith.constant 0 : i32
        %dma_start3A_81 = tpu.memref_slice %arg7[%mul3A_34, %dma_start3A_80] : memref<10112x128xf32, #tpu.memory_space<vmem_shared>> -> memref<632x128xf32, #tpu.memory_space<vmem_shared>>
        tpu.enqueue_dma source(%dma_start3A_81 : memref<632x128xf32, #tpu.memory_space<vmem_shared>>) target(%dma_start3A_79 : memref<632x128xf32, #tpu.memory_space<hbm>>) target_semaphore(%run_scoped3A_73 : memref<!tpu.dma_semaphore, #tpu.memory_space<semaphore_mem>>)
        %dma_wait3A = arith.constant 0 : i32
        %dma_wait3A_82 = arith.constant 0 : i32
        %dma_wait3A_83 = tpu.memref_slice %arg6[%run_scoped3A, %dma_wait3A, %dma_wait3A_82] : memref<4x10112x128xf32, #tpu.memory_space<hbm>> -> memref<1x10112x128xf32, #tpu.memory_space<hbm>>
        %dma_wait3A_84 = tpu.memref_squeeze %dma_wait3A_83 : memref<1x10112x128xf32, #tpu.memory_space<hbm>> -> memref<10112x128xf32, #tpu.memory_space<hbm>>
        %dma_wait3A_85 = arith.constant 0 : i32
        %dma_wait3A_86 = tpu.memref_slice %dma_wait3A_84[%mul3A_36, %dma_wait3A_85] : memref<10112x128xf32, #tpu.memory_space<hbm>> -> memref<632x128xf32, #tpu.memory_space<hbm>>
        %dma_wait3A_87 = arith.constant 0 : i32
        %dma_wait3A_88 = tpu.memref_slice %arg7[%mul3A_34, %dma_wait3A_87] : memref<10112x128xf32, #tpu.memory_space<vmem_shared>> -> memref<632x128xf32, #tpu.memory_space<vmem_shared>>
        tpu.wait_dma2 semaphore(%run_scoped3A_73 : memref<!tpu.dma_semaphore, #tpu.memory_space<semaphore_mem>>) src(%dma_wait3A_88 : memref<632x128xf32, #tpu.memory_space<vmem_shared>>) dst(%dma_wait3A_86 : memref<632x128xf32, #tpu.memory_space<hbm>>)
        tpu.yield
      }) : () -> ()
      %barrier3A_37 = arith.constant 0 : index
      tpu.barrier barrier_id(%barrier3A_37)
      %mul3A_38 = arith.constant 632 : i32
      %mul3A_39 = arith.muli %arg1, %mul3A_38 : i32
      "tpu.region"() ({
        %run_scoped3A_73 = tpu.sem_alloc : memref<!tpu.dma_semaphore, #tpu.memory_space<semaphore_mem>>
        %dma_start3A_74 = arith.constant 0 : i32
        %dma_start3A_75 = tpu.memref_slice %arg7[%mul3A_39, %dma_start3A_74] : memref<10112x128xf32, #tpu.memory_space<vmem_shared>> -> memref<632x128xf32, #tpu.memory_space<vmem_shared>>
        tpu.enqueue_dma source(%arg5 : memref<632x128xf32, #tpu.memory_space<hbm>>) target(%dma_start3A_75 : memref<632x128xf32, #tpu.memory_space<vmem_shared>>) target_semaphore(%run_scoped3A_73 : memref<!tpu.dma_semaphore, #tpu.memory_space<semaphore_mem>>)
        %dma_wait3A = arith.constant 0 : i32
        %dma_wait3A_76 = tpu.memref_slice %arg7[%mul3A_39, %dma_wait3A] : memref<10112x128xf32, #tpu.memory_space<vmem_shared>> -> memref<632x128xf32, #tpu.memory_space<vmem_shared>>
        tpu.wait_dma2 semaphore(%run_scoped3A_73 : memref<!tpu.dma_semaphore, #tpu.memory_space<semaphore_mem>>) src(%arg5 : memref<632x128xf32, #tpu.memory_space<hbm>>) dst(%dma_wait3A_76 : memref<632x128xf32, #tpu.memory_space<vmem_shared>>)
        tpu.yield
      }) : () -> ()
      %barrier3A_40 = arith.constant 0 : index
      tpu.barrier barrier_id(%barrier3A_40)
      %dma_start3A_41 = arith.constant 3 : i32
      %dma_start3A_42 = arith.constant 0 : i32
      %dma_start3A_43 = tpu.memref_slice %arg8[%dma_start3A_42] : memref<10176xi32, #tpu.memory_space<vmem>> -> memref<96xi32, #tpu.memory_space<vmem>>
      %dma_start3A_44 = arith.constant 0 : i32
      %dma_start3A_45 = arith.constant 0 : i32
      %dma_start3A_46 = tpu.memref_slice %arg2[%dma_start3A_41, %dma_start3A_44, %dma_start3A_45] : memref<4x10000x128xf32, #tpu.memory_space<hbm>> -> memref<1x10000x128xf32, #tpu.memory_space<hbm>>
      %dma_start3A_47 = tpu.memref_squeeze %dma_start3A_46 : memref<1x10000x128xf32, #tpu.memory_space<hbm>> -> memref<10000x128xf32, #tpu.memory_space<hbm>>
      %dma_start3A_48 = arith.constant 0 : i32
      %dma_start3A_49 = arith.constant 0 : i32
      %dma_start3A_50 = tpu.memref_slice %dma_start3A_47[%dma_start3A_48, %dma_start3A_49] : memref<10000x128xf32, #tpu.memory_space<hbm>> -> memref<10000x128xf32, #tpu.memory_space<hbm>>
      tpu.enqueue_indirect_dma source(%dma_start3A_50 : memref<10000x128xf32, #tpu.memory_space<hbm>>) target(%arg10 : memref<96x128xf32, #tpu.memory_space<vmem>>) offsets(%dma_start3A_43 : memref<96xi32, #tpu.memory_space<vmem>>) semaphore(%arg12 : memref<!tpu.dma_semaphore, #tpu.memory_space<semaphore_mem>>)
      %dma_start3A_51 = arith.constant 3 : i32
      %dma_start3A_52 = arith.constant 96 : i32
      %dma_start3A_53 = tpu.memref_slice %arg8[%dma_start3A_52] : memref<10176xi32, #tpu.memory_space<vmem>> -> memref<96xi32, #tpu.memory_space<vmem>>
      %dma_start3A_54 = arith.constant 0 : i32
      %dma_start3A_55 = arith.constant 0 : i32
      %dma_start3A_56 = tpu.memref_slice %arg2[%dma_start3A_51, %dma_start3A_54, %dma_start3A_55] : memref<4x10000x128xf32, #tpu.memory_space<hbm>> -> memref<1x10000x128xf32, #tpu.memory_space<hbm>>
      %dma_start3A_57 = tpu.memref_squeeze %dma_start3A_56 : memref<1x10000x128xf32, #tpu.memory_space<hbm>> -> memref<10000x128xf32, #tpu.memory_space<hbm>>
      %dma_start3A_58 = arith.constant 0 : i32
      %dma_start3A_59 = arith.constant 0 : i32
      %dma_start3A_60 = tpu.memref_slice %dma_start3A_57[%dma_start3A_58, %dma_start3A_59] : memref<10000x128xf32, #tpu.memory_space<hbm>> -> memref<10000x128xf32, #tpu.memory_space<hbm>>
      tpu.enqueue_indirect_dma source(%dma_start3A_60 : memref<10000x128xf32, #tpu.memory_space<hbm>>) target(%arg11 : memref<96x128xf32, #tpu.memory_space<vmem>>) offsets(%dma_start3A_53 : memref<96xi32, #tpu.memory_space<vmem>>) semaphore(%arg13 : memref<!tpu.dma_semaphore, #tpu.memory_space<semaphore_mem>>)
      %scan3A_61 = arith.constant 3 : i32
      %scan3A_62 = arith.constant 0 : i32
      %scan3A_63 = arith.constant 53 : i32
      %scan3A_64 = arith.addi %scan3A_62, %scan3A_63 : i32
      %scan3A_65 = arith.constant 1 : i32
      scf.for %scan3A_73 = %scan3A_62 to %scan3A_64 step %scan3A_65  : i32 {
        %mul3A_74 = arith.constant 2 : i32
        %mul3A_75 = arith.muli %scan3A_73, %mul3A_74 : i32
        %add3A = arith.constant 0 : i32
        %add3A_76 = arith.addi %add3A, %mul3A_75 : i32
        %dma_wait3A = arith.constant 0 : i32
        %dma_wait3A_77 = tpu.memref_slice %arg8[%dma_wait3A] : memref<10176xi32, #tpu.memory_space<vmem>> -> memref<96xi32, #tpu.memory_space<vmem>>
        %dma_wait3A_78 = arith.constant 0 : i32
        %dma_wait3A_79 = arith.constant 0 : i32
        %dma_wait3A_80 = tpu.memref_slice %arg2[%scan3A_61, %dma_wait3A_78, %dma_wait3A_79] : memref<4x10000x128xf32, #tpu.memory_space<hbm>> -> memref<1x10000x128xf32, #tpu.memory_space<hbm>>
        %dma_wait3A_81 = tpu.memref_squeeze %dma_wait3A_80 : memref<1x10000x128xf32, #tpu.memory_space<hbm>> -> memref<10000x128xf32, #tpu.memory_space<hbm>>
        %dma_wait3A_82 = arith.constant 0 : i32
        %dma_wait3A_83 = arith.constant 0 : i32
        %dma_wait3A_84 = tpu.memref_slice %dma_wait3A_81[%dma_wait3A_82, %dma_wait3A_83] : memref<10000x128xf32, #tpu.memory_space<hbm>> -> memref<10000x128xf32, #tpu.memory_space<hbm>>
        tpu.wait_indirect_dma semaphore(%arg12 : memref<!tpu.dma_semaphore, #tpu.memory_space<semaphore_mem>>) src(%dma_wait3A_84 : memref<10000x128xf32, #tpu.memory_space<hbm>>) dst(%arg10 : memref<96x128xf32, #tpu.memory_space<vmem>>)
        %dma_start3A_85 = arith.constant 0 : i32
        %dma_start3A_86 = tpu.memref_slice %arg9[%add3A_76, %dma_start3A_85] : memref<106x96xi32, #tpu.memory_space<vmem>> -> memref<1x96xi32, #tpu.memory_space<vmem>>
        %dma_start3A_87 = tpu.memref_squeeze %dma_start3A_86 : memref<1x96xi32, #tpu.memory_space<vmem>> -> memref<96xi32, #tpu.memory_space<vmem>>
        %dma_start3A_88 = arith.constant 0 : i32
        %dma_start3A_89 = arith.constant 0 : i32
        %dma_start3A_90 = tpu.memref_slice %arg7[%dma_start3A_88, %dma_start3A_89] : memref<10112x128xf32, #tpu.memory_space<vmem_shared>> -> memref<10112x128xf32, #tpu.memory_space<vmem_shared>>
        tpu.enqueue_indirect_dma source(%arg10 : memref<96x128xf32, #tpu.memory_space<vmem>>) target(%dma_start3A_90 : memref<10112x128xf32, #tpu.memory_space<vmem_shared>>) offsets(%dma_start3A_87 : memref<96xi32, #tpu.memory_space<vmem>>) semaphore(%arg14 : memref<!tpu.dma_semaphore, #tpu.memory_space<semaphore_mem>>) {add = true}
        %dma_wait3A_91 = arith.constant 0 : i32
        %dma_wait3A_92 = tpu.memref_slice %arg8[%dma_wait3A_91] : memref<10176xi32, #tpu.memory_space<vmem>> -> memref<96xi32, #tpu.memory_space<vmem>>
        %dma_wait3A_93 = arith.constant 0 : i32
        %dma_wait3A_94 = arith.constant 0 : i32
        %dma_wait3A_95 = tpu.memref_slice %arg2[%scan3A_61, %dma_wait3A_93, %dma_wait3A_94] : memref<4x10000x128xf32, #tpu.memory_space<hbm>> -> memref<1x10000x128xf32, #tpu.memory_space<hbm>>
        %dma_wait3A_96 = tpu.memref_squeeze %dma_wait3A_95 : memref<1x10000x128xf32, #tpu.memory_space<hbm>> -> memref<10000x128xf32, #tpu.memory_space<hbm>>
        %dma_wait3A_97 = arith.constant 0 : i32
        %dma_wait3A_98 = arith.constant 0 : i32
        %dma_wait3A_99 = tpu.memref_slice %dma_wait3A_96[%dma_wait3A_97, %dma_wait3A_98] : memref<10000x128xf32, #tpu.memory_space<hbm>> -> memref<10000x128xf32, #tpu.memory_space<hbm>>
        tpu.wait_indirect_dma semaphore(%arg13 : memref<!tpu.dma_semaphore, #tpu.memory_space<semaphore_mem>>) src(%dma_wait3A_99 : memref<10000x128xf32, #tpu.memory_space<hbm>>) dst(%arg11 : memref<96x128xf32, #tpu.memory_space<vmem>>)
        %add3A_100 = arith.constant 1 : i32
        %add3A_101 = arith.addi %add3A_76, %add3A_100 : i32
        %dma_start3A_102 = arith.constant 0 : i32
        %dma_start3A_103 = tpu.memref_slice %arg9[%add3A_101, %dma_start3A_102] : memref<106x96xi32, #tpu.memory_space<vmem>> -> memref<1x96xi32, #tpu.memory_space<vmem>>
        %dma_start3A_104 = tpu.memref_squeeze %dma_start3A_103 : memref<1x96xi32, #tpu.memory_space<vmem>> -> memref<96xi32, #tpu.memory_space<vmem>>
        %dma_start3A_105 = arith.constant 0 : i32
        %dma_start3A_106 = arith.constant 0 : i32
        %dma_start3A_107 = tpu.memref_slice %arg7[%dma_start3A_105, %dma_start3A_106] : memref<10112x128xf32, #tpu.memory_space<vmem_shared>> -> memref<10112x128xf32, #tpu.memory_space<vmem_shared>>
        tpu.enqueue_indirect_dma source(%arg11 : memref<96x128xf32, #tpu.memory_space<vmem>>) target(%dma_start3A_107 : memref<10112x128xf32, #tpu.memory_space<vmem_shared>>) offsets(%dma_start3A_104 : memref<96xi32, #tpu.memory_space<vmem>>) semaphore(%arg15 : memref<!tpu.dma_semaphore, #tpu.memory_space<semaphore_mem>>) {add = true}
        %dma_wait3A_108 = arith.constant 0 : i32
        %dma_wait3A_109 = tpu.memref_slice %arg9[%add3A_76, %dma_wait3A_108] : memref<106x96xi32, #tpu.memory_space<vmem>> -> memref<1x96xi32, #tpu.memory_space<vmem>>
        %dma_wait3A_110 = tpu.memref_squeeze %dma_wait3A_109 : memref<1x96xi32, #tpu.memory_space<vmem>> -> memref<96xi32, #tpu.memory_space<vmem>>
        %dma_wait3A_111 = arith.constant 0 : i32
        %dma_wait3A_112 = arith.constant 0 : i32
        %dma_wait3A_113 = tpu.memref_slice %arg7[%dma_wait3A_111, %dma_wait3A_112] : memref<10112x128xf32, #tpu.memory_space<vmem_shared>> -> memref<10112x128xf32, #tpu.memory_space<vmem_shared>>
        tpu.wait_indirect_dma semaphore(%arg14 : memref<!tpu.dma_semaphore, #tpu.memory_space<semaphore_mem>>) src(%arg10 : memref<96x128xf32, #tpu.memory_space<vmem>>) dst(%dma_wait3A_113 : memref<10112x128xf32, #tpu.memory_space<vmem_shared>>)
        %add3A_114 = arith.constant 2 : i32
        %add3A_115 = arith.addi %add3A_76, %add3A_114 : i32
        %lt3A = arith.constant 106 : i32
        %lt3A_116 = arith.cmpi slt, %add3A_115, %lt3A : i32
        %convert_element_type3A_117 = arith.extui %lt3A_116 : i1 to i32
        %cond3A_118 = arith.constant 0 : i32
        %cond3A_119 = arith.cmpi ne, %convert_element_type3A_117, %cond3A_118 : i32
        scf.if %cond3A_119 {
          %add3A_135 = arith.constant 2 : i32
          %add3A_136 = arith.addi %add3A_76, %add3A_135 : i32
          %mul3A_137 = arith.constant 96 : i32
          %mul3A_138 = arith.muli %add3A_136, %mul3A_137 : i32
          %dma_start3A_139 = tpu.memref_slice %arg8[%mul3A_138] : memref<10176xi32, #tpu.memory_space<vmem>> -> memref<96xi32, #tpu.memory_space<vmem>>
          %dma_start3A_140 = arith.constant 0 : i32
          %dma_start3A_141 = arith.constant 0 : i32
          %dma_start3A_142 = tpu.memref_slice %arg2[%scan3A_61, %dma_start3A_140, %dma_start3A_141] : memref<4x10000x128xf32, #tpu.memory_space<hbm>> -> memref<1x10000x128xf32, #tpu.memory_space<hbm>>
          %dma_start3A_143 = tpu.memref_squeeze %dma_start3A_142 : memref<1x10000x128xf32, #tpu.memory_space<hbm>> -> memref<10000x128xf32, #tpu.memory_space<hbm>>
          %dma_start3A_144 = arith.constant 0 : i32
          %dma_start3A_145 = arith.constant 0 : i32
          %dma_start3A_146 = tpu.memref_slice %dma_start3A_143[%dma_start3A_144, %dma_start3A_145] : memref<10000x128xf32, #tpu.memory_space<hbm>> -> memref<10000x128xf32, #tpu.memory_space<hbm>>
          tpu.enqueue_indirect_dma source(%dma_start3A_146 : memref<10000x128xf32, #tpu.memory_space<hbm>>) target(%arg10 : memref<96x128xf32, #tpu.memory_space<vmem>>) offsets(%dma_start3A_139 : memref<96xi32, #tpu.memory_space<vmem>>) semaphore(%arg12 : memref<!tpu.dma_semaphore, #tpu.memory_space<semaphore_mem>>)
        } else {
        }
        %add3A_120 = arith.constant 1 : i32
        %add3A_121 = arith.addi %add3A_76, %add3A_120 : i32
        %dma_wait3A_122 = arith.constant 0 : i32
        %dma_wait3A_123 = tpu.memref_slice %arg9[%add3A_121, %dma_wait3A_122] : memref<106x96xi32, #tpu.memory_space<vmem>> -> memref<1x96xi32, #tpu.memory_space<vmem>>
        %dma_wait3A_124 = tpu.memref_squeeze %dma_wait3A_123 : memref<1x96xi32, #tpu.memory_space<vmem>> -> memref<96xi32, #tpu.memory_space<vmem>>
        %dma_wait3A_125 = arith.constant 0 : i32
        %dma_wait3A_126 = arith.constant 0 : i32
        %dma_wait3A_127 = tpu.memref_slice %arg7[%dma_wait3A_125, %dma_wait3A_126] : memref<10112x128xf32, #tpu.memory_space<vmem_shared>> -> memref<10112x128xf32, #tpu.memory_space<vmem_shared>>
        tpu.wait_indirect_dma semaphore(%arg15 : memref<!tpu.dma_semaphore, #tpu.memory_space<semaphore_mem>>) src(%arg11 : memref<96x128xf32, #tpu.memory_space<vmem>>) dst(%dma_wait3A_127 : memref<10112x128xf32, #tpu.memory_space<vmem_shared>>)
        %add3A_128 = arith.constant 3 : i32
        %add3A_129 = arith.addi %add3A_76, %add3A_128 : i32
        %lt3A_130 = arith.constant 106 : i32
        %lt3A_131 = arith.cmpi slt, %add3A_129, %lt3A_130 : i32
        %convert_element_type3A_132 = arith.extui %lt3A_131 : i1 to i32
        %cond3A_133 = arith.constant 0 : i32
        %cond3A_134 = arith.cmpi ne, %convert_element_type3A_132, %cond3A_133 : i32
        scf.if %cond3A_134 {
          %add3A_135 = arith.constant 3 : i32
          %add3A_136 = arith.addi %add3A_76, %add3A_135 : i32
          %mul3A_137 = arith.constant 96 : i32
          %mul3A_138 = arith.muli %add3A_136, %mul3A_137 : i32
          %dma_start3A_139 = tpu.memref_slice %arg8[%mul3A_138] : memref<10176xi32, #tpu.memory_space<vmem>> -> memref<96xi32, #tpu.memory_space<vmem>>
          %dma_start3A_140 = arith.constant 0 : i32
          %dma_start3A_141 = arith.constant 0 : i32
          %dma_start3A_142 = tpu.memref_slice %arg2[%scan3A_61, %dma_start3A_140, %dma_start3A_141] : memref<4x10000x128xf32, #tpu.memory_space<hbm>> -> memref<1x10000x128xf32, #tpu.memory_space<hbm>>
          %dma_start3A_143 = tpu.memref_squeeze %dma_start3A_142 : memref<1x10000x128xf32, #tpu.memory_space<hbm>> -> memref<10000x128xf32, #tpu.memory_space<hbm>>
          %dma_start3A_144 = arith.constant 0 : i32
          %dma_start3A_145 = arith.constant 0 : i32
          %dma_start3A_146 = tpu.memref_slice %dma_start3A_143[%dma_start3A_144, %dma_start3A_145] : memref<10000x128xf32, #tpu.memory_space<hbm>> -> memref<10000x128xf32, #tpu.memory_space<hbm>>
          tpu.enqueue_indirect_dma source(%dma_start3A_146 : memref<10000x128xf32, #tpu.memory_space<hbm>>) target(%arg11 : memref<96x128xf32, #tpu.memory_space<vmem>>) offsets(%dma_start3A_139 : memref<96xi32, #tpu.memory_space<vmem>>) semaphore(%arg13 : memref<!tpu.dma_semaphore, #tpu.memory_space<semaphore_mem>>)
        } else {
        }
      }
      %scan3A_66 = arith.constant 53 : i32
      %barrier3A_67 = arith.constant 0 : index
      tpu.barrier barrier_id(%barrier3A_67)
      %mul3A_68 = arith.constant 632 : i32
      %mul3A_69 = arith.muli %arg1, %mul3A_68 : i32
      %mul3A_70 = arith.constant 632 : i32
      %mul3A_71 = arith.muli %arg1, %mul3A_70 : i32
      %run_scoped3A_72 = arith.constant 3 : i32
      "tpu.region"() ({
        %run_scoped3A_73 = tpu.sem_alloc : memref<!tpu.dma_semaphore, #tpu.memory_space<semaphore_mem>>
        %dma_start3A_74 = arith.constant 0 : i32
        %dma_start3A_75 = arith.constant 0 : i32
        %dma_start3A_76 = tpu.memref_slice %arg6[%run_scoped3A_72, %dma_start3A_74, %dma_start3A_75] : memref<4x10112x128xf32, #tpu.memory_space<hbm>> -> memref<1x10112x128xf32, #tpu.memory_space<hbm>>
        %dma_start3A_77 = tpu.memref_squeeze %dma_start3A_76 : memref<1x10112x128xf32, #tpu.memory_space<hbm>> -> memref<10112x128xf32, #tpu.memory_space<hbm>>
        %dma_start3A_78 = arith.constant 0 : i32
        %dma_start3A_79 = tpu.memref_slice %dma_start3A_77[%mul3A_71, %dma_start3A_78] : memref<10112x128xf32, #tpu.memory_space<hbm>> -> memref<632x128xf32, #tpu.memory_space<hbm>>
        %dma_start3A_80 = arith.constant 0 : i32
        %dma_start3A_81 = tpu.memref_slice %arg7[%mul3A_69, %dma_start3A_80] : memref<10112x128xf32, #tpu.memory_space<vmem_shared>> -> memref<632x128xf32, #tpu.memory_space<vmem_shared>>
        tpu.enqueue_dma source(%dma_start3A_81 : memref<632x128xf32, #tpu.memory_space<vmem_shared>>) target(%dma_start3A_79 : memref<632x128xf32, #tpu.memory_space<hbm>>) target_semaphore(%run_scoped3A_73 : memref<!tpu.dma_semaphore, #tpu.memory_space<semaphore_mem>>)
        %dma_wait3A = arith.constant 0 : i32
        %dma_wait3A_82 = arith.constant 0 : i32
        %dma_wait3A_83 = tpu.memref_slice %arg6[%run_scoped3A_72, %dma_wait3A, %dma_wait3A_82] : memref<4x10112x128xf32, #tpu.memory_space<hbm>> -> memref<1x10112x128xf32, #tpu.memory_space<hbm>>
        %dma_wait3A_84 = tpu.memref_squeeze %dma_wait3A_83 : memref<1x10112x128xf32, #tpu.memory_space<hbm>> -> memref<10112x128xf32, #tpu.memory_space<hbm>>
        %dma_wait3A_85 = arith.constant 0 : i32
        %dma_wait3A_86 = tpu.memref_slice %dma_wait3A_84[%mul3A_71, %dma_wait3A_85] : memref<10112x128xf32, #tpu.memory_space<hbm>> -> memref<632x128xf32, #tpu.memory_space<hbm>>
        %dma_wait3A_87 = arith.constant 0 : i32
        %dma_wait3A_88 = tpu.memref_slice %arg7[%mul3A_69, %dma_wait3A_87] : memref<10112x128xf32, #tpu.memory_space<vmem_shared>> -> memref<632x128xf32, #tpu.memory_space<vmem_shared>>
        tpu.wait_dma2 semaphore(%run_scoped3A_73 : memref<!tpu.dma_semaphore, #tpu.memory_space<semaphore_mem>>) src(%dma_wait3A_88 : memref<632x128xf32, #tpu.memory_space<vmem_shared>>) dst(%dma_wait3A_86 : memref<632x128xf32, #tpu.memory_space<hbm>>)
        tpu.yield
      }) : () -> ()
    } else {
    }
    return
  }
}

#map = affine_map<(d0, d1) -> (0, 0, 0)>
#map1 = affine_map<(d0, d1) -> (0, 0)>
module attributes {stable_mosaic.version = 14 : i64} {
  func.func @_sc_body(%arg0: i32, %arg1: i32, %arg2: memref<4x10000x128xf32, #tpu.memory_space<hbm>>, %arg3: memref<16x10176xi32, #tpu.memory_space<hbm>>, %arg4: memref<16x106x96xi32, #tpu.memory_space<hbm>>, %arg5: memref<632x128xf32, #tpu.memory_space<hbm>>, %arg6: memref<4x10112x128xf32, #tpu.memory_space<hbm>>, %arg7: memref<10112x128xf32, #tpu.memory_space<vmem_shared>>, %arg8: memref<10176xi32, #tpu.memory_space<vmem>>, %arg9: memref<106x96xi32, #tpu.memory_space<vmem>>, %arg10: memref<96x128xf32, #tpu.memory_space<vmem>>, %arg11: memref<96x128xf32, #tpu.memory_space<vmem>>, %arg12: memref<!tpu.dma_semaphore, #tpu.memory_space<semaphore_mem>>, %arg13: memref<!tpu.dma_semaphore, #tpu.memory_space<semaphore_mem>>, %arg14: memref<!tpu.dma_semaphore, #tpu.memory_space<semaphore_mem>>, %arg15: memref<!tpu.dma_semaphore, #tpu.memory_space<semaphore_mem>>) attributes {dimension_semantics = [#tpu.dimension_semantics<core_parallel>, #tpu.dimension_semantics<subcore_parallel>], iteration_bounds = array<i64: 2, 16>, scalar_prefetch = 0 : i64, scratch_operands = 9 : i64, tpu.core_type = #tpu.core_type<sc_vector_subcore>, window_params = [{transform_indices = #map}, {transform_indices = #map1}, {transform_indices = #map}, {transform_indices = #map1}, {transform_indices = #map}]} {
    "tpu.region"() ({
      %run_scoped3A = tpu.sem_alloc : memref<!tpu.dma_semaphore, #tpu.memory_space<semaphore_mem>>
      %dma_start3A = arith.constant 0 : i32
      %dma_start3A_7 = tpu.memref_slice %arg3[%arg1, %dma_start3A] : memref<16x10176xi32, #tpu.memory_space<hbm>> -> memref<1x10176xi32, #tpu.memory_space<hbm>>
      %dma_start3A_8 = tpu.memref_squeeze %dma_start3A_7 : memref<1x10176xi32, #tpu.memory_space<hbm>> -> memref<10176xi32, #tpu.memory_space<hbm>>
      %dma_start3A_9 = arith.constant 0 : i32
      %dma_start3A_10 = tpu.memref_slice %arg3[%arg1, %dma_start3A_9] : memref<16x10176xi32, #tpu.memory_space<hbm>> -> memref<1x10176xi32, #tpu.memory_space<hbm>>
      %dma_start3A_11 = tpu.memref_squeeze %dma_start3A_10 : memref<1x10176xi32, #tpu.memory_space<hbm>> -> memref<10176xi32, #tpu.memory_space<hbm>>
      tpu.enqueue_dma source(%dma_start3A_11 : memref<10176xi32, #tpu.memory_space<hbm>>) target(%arg8 : memref<10176xi32, #tpu.memory_space<vmem>>) target_semaphore(%run_scoped3A : memref<!tpu.dma_semaphore, #tpu.memory_space<semaphore_mem>>)
      %dma_wait3A = arith.constant 0 : i32
      %dma_wait3A_12 = tpu.memref_slice %arg3[%arg1, %dma_wait3A] : memref<16x10176xi32, #tpu.memory_space<hbm>> -> memref<1x10176xi32, #tpu.memory_space<hbm>>
      %dma_wait3A_13 = tpu.memref_squeeze %dma_wait3A_12 : memref<1x10176xi32, #tpu.memory_space<hbm>> -> memref<10176xi32, #tpu.memory_space<hbm>>
      %dma_wait3A_14 = arith.constant 0 : i32
      %dma_wait3A_15 = tpu.memref_slice %arg3[%arg1, %dma_wait3A_14] : memref<16x10176xi32, #tpu.memory_space<hbm>> -> memref<1x10176xi32, #tpu.memory_space<hbm>>
      %dma_wait3A_16 = tpu.memref_squeeze %dma_wait3A_15 : memref<1x10176xi32, #tpu.memory_space<hbm>> -> memref<10176xi32, #tpu.memory_space<hbm>>
      tpu.wait_dma2 semaphore(%run_scoped3A : memref<!tpu.dma_semaphore, #tpu.memory_space<semaphore_mem>>) src(%dma_wait3A_16 : memref<10176xi32, #tpu.memory_space<hbm>>) dst(%arg8 : memref<10176xi32, #tpu.memory_space<vmem>>)
      tpu.yield
    }) : () -> ()
    "tpu.region"() ({
      %run_scoped3A = tpu.sem_alloc : memref<!tpu.dma_semaphore, #tpu.memory_space<semaphore_mem>>
      %dma_start3A = arith.constant 0 : i32
      %dma_start3A_7 = arith.constant 0 : i32
      %dma_start3A_8 = tpu.memref_slice %arg4[%arg1, %dma_start3A, %dma_start3A_7] : memref<16x106x96xi32, #tpu.memory_space<hbm>> -> memref<1x106x96xi32, #tpu.memory_space<hbm>>
      %dma_start3A_9 = tpu.memref_squeeze %dma_start3A_8 : memref<1x106x96xi32, #tpu.memory_space<hbm>> -> memref<106x96xi32, #tpu.memory_space<hbm>>
      %dma_start3A_10 = arith.constant 0 : i32
      %dma_start3A_11 = arith.constant 0 : i32
      %dma_start3A_12 = tpu.memref_slice %arg4[%arg1, %dma_start3A_10, %dma_start3A_11] : memref<16x106x96xi32, #tpu.memory_space<hbm>> -> memref<1x106x96xi32, #tpu.memory_space<hbm>>
      %dma_start3A_13 = tpu.memref_squeeze %dma_start3A_12 : memref<1x106x96xi32, #tpu.memory_space<hbm>> -> memref<106x96xi32, #tpu.memory_space<hbm>>
      tpu.enqueue_dma source(%dma_start3A_13 : memref<106x96xi32, #tpu.memory_space<hbm>>) target(%arg9 : memref<106x96xi32, #tpu.memory_space<vmem>>) target_semaphore(%run_scoped3A : memref<!tpu.dma_semaphore, #tpu.memory_space<semaphore_mem>>)
      %dma_wait3A = arith.constant 0 : i32
      %dma_wait3A_14 = arith.constant 0 : i32
      %dma_wait3A_15 = tpu.memref_slice %arg4[%arg1, %dma_wait3A, %dma_wait3A_14] : memref<16x106x96xi32, #tpu.memory_space<hbm>> -> memref<1x106x96xi32, #tpu.memory_space<hbm>>
      %dma_wait3A_16 = tpu.memref_squeeze %dma_wait3A_15 : memref<1x106x96xi32, #tpu.memory_space<hbm>> -> memref<106x96xi32, #tpu.memory_space<hbm>>
      %dma_wait3A_17 = arith.constant 0 : i32
      %dma_wait3A_18 = arith.constant 0 : i32
      %dma_wait3A_19 = tpu.memref_slice %arg4[%arg1, %dma_wait3A_17, %dma_wait3A_18] : memref<16x106x96xi32, #tpu.memory_space<hbm>> -> memref<1x106x96xi32, #tpu.memory_space<hbm>>
      %dma_wait3A_20 = tpu.memref_squeeze %dma_wait3A_19 : memref<1x106x96xi32, #tpu.memory_space<hbm>> -> memref<106x96xi32, #tpu.memory_space<hbm>>
      tpu.wait_dma2 semaphore(%run_scoped3A : memref<!tpu.dma_semaphore, #tpu.memory_space<semaphore_mem>>) src(%dma_wait3A_20 : memref<106x96xi32, #tpu.memory_space<hbm>>) dst(%arg9 : memref<106x96xi32, #tpu.memory_space<vmem>>)
      tpu.yield
    }) : () -> ()
    %eq3A = arith.constant 0 : i32
    %eq3A_0 = arith.cmpi eq, %arg0, %eq3A : i32
    %convert_element_type3A = arith.extui %eq3A_0 : i1 to i32
    %cond3A = arith.constant 0 : i32
    %cond3A_1 = arith.cmpi ne, %convert_element_type3A, %cond3A : i32
    scf.if %cond3A_1 {
      %mul3A = arith.constant 632 : i32
      %mul3A_7 = arith.muli %arg1, %mul3A : i32
      "tpu.region"() ({
        %run_scoped3A_73 = tpu.sem_alloc : memref<!tpu.dma_semaphore, #tpu.memory_space<semaphore_mem>>
        %dma_start3A_74 = arith.constant 0 : i32
        %dma_start3A_75 = tpu.memref_slice %arg7[%mul3A_7, %dma_start3A_74] : memref<10112x128xf32, #tpu.memory_space<vmem_shared>> -> memref<632x128xf32, #tpu.memory_space<vmem_shared>>
        tpu.enqueue_dma source(%arg5 : memref<632x128xf32, #tpu.memory_space<hbm>>) target(%dma_start3A_75 : memref<632x128xf32, #tpu.memory_space<vmem_shared>>) target_semaphore(%run_scoped3A_73 : memref<!tpu.dma_semaphore, #tpu.memory_space<semaphore_mem>>)
        %dma_wait3A = arith.constant 0 : i32
        %dma_wait3A_76 = tpu.memref_slice %arg7[%mul3A_7, %dma_wait3A] : memref<10112x128xf32, #tpu.memory_space<vmem_shared>> -> memref<632x128xf32, #tpu.memory_space<vmem_shared>>
        tpu.wait_dma2 semaphore(%run_scoped3A_73 : memref<!tpu.dma_semaphore, #tpu.memory_space<semaphore_mem>>) src(%arg5 : memref<632x128xf32, #tpu.memory_space<hbm>>) dst(%dma_wait3A_76 : memref<632x128xf32, #tpu.memory_space<vmem_shared>>)
        tpu.yield
      }) : () -> ()
      %barrier3A = arith.constant 0 : index
      tpu.barrier barrier_id(%barrier3A)
      %dma_start3A = arith.constant 0 : i32
      %dma_start3A_8 = arith.constant 0 : i32
      %dma_start3A_9 = tpu.memref_slice %arg8[%dma_start3A_8] : memref<10176xi32, #tpu.memory_space<vmem>> -> memref<96xi32, #tpu.memory_space<vmem>>
      %dma_start3A_10 = arith.constant 0 : i32
      %dma_start3A_11 = arith.constant 0 : i32
      %dma_start3A_12 = tpu.memref_slice %arg2[%dma_start3A, %dma_start3A_10, %dma_start3A_11] : memref<4x10000x128xf32, #tpu.memory_space<hbm>> -> memref<1x10000x128xf32, #tpu.memory_space<hbm>>
      %dma_start3A_13 = tpu.memref_squeeze %dma_start3A_12 : memref<1x10000x128xf32, #tpu.memory_space<hbm>> -> memref<10000x128xf32, #tpu.memory_space<hbm>>
      %dma_start3A_14 = arith.constant 0 : i32
      %dma_start3A_15 = arith.constant 0 : i32
      %dma_start3A_16 = tpu.memref_slice %dma_start3A_13[%dma_start3A_14, %dma_start3A_15] : memref<10000x128xf32, #tpu.memory_space<hbm>> -> memref<10000x128xf32, #tpu.memory_space<hbm>>
      tpu.enqueue_indirect_dma source(%dma_start3A_16 : memref<10000x128xf32, #tpu.memory_space<hbm>>) target(%arg10 : memref<96x128xf32, #tpu.memory_space<vmem>>) offsets(%dma_start3A_9 : memref<96xi32, #tpu.memory_space<vmem>>) semaphore(%arg12 : memref<!tpu.dma_semaphore, #tpu.memory_space<semaphore_mem>>)
      %dma_start3A_17 = arith.constant 0 : i32
      %dma_start3A_18 = arith.constant 96 : i32
      %dma_start3A_19 = tpu.memref_slice %arg8[%dma_start3A_18] : memref<10176xi32, #tpu.memory_space<vmem>> -> memref<96xi32, #tpu.memory_space<vmem>>
      %dma_start3A_20 = arith.constant 0 : i32
      %dma_start3A_21 = arith.constant 0 : i32
      %dma_start3A_22 = tpu.memref_slice %arg2[%dma_start3A_17, %dma_start3A_20, %dma_start3A_21] : memref<4x10000x128xf32, #tpu.memory_space<hbm>> -> memref<1x10000x128xf32, #tpu.memory_space<hbm>>
      %dma_start3A_23 = tpu.memref_squeeze %dma_start3A_22 : memref<1x10000x128xf32, #tpu.memory_space<hbm>> -> memref<10000x128xf32, #tpu.memory_space<hbm>>
      %dma_start3A_24 = arith.constant 0 : i32
      %dma_start3A_25 = arith.constant 0 : i32
      %dma_start3A_26 = tpu.memref_slice %dma_start3A_23[%dma_start3A_24, %dma_start3A_25] : memref<10000x128xf32, #tpu.memory_space<hbm>> -> memref<10000x128xf32, #tpu.memory_space<hbm>>
      tpu.enqueue_indirect_dma source(%dma_start3A_26 : memref<10000x128xf32, #tpu.memory_space<hbm>>) target(%arg11 : memref<96x128xf32, #tpu.memory_space<vmem>>) offsets(%dma_start3A_19 : memref<96xi32, #tpu.memory_space<vmem>>) semaphore(%arg13 : memref<!tpu.dma_semaphore, #tpu.memory_space<semaphore_mem>>)
      %scan3A = arith.constant 0 : i32
      %scan3A_27 = arith.constant 0 : i32
      %scan3A_28 = arith.constant 53 : i32
      %scan3A_29 = arith.addi %scan3A_27, %scan3A_28 : i32
      %scan3A_30 = arith.constant 1 : i32
      scf.for %scan3A_73 = %scan3A_27 to %scan3A_29 step %scan3A_30  : i32 {
        %mul3A_74 = arith.constant 2 : i32
        %mul3A_75 = arith.muli %scan3A_73, %mul3A_74 : i32
        %add3A = arith.constant 0 : i32
        %add3A_76 = arith.addi %add3A, %mul3A_75 : i32
        %dma_wait3A = arith.constant 0 : i32
        %dma_wait3A_77 = tpu.memref_slice %arg8[%dma_wait3A] : memref<10176xi32, #tpu.memory_space<vmem>> -> memref<96xi32, #tpu.memory_space<vmem>>
        %dma_wait3A_78 = arith.constant 0 : i32
        %dma_wait3A_79 = arith.constant 0 : i32
        %dma_wait3A_80 = tpu.memref_slice %arg2[%scan3A, %dma_wait3A_78, %dma_wait3A_79] : memref<4x10000x128xf32, #tpu.memory_space<hbm>> -> memref<1x10000x128xf32, #tpu.memory_space<hbm>>
        %dma_wait3A_81 = tpu.memref_squeeze %dma_wait3A_80 : memref<1x10000x128xf32, #tpu.memory_space<hbm>> -> memref<10000x128xf32, #tpu.memory_space<hbm>>
        %dma_wait3A_82 = arith.constant 0 : i32
        %dma_wait3A_83 = arith.constant 0 : i32
        %dma_wait3A_84 = tpu.memref_slice %dma_wait3A_81[%dma_wait3A_82, %dma_wait3A_83] : memref<10000x128xf32, #tpu.memory_space<hbm>> -> memref<10000x128xf32, #tpu.memory_space<hbm>>
        tpu.wait_indirect_dma semaphore(%arg12 : memref<!tpu.dma_semaphore, #tpu.memory_space<semaphore_mem>>) src(%dma_wait3A_84 : memref<10000x128xf32, #tpu.memory_space<hbm>>) dst(%arg10 : memref<96x128xf32, #tpu.memory_space<vmem>>)
        %dma_start3A_85 = arith.constant 0 : i32
        %dma_start3A_86 = tpu.memref_slice %arg9[%add3A_76, %dma_start3A_85] : memref<106x96xi32, #tpu.memory_space<vmem>> -> memref<1x96xi32, #tpu.memory_space<vmem>>
        %dma_start3A_87 = tpu.memref_squeeze %dma_start3A_86 : memref<1x96xi32, #tpu.memory_space<vmem>> -> memref<96xi32, #tpu.memory_space<vmem>>
        %dma_start3A_88 = arith.constant 0 : i32
        %dma_start3A_89 = arith.constant 0 : i32
        %dma_start3A_90 = tpu.memref_slice %arg7[%dma_start3A_88, %dma_start3A_89] : memref<10112x128xf32, #tpu.memory_space<vmem_shared>> -> memref<10112x128xf32, #tpu.memory_space<vmem_shared>>
        tpu.enqueue_indirect_dma source(%arg10 : memref<96x128xf32, #tpu.memory_space<vmem>>) target(%dma_start3A_90 : memref<10112x128xf32, #tpu.memory_space<vmem_shared>>) offsets(%dma_start3A_87 : memref<96xi32, #tpu.memory_space<vmem>>) semaphore(%arg14 : memref<!tpu.dma_semaphore, #tpu.memory_space<semaphore_mem>>) {add = true}
        %dma_wait3A_91 = arith.constant 0 : i32
        %dma_wait3A_92 = tpu.memref_slice %arg8[%dma_wait3A_91] : memref<10176xi32, #tpu.memory_space<vmem>> -> memref<96xi32, #tpu.memory_space<vmem>>
        %dma_wait3A_93 = arith.constant 0 : i32
        %dma_wait3A_94 = arith.constant 0 : i32
        %dma_wait3A_95 = tpu.memref_slice %arg2[%scan3A, %dma_wait3A_93, %dma_wait3A_94] : memref<4x10000x128xf32, #tpu.memory_space<hbm>> -> memref<1x10000x128xf32, #tpu.memory_space<hbm>>
        %dma_wait3A_96 = tpu.memref_squeeze %dma_wait3A_95 : memref<1x10000x128xf32, #tpu.memory_space<hbm>> -> memref<10000x128xf32, #tpu.memory_space<hbm>>
        %dma_wait3A_97 = arith.constant 0 : i32
        %dma_wait3A_98 = arith.constant 0 : i32
        %dma_wait3A_99 = tpu.memref_slice %dma_wait3A_96[%dma_wait3A_97, %dma_wait3A_98] : memref<10000x128xf32, #tpu.memory_space<hbm>> -> memref<10000x128xf32, #tpu.memory_space<hbm>>
        tpu.wait_indirect_dma semaphore(%arg13 : memref<!tpu.dma_semaphore, #tpu.memory_space<semaphore_mem>>) src(%dma_wait3A_99 : memref<10000x128xf32, #tpu.memory_space<hbm>>) dst(%arg11 : memref<96x128xf32, #tpu.memory_space<vmem>>)
        %add3A_100 = arith.constant 1 : i32
        %add3A_101 = arith.addi %add3A_76, %add3A_100 : i32
        %dma_start3A_102 = arith.constant 0 : i32
        %dma_start3A_103 = tpu.memref_slice %arg9[%add3A_101, %dma_start3A_102] : memref<106x96xi32, #tpu.memory_space<vmem>> -> memref<1x96xi32, #tpu.memory_space<vmem>>
        %dma_start3A_104 = tpu.memref_squeeze %dma_start3A_103 : memref<1x96xi32, #tpu.memory_space<vmem>> -> memref<96xi32, #tpu.memory_space<vmem>>
        %dma_start3A_105 = arith.constant 0 : i32
        %dma_start3A_106 = arith.constant 0 : i32
        %dma_start3A_107 = tpu.memref_slice %arg7[%dma_start3A_105, %dma_start3A_106] : memref<10112x128xf32, #tpu.memory_space<vmem_shared>> -> memref<10112x128xf32, #tpu.memory_space<vmem_shared>>
        tpu.enqueue_indirect_dma source(%arg11 : memref<96x128xf32, #tpu.memory_space<vmem>>) target(%dma_start3A_107 : memref<10112x128xf32, #tpu.memory_space<vmem_shared>>) offsets(%dma_start3A_104 : memref<96xi32, #tpu.memory_space<vmem>>) semaphore(%arg15 : memref<!tpu.dma_semaphore, #tpu.memory_space<semaphore_mem>>) {add = true}
        %dma_wait3A_108 = arith.constant 0 : i32
        %dma_wait3A_109 = tpu.memref_slice %arg9[%add3A_76, %dma_wait3A_108] : memref<106x96xi32, #tpu.memory_space<vmem>> -> memref<1x96xi32, #tpu.memory_space<vmem>>
        %dma_wait3A_110 = tpu.memref_squeeze %dma_wait3A_109 : memref<1x96xi32, #tpu.memory_space<vmem>> -> memref<96xi32, #tpu.memory_space<vmem>>
        %dma_wait3A_111 = arith.constant 0 : i32
        %dma_wait3A_112 = arith.constant 0 : i32
        %dma_wait3A_113 = tpu.memref_slice %arg7[%dma_wait3A_111, %dma_wait3A_112] : memref<10112x128xf32, #tpu.memory_space<vmem_shared>> -> memref<10112x128xf32, #tpu.memory_space<vmem_shared>>
        tpu.wait_indirect_dma semaphore(%arg14 : memref<!tpu.dma_semaphore, #tpu.memory_space<semaphore_mem>>) src(%arg10 : memref<96x128xf32, #tpu.memory_space<vmem>>) dst(%dma_wait3A_113 : memref<10112x128xf32, #tpu.memory_space<vmem_shared>>)
        %add3A_114 = arith.constant 2 : i32
        %add3A_115 = arith.addi %add3A_76, %add3A_114 : i32
        %lt3A = arith.constant 106 : i32
        %lt3A_116 = arith.cmpi slt, %add3A_115, %lt3A : i32
        %convert_element_type3A_117 = arith.extui %lt3A_116 : i1 to i32
        %cond3A_118 = arith.constant 0 : i32
        %cond3A_119 = arith.cmpi ne, %convert_element_type3A_117, %cond3A_118 : i32
        scf.if %cond3A_119 {
          %add3A_135 = arith.constant 2 : i32
          %add3A_136 = arith.addi %add3A_76, %add3A_135 : i32
          %mul3A_137 = arith.constant 96 : i32
          %mul3A_138 = arith.muli %add3A_136, %mul3A_137 : i32
          %dma_start3A_139 = tpu.memref_slice %arg8[%mul3A_138] : memref<10176xi32, #tpu.memory_space<vmem>> -> memref<96xi32, #tpu.memory_space<vmem>>
          %dma_start3A_140 = arith.constant 0 : i32
          %dma_start3A_141 = arith.constant 0 : i32
          %dma_start3A_142 = tpu.memref_slice %arg2[%scan3A, %dma_start3A_140, %dma_start3A_141] : memref<4x10000x128xf32, #tpu.memory_space<hbm>> -> memref<1x10000x128xf32, #tpu.memory_space<hbm>>
          %dma_start3A_143 = tpu.memref_squeeze %dma_start3A_142 : memref<1x10000x128xf32, #tpu.memory_space<hbm>> -> memref<10000x128xf32, #tpu.memory_space<hbm>>
          %dma_start3A_144 = arith.constant 0 : i32
          %dma_start3A_145 = arith.constant 0 : i32
          %dma_start3A_146 = tpu.memref_slice %dma_start3A_143[%dma_start3A_144, %dma_start3A_145] : memref<10000x128xf32, #tpu.memory_space<hbm>> -> memref<10000x128xf32, #tpu.memory_space<hbm>>
          tpu.enqueue_indirect_dma source(%dma_start3A_146 : memref<10000x128xf32, #tpu.memory_space<hbm>>) target(%arg10 : memref<96x128xf32, #tpu.memory_space<vmem>>) offsets(%dma_start3A_139 : memref<96xi32, #tpu.memory_space<vmem>>) semaphore(%arg12 : memref<!tpu.dma_semaphore, #tpu.memory_space<semaphore_mem>>)
        } else {
        }
        %add3A_120 = arith.constant 1 : i32
        %add3A_121 = arith.addi %add3A_76, %add3A_120 : i32
        %dma_wait3A_122 = arith.constant 0 : i32
        %dma_wait3A_123 = tpu.memref_slice %arg9[%add3A_121, %dma_wait3A_122] : memref<106x96xi32, #tpu.memory_space<vmem>> -> memref<1x96xi32, #tpu.memory_space<vmem>>
        %dma_wait3A_124 = tpu.memref_squeeze %dma_wait3A_123 : memref<1x96xi32, #tpu.memory_space<vmem>> -> memref<96xi32, #tpu.memory_space<vmem>>
        %dma_wait3A_125 = arith.constant 0 : i32
        %dma_wait3A_126 = arith.constant 0 : i32
        %dma_wait3A_127 = tpu.memref_slice %arg7[%dma_wait3A_125, %dma_wait3A_126] : memref<10112x128xf32, #tpu.memory_space<vmem_shared>> -> memref<10112x128xf32, #tpu.memory_space<vmem_shared>>
        tpu.wait_indirect_dma semaphore(%arg15 : memref<!tpu.dma_semaphore, #tpu.memory_space<semaphore_mem>>) src(%arg11 : memref<96x128xf32, #tpu.memory_space<vmem>>) dst(%dma_wait3A_127 : memref<10112x128xf32, #tpu.memory_space<vmem_shared>>)
        %add3A_128 = arith.constant 3 : i32
        %add3A_129 = arith.addi %add3A_76, %add3A_128 : i32
        %lt3A_130 = arith.constant 106 : i32
        %lt3A_131 = arith.cmpi slt, %add3A_129, %lt3A_130 : i32
        %convert_element_type3A_132 = arith.extui %lt3A_131 : i1 to i32
        %cond3A_133 = arith.constant 0 : i32
        %cond3A_134 = arith.cmpi ne, %convert_element_type3A_132, %cond3A_133 : i32
        scf.if %cond3A_134 {
          %add3A_135 = arith.constant 3 : i32
          %add3A_136 = arith.addi %add3A_76, %add3A_135 : i32
          %mul3A_137 = arith.constant 96 : i32
          %mul3A_138 = arith.muli %add3A_136, %mul3A_137 : i32
          %dma_start3A_139 = tpu.memref_slice %arg8[%mul3A_138] : memref<10176xi32, #tpu.memory_space<vmem>> -> memref<96xi32, #tpu.memory_space<vmem>>
          %dma_start3A_140 = arith.constant 0 : i32
          %dma_start3A_141 = arith.constant 0 : i32
          %dma_start3A_142 = tpu.memref_slice %arg2[%scan3A, %dma_start3A_140, %dma_start3A_141] : memref<4x10000x128xf32, #tpu.memory_space<hbm>> -> memref<1x10000x128xf32, #tpu.memory_space<hbm>>
          %dma_start3A_143 = tpu.memref_squeeze %dma_start3A_142 : memref<1x10000x128xf32, #tpu.memory_space<hbm>> -> memref<10000x128xf32, #tpu.memory_space<hbm>>
          %dma_start3A_144 = arith.constant 0 : i32
          %dma_start3A_145 = arith.constant 0 : i32
          %dma_start3A_146 = tpu.memref_slice %dma_start3A_143[%dma_start3A_144, %dma_start3A_145] : memref<10000x128xf32, #tpu.memory_space<hbm>> -> memref<10000x128xf32, #tpu.memory_space<hbm>>
          tpu.enqueue_indirect_dma source(%dma_start3A_146 : memref<10000x128xf32, #tpu.memory_space<hbm>>) target(%arg11 : memref<96x128xf32, #tpu.memory_space<vmem>>) offsets(%dma_start3A_139 : memref<96xi32, #tpu.memory_space<vmem>>) semaphore(%arg13 : memref<!tpu.dma_semaphore, #tpu.memory_space<semaphore_mem>>)
        } else {
        }
      }
      %scan3A_31 = arith.constant 53 : i32
      %barrier3A_32 = arith.constant 0 : index
      tpu.barrier barrier_id(%barrier3A_32)
      %mul3A_33 = arith.constant 632 : i32
      %mul3A_34 = arith.muli %arg1, %mul3A_33 : i32
      %mul3A_35 = arith.constant 632 : i32
      %mul3A_36 = arith.muli %arg1, %mul3A_35 : i32
      %run_scoped3A = arith.constant 0 : i32
      "tpu.region"() ({
        %run_scoped3A_73 = tpu.sem_alloc : memref<!tpu.dma_semaphore, #tpu.memory_space<semaphore_mem>>
        %dma_start3A_74 = arith.constant 0 : i32
        %dma_start3A_75 = arith.constant 0 : i32
        %dma_start3A_76 = tpu.memref_slice %arg6[%run_scoped3A, %dma_start3A_74, %dma_start3A_75] : memref<4x10112x128xf32, #tpu.memory_space<hbm>> -> memref<1x10112x128xf32, #tpu.memory_space<hbm>>
        %dma_start3A_77 = tpu.memref_squeeze %dma_start3A_76 : memref<1x10112x128xf32, #tpu.memory_space<hbm>> -> memref<10112x128xf32, #tpu.memory_space<hbm>>
        %dma_start3A_78 = arith.constant 0 : i32
        %dma_start3A_79 = tpu.memref_slice %dma_start3A_77[%mul3A_36, %dma_start3A_78] : memref<10112x128xf32, #tpu.memory_space<hbm>> -> memref<632x128xf32, #tpu.memory_space<hbm>>
        %dma_start3A_80 = arith.constant 0 : i32
        %dma_start3A_81 = tpu.memref_slice %arg7[%mul3A_34, %dma_start3A_80] : memref<10112x128xf32, #tpu.memory_space<vmem_shared>> -> memref<632x128xf32, #tpu.memory_space<vmem_shared>>
        tpu.enqueue_dma source(%dma_start3A_81 : memref<632x128xf32, #tpu.memory_space<vmem_shared>>) target(%dma_start3A_79 : memref<632x128xf32, #tpu.memory_space<hbm>>) target_semaphore(%run_scoped3A_73 : memref<!tpu.dma_semaphore, #tpu.memory_space<semaphore_mem>>)
        %dma_wait3A = arith.constant 0 : i32
        %dma_wait3A_82 = arith.constant 0 : i32
        %dma_wait3A_83 = tpu.memref_slice %arg6[%run_scoped3A, %dma_wait3A, %dma_wait3A_82] : memref<4x10112x128xf32, #tpu.memory_space<hbm>> -> memref<1x10112x128xf32, #tpu.memory_space<hbm>>
        %dma_wait3A_84 = tpu.memref_squeeze %dma_wait3A_83 : memref<1x10112x128xf32, #tpu.memory_space<hbm>> -> memref<10112x128xf32, #tpu.memory_space<hbm>>
        %dma_wait3A_85 = arith.constant 0 : i32
        %dma_wait3A_86 = tpu.memref_slice %dma_wait3A_84[%mul3A_36, %dma_wait3A_85] : memref<10112x128xf32, #tpu.memory_space<hbm>> -> memref<632x128xf32, #tpu.memory_space<hbm>>
        %dma_wait3A_87 = arith.constant 0 : i32
        %dma_wait3A_88 = tpu.memref_slice %arg7[%mul3A_34, %dma_wait3A_87] : memref<10112x128xf32, #tpu.memory_space<vmem_shared>> -> memref<632x128xf32, #tpu.memory_space<vmem_shared>>
        tpu.wait_dma2 semaphore(%run_scoped3A_73 : memref<!tpu.dma_semaphore, #tpu.memory_space<semaphore_mem>>) src(%dma_wait3A_88 : memref<632x128xf32, #tpu.memory_space<vmem_shared>>) dst(%dma_wait3A_86 : memref<632x128xf32, #tpu.memory_space<hbm>>)
        tpu.yield
      }) : () -> ()
      %barrier3A_37 = arith.constant 0 : index
      tpu.barrier barrier_id(%barrier3A_37)
      %mul3A_38 = arith.constant 632 : i32
      %mul3A_39 = arith.muli %arg1, %mul3A_38 : i32
      "tpu.region"() ({
        %run_scoped3A_73 = tpu.sem_alloc : memref<!tpu.dma_semaphore, #tpu.memory_space<semaphore_mem>>
        %dma_start3A_74 = arith.constant 0 : i32
        %dma_start3A_75 = tpu.memref_slice %arg7[%mul3A_39, %dma_start3A_74] : memref<10112x128xf32, #tpu.memory_space<vmem_shared>> -> memref<632x128xf32, #tpu.memory_space<vmem_shared>>
        tpu.enqueue_dma source(%arg5 : memref<632x128xf32, #tpu.memory_space<hbm>>) target(%dma_start3A_75 : memref<632x128xf32, #tpu.memory_space<vmem_shared>>) target_semaphore(%run_scoped3A_73 : memref<!tpu.dma_semaphore, #tpu.memory_space<semaphore_mem>>)
        %dma_wait3A = arith.constant 0 : i32
        %dma_wait3A_76 = tpu.memref_slice %arg7[%mul3A_39, %dma_wait3A] : memref<10112x128xf32, #tpu.memory_space<vmem_shared>> -> memref<632x128xf32, #tpu.memory_space<vmem_shared>>
        tpu.wait_dma2 semaphore(%run_scoped3A_73 : memref<!tpu.dma_semaphore, #tpu.memory_space<semaphore_mem>>) src(%arg5 : memref<632x128xf32, #tpu.memory_space<hbm>>) dst(%dma_wait3A_76 : memref<632x128xf32, #tpu.memory_space<vmem_shared>>)
        tpu.yield
      }) : () -> ()
      %barrier3A_40 = arith.constant 0 : index
      tpu.barrier barrier_id(%barrier3A_40)
      %dma_start3A_41 = arith.constant 1 : i32
      %dma_start3A_42 = arith.constant 0 : i32
      %dma_start3A_43 = tpu.memref_slice %arg8[%dma_start3A_42] : memref<10176xi32, #tpu.memory_space<vmem>> -> memref<96xi32, #tpu.memory_space<vmem>>
      %dma_start3A_44 = arith.constant 0 : i32
      %dma_start3A_45 = arith.constant 0 : i32
      %dma_start3A_46 = tpu.memref_slice %arg2[%dma_start3A_41, %dma_start3A_44, %dma_start3A_45] : memref<4x10000x128xf32, #tpu.memory_space<hbm>> -> memref<1x10000x128xf32, #tpu.memory_space<hbm>>
      %dma_start3A_47 = tpu.memref_squeeze %dma_start3A_46 : memref<1x10000x128xf32, #tpu.memory_space<hbm>> -> memref<10000x128xf32, #tpu.memory_space<hbm>>
      %dma_start3A_48 = arith.constant 0 : i32
      %dma_start3A_49 = arith.constant 0 : i32
      %dma_start3A_50 = tpu.memref_slice %dma_start3A_47[%dma_start3A_48, %dma_start3A_49] : memref<10000x128xf32, #tpu.memory_space<hbm>> -> memref<10000x128xf32, #tpu.memory_space<hbm>>
      tpu.enqueue_indirect_dma source(%dma_start3A_50 : memref<10000x128xf32, #tpu.memory_space<hbm>>) target(%arg10 : memref<96x128xf32, #tpu.memory_space<vmem>>) offsets(%dma_start3A_43 : memref<96xi32, #tpu.memory_space<vmem>>) semaphore(%arg12 : memref<!tpu.dma_semaphore, #tpu.memory_space<semaphore_mem>>)
      %dma_start3A_51 = arith.constant 1 : i32
      %dma_start3A_52 = arith.constant 96 : i32
      %dma_start3A_53 = tpu.memref_slice %arg8[%dma_start3A_52] : memref<10176xi32, #tpu.memory_space<vmem>> -> memref<96xi32, #tpu.memory_space<vmem>>
      %dma_start3A_54 = arith.constant 0 : i32
      %dma_start3A_55 = arith.constant 0 : i32
      %dma_start3A_56 = tpu.memref_slice %arg2[%dma_start3A_51, %dma_start3A_54, %dma_start3A_55] : memref<4x10000x128xf32, #tpu.memory_space<hbm>> -> memref<1x10000x128xf32, #tpu.memory_space<hbm>>
      %dma_start3A_57 = tpu.memref_squeeze %dma_start3A_56 : memref<1x10000x128xf32, #tpu.memory_space<hbm>> -> memref<10000x128xf32, #tpu.memory_space<hbm>>
      %dma_start3A_58 = arith.constant 0 : i32
      %dma_start3A_59 = arith.constant 0 : i32
      %dma_start3A_60 = tpu.memref_slice %dma_start3A_57[%dma_start3A_58, %dma_start3A_59] : memref<10000x128xf32, #tpu.memory_space<hbm>> -> memref<10000x128xf32, #tpu.memory_space<hbm>>
      tpu.enqueue_indirect_dma source(%dma_start3A_60 : memref<10000x128xf32, #tpu.memory_space<hbm>>) target(%arg11 : memref<96x128xf32, #tpu.memory_space<vmem>>) offsets(%dma_start3A_53 : memref<96xi32, #tpu.memory_space<vmem>>) semaphore(%arg13 : memref<!tpu.dma_semaphore, #tpu.memory_space<semaphore_mem>>)
      %scan3A_61 = arith.constant 1 : i32
      %scan3A_62 = arith.constant 0 : i32
      %scan3A_63 = arith.constant 53 : i32
      %scan3A_64 = arith.addi %scan3A_62, %scan3A_63 : i32
      %scan3A_65 = arith.constant 1 : i32
      scf.for %scan3A_73 = %scan3A_62 to %scan3A_64 step %scan3A_65  : i32 {
        %mul3A_74 = arith.constant 2 : i32
        %mul3A_75 = arith.muli %scan3A_73, %mul3A_74 : i32
        %add3A = arith.constant 0 : i32
        %add3A_76 = arith.addi %add3A, %mul3A_75 : i32
        %dma_wait3A = arith.constant 0 : i32
        %dma_wait3A_77 = tpu.memref_slice %arg8[%dma_wait3A] : memref<10176xi32, #tpu.memory_space<vmem>> -> memref<96xi32, #tpu.memory_space<vmem>>
        %dma_wait3A_78 = arith.constant 0 : i32
        %dma_wait3A_79 = arith.constant 0 : i32
        %dma_wait3A_80 = tpu.memref_slice %arg2[%scan3A_61, %dma_wait3A_78, %dma_wait3A_79] : memref<4x10000x128xf32, #tpu.memory_space<hbm>> -> memref<1x10000x128xf32, #tpu.memory_space<hbm>>
        %dma_wait3A_81 = tpu.memref_squeeze %dma_wait3A_80 : memref<1x10000x128xf32, #tpu.memory_space<hbm>> -> memref<10000x128xf32, #tpu.memory_space<hbm>>
        %dma_wait3A_82 = arith.constant 0 : i32
        %dma_wait3A_83 = arith.constant 0 : i32
        %dma_wait3A_84 = tpu.memref_slice %dma_wait3A_81[%dma_wait3A_82, %dma_wait3A_83] : memref<10000x128xf32, #tpu.memory_space<hbm>> -> memref<10000x128xf32, #tpu.memory_space<hbm>>
        tpu.wait_indirect_dma semaphore(%arg12 : memref<!tpu.dma_semaphore, #tpu.memory_space<semaphore_mem>>) src(%dma_wait3A_84 : memref<10000x128xf32, #tpu.memory_space<hbm>>) dst(%arg10 : memref<96x128xf32, #tpu.memory_space<vmem>>)
        %dma_start3A_85 = arith.constant 0 : i32
        %dma_start3A_86 = tpu.memref_slice %arg9[%add3A_76, %dma_start3A_85] : memref<106x96xi32, #tpu.memory_space<vmem>> -> memref<1x96xi32, #tpu.memory_space<vmem>>
        %dma_start3A_87 = tpu.memref_squeeze %dma_start3A_86 : memref<1x96xi32, #tpu.memory_space<vmem>> -> memref<96xi32, #tpu.memory_space<vmem>>
        %dma_start3A_88 = arith.constant 0 : i32
        %dma_start3A_89 = arith.constant 0 : i32
        %dma_start3A_90 = tpu.memref_slice %arg7[%dma_start3A_88, %dma_start3A_89] : memref<10112x128xf32, #tpu.memory_space<vmem_shared>> -> memref<10112x128xf32, #tpu.memory_space<vmem_shared>>
        tpu.enqueue_indirect_dma source(%arg10 : memref<96x128xf32, #tpu.memory_space<vmem>>) target(%dma_start3A_90 : memref<10112x128xf32, #tpu.memory_space<vmem_shared>>) offsets(%dma_start3A_87 : memref<96xi32, #tpu.memory_space<vmem>>) semaphore(%arg14 : memref<!tpu.dma_semaphore, #tpu.memory_space<semaphore_mem>>) {add = true}
        %dma_wait3A_91 = arith.constant 0 : i32
        %dma_wait3A_92 = tpu.memref_slice %arg8[%dma_wait3A_91] : memref<10176xi32, #tpu.memory_space<vmem>> -> memref<96xi32, #tpu.memory_space<vmem>>
        %dma_wait3A_93 = arith.constant 0 : i32
        %dma_wait3A_94 = arith.constant 0 : i32
        %dma_wait3A_95 = tpu.memref_slice %arg2[%scan3A_61, %dma_wait3A_93, %dma_wait3A_94] : memref<4x10000x128xf32, #tpu.memory_space<hbm>> -> memref<1x10000x128xf32, #tpu.memory_space<hbm>>
        %dma_wait3A_96 = tpu.memref_squeeze %dma_wait3A_95 : memref<1x10000x128xf32, #tpu.memory_space<hbm>> -> memref<10000x128xf32, #tpu.memory_space<hbm>>
        %dma_wait3A_97 = arith.constant 0 : i32
        %dma_wait3A_98 = arith.constant 0 : i32
        %dma_wait3A_99 = tpu.memref_slice %dma_wait3A_96[%dma_wait3A_97, %dma_wait3A_98] : memref<10000x128xf32, #tpu.memory_space<hbm>> -> memref<10000x128xf32, #tpu.memory_space<hbm>>
        tpu.wait_indirect_dma semaphore(%arg13 : memref<!tpu.dma_semaphore, #tpu.memory_space<semaphore_mem>>) src(%dma_wait3A_99 : memref<10000x128xf32, #tpu.memory_space<hbm>>) dst(%arg11 : memref<96x128xf32, #tpu.memory_space<vmem>>)
        %add3A_100 = arith.constant 1 : i32
        %add3A_101 = arith.addi %add3A_76, %add3A_100 : i32
        %dma_start3A_102 = arith.constant 0 : i32
        %dma_start3A_103 = tpu.memref_slice %arg9[%add3A_101, %dma_start3A_102] : memref<106x96xi32, #tpu.memory_space<vmem>> -> memref<1x96xi32, #tpu.memory_space<vmem>>
        %dma_start3A_104 = tpu.memref_squeeze %dma_start3A_103 : memref<1x96xi32, #tpu.memory_space<vmem>> -> memref<96xi32, #tpu.memory_space<vmem>>
        %dma_start3A_105 = arith.constant 0 : i32
        %dma_start3A_106 = arith.constant 0 : i32
        %dma_start3A_107 = tpu.memref_slice %arg7[%dma_start3A_105, %dma_start3A_106] : memref<10112x128xf32, #tpu.memory_space<vmem_shared>> -> memref<10112x128xf32, #tpu.memory_space<vmem_shared>>
        tpu.enqueue_indirect_dma source(%arg11 : memref<96x128xf32, #tpu.memory_space<vmem>>) target(%dma_start3A_107 : memref<10112x128xf32, #tpu.memory_space<vmem_shared>>) offsets(%dma_start3A_104 : memref<96xi32, #tpu.memory_space<vmem>>) semaphore(%arg15 : memref<!tpu.dma_semaphore, #tpu.memory_space<semaphore_mem>>) {add = true}
        %dma_wait3A_108 = arith.constant 0 : i32
        %dma_wait3A_109 = tpu.memref_slice %arg9[%add3A_76, %dma_wait3A_108] : memref<106x96xi32, #tpu.memory_space<vmem>> -> memref<1x96xi32, #tpu.memory_space<vmem>>
        %dma_wait3A_110 = tpu.memref_squeeze %dma_wait3A_109 : memref<1x96xi32, #tpu.memory_space<vmem>> -> memref<96xi32, #tpu.memory_space<vmem>>
        %dma_wait3A_111 = arith.constant 0 : i32
        %dma_wait3A_112 = arith.constant 0 : i32
        %dma_wait3A_113 = tpu.memref_slice %arg7[%dma_wait3A_111, %dma_wait3A_112] : memref<10112x128xf32, #tpu.memory_space<vmem_shared>> -> memref<10112x128xf32, #tpu.memory_space<vmem_shared>>
        tpu.wait_indirect_dma semaphore(%arg14 : memref<!tpu.dma_semaphore, #tpu.memory_space<semaphore_mem>>) src(%arg10 : memref<96x128xf32, #tpu.memory_space<vmem>>) dst(%dma_wait3A_113 : memref<10112x128xf32, #tpu.memory_space<vmem_shared>>)
        %add3A_114 = arith.constant 2 : i32
        %add3A_115 = arith.addi %add3A_76, %add3A_114 : i32
        %lt3A = arith.constant 106 : i32
        %lt3A_116 = arith.cmpi slt, %add3A_115, %lt3A : i32
        %convert_element_type3A_117 = arith.extui %lt3A_116 : i1 to i32
        %cond3A_118 = arith.constant 0 : i32
        %cond3A_119 = arith.cmpi ne, %convert_element_type3A_117, %cond3A_118 : i32
        scf.if %cond3A_119 {
          %add3A_135 = arith.constant 2 : i32
          %add3A_136 = arith.addi %add3A_76, %add3A_135 : i32
          %mul3A_137 = arith.constant 96 : i32
          %mul3A_138 = arith.muli %add3A_136, %mul3A_137 : i32
          %dma_start3A_139 = tpu.memref_slice %arg8[%mul3A_138] : memref<10176xi32, #tpu.memory_space<vmem>> -> memref<96xi32, #tpu.memory_space<vmem>>
          %dma_start3A_140 = arith.constant 0 : i32
          %dma_start3A_141 = arith.constant 0 : i32
          %dma_start3A_142 = tpu.memref_slice %arg2[%scan3A_61, %dma_start3A_140, %dma_start3A_141] : memref<4x10000x128xf32, #tpu.memory_space<hbm>> -> memref<1x10000x128xf32, #tpu.memory_space<hbm>>
          %dma_start3A_143 = tpu.memref_squeeze %dma_start3A_142 : memref<1x10000x128xf32, #tpu.memory_space<hbm>> -> memref<10000x128xf32, #tpu.memory_space<hbm>>
          %dma_start3A_144 = arith.constant 0 : i32
          %dma_start3A_145 = arith.constant 0 : i32
          %dma_start3A_146 = tpu.memref_slice %dma_start3A_143[%dma_start3A_144, %dma_start3A_145] : memref<10000x128xf32, #tpu.memory_space<hbm>> -> memref<10000x128xf32, #tpu.memory_space<hbm>>
          tpu.enqueue_indirect_dma source(%dma_start3A_146 : memref<10000x128xf32, #tpu.memory_space<hbm>>) target(%arg10 : memref<96x128xf32, #tpu.memory_space<vmem>>) offsets(%dma_start3A_139 : memref<96xi32, #tpu.memory_space<vmem>>) semaphore(%arg12 : memref<!tpu.dma_semaphore, #tpu.memory_space<semaphore_mem>>)
        } else {
        }
        %add3A_120 = arith.constant 1 : i32
        %add3A_121 = arith.addi %add3A_76, %add3A_120 : i32
        %dma_wait3A_122 = arith.constant 0 : i32
        %dma_wait3A_123 = tpu.memref_slice %arg9[%add3A_121, %dma_wait3A_122] : memref<106x96xi32, #tpu.memory_space<vmem>> -> memref<1x96xi32, #tpu.memory_space<vmem>>
        %dma_wait3A_124 = tpu.memref_squeeze %dma_wait3A_123 : memref<1x96xi32, #tpu.memory_space<vmem>> -> memref<96xi32, #tpu.memory_space<vmem>>
        %dma_wait3A_125 = arith.constant 0 : i32
        %dma_wait3A_126 = arith.constant 0 : i32
        %dma_wait3A_127 = tpu.memref_slice %arg7[%dma_wait3A_125, %dma_wait3A_126] : memref<10112x128xf32, #tpu.memory_space<vmem_shared>> -> memref<10112x128xf32, #tpu.memory_space<vmem_shared>>
        tpu.wait_indirect_dma semaphore(%arg15 : memref<!tpu.dma_semaphore, #tpu.memory_space<semaphore_mem>>) src(%arg11 : memref<96x128xf32, #tpu.memory_space<vmem>>) dst(%dma_wait3A_127 : memref<10112x128xf32, #tpu.memory_space<vmem_shared>>)
        %add3A_128 = arith.constant 3 : i32
        %add3A_129 = arith.addi %add3A_76, %add3A_128 : i32
        %lt3A_130 = arith.constant 106 : i32
        %lt3A_131 = arith.cmpi slt, %add3A_129, %lt3A_130 : i32
        %convert_element_type3A_132 = arith.extui %lt3A_131 : i1 to i32
        %cond3A_133 = arith.constant 0 : i32
        %cond3A_134 = arith.cmpi ne, %convert_element_type3A_132, %cond3A_133 : i32
        scf.if %cond3A_134 {
          %add3A_135 = arith.constant 3 : i32
          %add3A_136 = arith.addi %add3A_76, %add3A_135 : i32
          %mul3A_137 = arith.constant 96 : i32
          %mul3A_138 = arith.muli %add3A_136, %mul3A_137 : i32
          %dma_start3A_139 = tpu.memref_slice %arg8[%mul3A_138] : memref<10176xi32, #tpu.memory_space<vmem>> -> memref<96xi32, #tpu.memory_space<vmem>>
          %dma_start3A_140 = arith.constant 0 : i32
          %dma_start3A_141 = arith.constant 0 : i32
          %dma_start3A_142 = tpu.memref_slice %arg2[%scan3A_61, %dma_start3A_140, %dma_start3A_141] : memref<4x10000x128xf32, #tpu.memory_space<hbm>> -> memref<1x10000x128xf32, #tpu.memory_space<hbm>>
          %dma_start3A_143 = tpu.memref_squeeze %dma_start3A_142 : memref<1x10000x128xf32, #tpu.memory_space<hbm>> -> memref<10000x128xf32, #tpu.memory_space<hbm>>
          %dma_start3A_144 = arith.constant 0 : i32
          %dma_start3A_145 = arith.constant 0 : i32
          %dma_start3A_146 = tpu.memref_slice %dma_start3A_143[%dma_start3A_144, %dma_start3A_145] : memref<10000x128xf32, #tpu.memory_space<hbm>> -> memref<10000x128xf32, #tpu.memory_space<hbm>>
          tpu.enqueue_indirect_dma source(%dma_start3A_146 : memref<10000x128xf32, #tpu.memory_space<hbm>>) target(%arg11 : memref<96x128xf32, #tpu.memory_space<vmem>>) offsets(%dma_start3A_139 : memref<96xi32, #tpu.memory_space<vmem>>) semaphore(%arg13 : memref<!tpu.dma_semaphore, #tpu.memory_space<semaphore_mem>>)
        } else {
        }
      }
      %scan3A_66 = arith.constant 53 : i32
      %barrier3A_67 = arith.constant 0 : index
      tpu.barrier barrier_id(%barrier3A_67)
      %mul3A_68 = arith.constant 632 : i32
      %mul3A_69 = arith.muli %arg1, %mul3A_68 : i32
      %mul3A_70 = arith.constant 632 : i32
      %mul3A_71 = arith.muli %arg1, %mul3A_70 : i32
      %run_scoped3A_72 = arith.constant 1 : i32
      "tpu.region"() ({
        %run_scoped3A_73 = tpu.sem_alloc : memref<!tpu.dma_semaphore, #tpu.memory_space<semaphore_mem>>
        %dma_start3A_74 = arith.constant 0 : i32
        %dma_start3A_75 = arith.constant 0 : i32
        %dma_start3A_76 = tpu.memref_slice %arg6[%run_scoped3A_72, %dma_start3A_74, %dma_start3A_75] : memref<4x10112x128xf32, #tpu.memory_space<hbm>> -> memref<1x10112x128xf32, #tpu.memory_space<hbm>>
        %dma_start3A_77 = tpu.memref_squeeze %dma_start3A_76 : memref<1x10112x128xf32, #tpu.memory_space<hbm>> -> memref<10112x128xf32, #tpu.memory_space<hbm>>
        %dma_start3A_78 = arith.constant 0 : i32
        %dma_start3A_79 = tpu.memref_slice %dma_start3A_77[%mul3A_71, %dma_start3A_78] : memref<10112x128xf32, #tpu.memory_space<hbm>> -> memref<632x128xf32, #tpu.memory_space<hbm>>
        %dma_start3A_80 = arith.constant 0 : i32
        %dma_start3A_81 = tpu.memref_slice %arg7[%mul3A_69, %dma_start3A_80] : memref<10112x128xf32, #tpu.memory_space<vmem_shared>> -> memref<632x128xf32, #tpu.memory_space<vmem_shared>>
        tpu.enqueue_dma source(%dma_start3A_81 : memref<632x128xf32, #tpu.memory_space<vmem_shared>>) target(%dma_start3A_79 : memref<632x128xf32, #tpu.memory_space<hbm>>) target_semaphore(%run_scoped3A_73 : memref<!tpu.dma_semaphore, #tpu.memory_space<semaphore_mem>>)
        %dma_wait3A = arith.constant 0 : i32
        %dma_wait3A_82 = arith.constant 0 : i32
        %dma_wait3A_83 = tpu.memref_slice %arg6[%run_scoped3A_72, %dma_wait3A, %dma_wait3A_82] : memref<4x10112x128xf32, #tpu.memory_space<hbm>> -> memref<1x10112x128xf32, #tpu.memory_space<hbm>>
        %dma_wait3A_84 = tpu.memref_squeeze %dma_wait3A_83 : memref<1x10112x128xf32, #tpu.memory_space<hbm>> -> memref<10112x128xf32, #tpu.memory_space<hbm>>
        %dma_wait3A_85 = arith.constant 0 : i32
        %dma_wait3A_86 = tpu.memref_slice %dma_wait3A_84[%mul3A_71, %dma_wait3A_85] : memref<10112x128xf32, #tpu.memory_space<hbm>> -> memref<632x128xf32, #tpu.memory_space<hbm>>
        %dma_wait3A_87 = arith.constant 0 : i32
        %dma_wait3A_88 = tpu.memref_slice %arg7[%mul3A_69, %dma_wait3A_87] : memref<10112x128xf32, #tpu.memory_space<vmem_shared>> -> memref<632x128xf32, #tpu.memory_space<vmem_shared>>
        tpu.wait_dma2 semaphore(%run_scoped3A_73 : memref<!tpu.dma_semaphore, #tpu.memory_space<semaphore_mem>>) src(%dma_wait3A_88 : memref<632x128xf32, #tpu.memory_space<vmem_shared>>) dst(%dma_wait3A_86 : memref<632x128xf32, #tpu.memory_space<hbm>>)
        tpu.yield
      }) : () -> ()
    } else {
    }
    %eq3A_2 = arith.constant 1 : i32
    %eq3A_3 = arith.cmpi eq, %arg0, %eq3A_2 : i32
    %convert_element_type3A_4 = arith.extui %eq3A_3 : i1 to i32
    %cond3A_5 = arith.constant 0 : i32
    %cond3A_6 = arith.cmpi ne, %convert_element_type3A_4, %cond3A_5 : i32
    scf.if %cond3A_6 {
      %mul3A = arith.constant 632 : i32
      %mul3A_7 = arith.muli %arg1, %mul3A : i32
      "tpu.region"() ({
        %run_scoped3A_73 = tpu.sem_alloc : memref<!tpu.dma_semaphore, #tpu.memory_space<semaphore_mem>>
        %dma_start3A_74 = arith.constant 0 : i32
        %dma_start3A_75 = tpu.memref_slice %arg7[%mul3A_7, %dma_start3A_74] : memref<10112x128xf32, #tpu.memory_space<vmem_shared>> -> memref<632x128xf32, #tpu.memory_space<vmem_shared>>
        tpu.enqueue_dma source(%arg5 : memref<632x128xf32, #tpu.memory_space<hbm>>) target(%dma_start3A_75 : memref<632x128xf32, #tpu.memory_space<vmem_shared>>) target_semaphore(%run_scoped3A_73 : memref<!tpu.dma_semaphore, #tpu.memory_space<semaphore_mem>>)
        %dma_wait3A = arith.constant 0 : i32
        %dma_wait3A_76 = tpu.memref_slice %arg7[%mul3A_7, %dma_wait3A] : memref<10112x128xf32, #tpu.memory_space<vmem_shared>> -> memref<632x128xf32, #tpu.memory_space<vmem_shared>>
        tpu.wait_dma2 semaphore(%run_scoped3A_73 : memref<!tpu.dma_semaphore, #tpu.memory_space<semaphore_mem>>) src(%arg5 : memref<632x128xf32, #tpu.memory_space<hbm>>) dst(%dma_wait3A_76 : memref<632x128xf32, #tpu.memory_space<vmem_shared>>)
        tpu.yield
      }) : () -> ()
      %barrier3A = arith.constant 0 : index
      tpu.barrier barrier_id(%barrier3A)
      %dma_start3A = arith.constant 2 : i32
      %dma_start3A_8 = arith.constant 0 : i32
      %dma_start3A_9 = tpu.memref_slice %arg8[%dma_start3A_8] : memref<10176xi32, #tpu.memory_space<vmem>> -> memref<96xi32, #tpu.memory_space<vmem>>
      %dma_start3A_10 = arith.constant 0 : i32
      %dma_start3A_11 = arith.constant 0 : i32
      %dma_start3A_12 = tpu.memref_slice %arg2[%dma_start3A, %dma_start3A_10, %dma_start3A_11] : memref<4x10000x128xf32, #tpu.memory_space<hbm>> -> memref<1x10000x128xf32, #tpu.memory_space<hbm>>
      %dma_start3A_13 = tpu.memref_squeeze %dma_start3A_12 : memref<1x10000x128xf32, #tpu.memory_space<hbm>> -> memref<10000x128xf32, #tpu.memory_space<hbm>>
      %dma_start3A_14 = arith.constant 0 : i32
      %dma_start3A_15 = arith.constant 0 : i32
      %dma_start3A_16 = tpu.memref_slice %dma_start3A_13[%dma_start3A_14, %dma_start3A_15] : memref<10000x128xf32, #tpu.memory_space<hbm>> -> memref<10000x128xf32, #tpu.memory_space<hbm>>
      tpu.enqueue_indirect_dma source(%dma_start3A_16 : memref<10000x128xf32, #tpu.memory_space<hbm>>) target(%arg10 : memref<96x128xf32, #tpu.memory_space<vmem>>) offsets(%dma_start3A_9 : memref<96xi32, #tpu.memory_space<vmem>>) semaphore(%arg12 : memref<!tpu.dma_semaphore, #tpu.memory_space<semaphore_mem>>)
      %dma_start3A_17 = arith.constant 2 : i32
      %dma_start3A_18 = arith.constant 96 : i32
      %dma_start3A_19 = tpu.memref_slice %arg8[%dma_start3A_18] : memref<10176xi32, #tpu.memory_space<vmem>> -> memref<96xi32, #tpu.memory_space<vmem>>
      %dma_start3A_20 = arith.constant 0 : i32
      %dma_start3A_21 = arith.constant 0 : i32
      %dma_start3A_22 = tpu.memref_slice %arg2[%dma_start3A_17, %dma_start3A_20, %dma_start3A_21] : memref<4x10000x128xf32, #tpu.memory_space<hbm>> -> memref<1x10000x128xf32, #tpu.memory_space<hbm>>
      %dma_start3A_23 = tpu.memref_squeeze %dma_start3A_22 : memref<1x10000x128xf32, #tpu.memory_space<hbm>> -> memref<10000x128xf32, #tpu.memory_space<hbm>>
      %dma_start3A_24 = arith.constant 0 : i32
      %dma_start3A_25 = arith.constant 0 : i32
      %dma_start3A_26 = tpu.memref_slice %dma_start3A_23[%dma_start3A_24, %dma_start3A_25] : memref<10000x128xf32, #tpu.memory_space<hbm>> -> memref<10000x128xf32, #tpu.memory_space<hbm>>
      tpu.enqueue_indirect_dma source(%dma_start3A_26 : memref<10000x128xf32, #tpu.memory_space<hbm>>) target(%arg11 : memref<96x128xf32, #tpu.memory_space<vmem>>) offsets(%dma_start3A_19 : memref<96xi32, #tpu.memory_space<vmem>>) semaphore(%arg13 : memref<!tpu.dma_semaphore, #tpu.memory_space<semaphore_mem>>)
      %scan3A = arith.constant 2 : i32
      %scan3A_27 = arith.constant 0 : i32
      %scan3A_28 = arith.constant 53 : i32
      %scan3A_29 = arith.addi %scan3A_27, %scan3A_28 : i32
      %scan3A_30 = arith.constant 1 : i32
      scf.for %scan3A_73 = %scan3A_27 to %scan3A_29 step %scan3A_30  : i32 {
        %mul3A_74 = arith.constant 2 : i32
        %mul3A_75 = arith.muli %scan3A_73, %mul3A_74 : i32
        %add3A = arith.constant 0 : i32
        %add3A_76 = arith.addi %add3A, %mul3A_75 : i32
        %dma_wait3A = arith.constant 0 : i32
        %dma_wait3A_77 = tpu.memref_slice %arg8[%dma_wait3A] : memref<10176xi32, #tpu.memory_space<vmem>> -> memref<96xi32, #tpu.memory_space<vmem>>
        %dma_wait3A_78 = arith.constant 0 : i32
        %dma_wait3A_79 = arith.constant 0 : i32
        %dma_wait3A_80 = tpu.memref_slice %arg2[%scan3A, %dma_wait3A_78, %dma_wait3A_79] : memref<4x10000x128xf32, #tpu.memory_space<hbm>> -> memref<1x10000x128xf32, #tpu.memory_space<hbm>>
        %dma_wait3A_81 = tpu.memref_squeeze %dma_wait3A_80 : memref<1x10000x128xf32, #tpu.memory_space<hbm>> -> memref<10000x128xf32, #tpu.memory_space<hbm>>
        %dma_wait3A_82 = arith.constant 0 : i32
        %dma_wait3A_83 = arith.constant 0 : i32
        %dma_wait3A_84 = tpu.memref_slice %dma_wait3A_81[%dma_wait3A_82, %dma_wait3A_83] : memref<10000x128xf32, #tpu.memory_space<hbm>> -> memref<10000x128xf32, #tpu.memory_space<hbm>>
        tpu.wait_indirect_dma semaphore(%arg12 : memref<!tpu.dma_semaphore, #tpu.memory_space<semaphore_mem>>) src(%dma_wait3A_84 : memref<10000x128xf32, #tpu.memory_space<hbm>>) dst(%arg10 : memref<96x128xf32, #tpu.memory_space<vmem>>)
        %dma_start3A_85 = arith.constant 0 : i32
        %dma_start3A_86 = tpu.memref_slice %arg9[%add3A_76, %dma_start3A_85] : memref<106x96xi32, #tpu.memory_space<vmem>> -> memref<1x96xi32, #tpu.memory_space<vmem>>
        %dma_start3A_87 = tpu.memref_squeeze %dma_start3A_86 : memref<1x96xi32, #tpu.memory_space<vmem>> -> memref<96xi32, #tpu.memory_space<vmem>>
        %dma_start3A_88 = arith.constant 0 : i32
        %dma_start3A_89 = arith.constant 0 : i32
        %dma_start3A_90 = tpu.memref_slice %arg7[%dma_start3A_88, %dma_start3A_89] : memref<10112x128xf32, #tpu.memory_space<vmem_shared>> -> memref<10112x128xf32, #tpu.memory_space<vmem_shared>>
        tpu.enqueue_indirect_dma source(%arg10 : memref<96x128xf32, #tpu.memory_space<vmem>>) target(%dma_start3A_90 : memref<10112x128xf32, #tpu.memory_space<vmem_shared>>) offsets(%dma_start3A_87 : memref<96xi32, #tpu.memory_space<vmem>>) semaphore(%arg14 : memref<!tpu.dma_semaphore, #tpu.memory_space<semaphore_mem>>) {add = true}
        %dma_wait3A_91 = arith.constant 0 : i32
        %dma_wait3A_92 = tpu.memref_slice %arg8[%dma_wait3A_91] : memref<10176xi32, #tpu.memory_space<vmem>> -> memref<96xi32, #tpu.memory_space<vmem>>
        %dma_wait3A_93 = arith.constant 0 : i32
        %dma_wait3A_94 = arith.constant 0 : i32
        %dma_wait3A_95 = tpu.memref_slice %arg2[%scan3A, %dma_wait3A_93, %dma_wait3A_94] : memref<4x10000x128xf32, #tpu.memory_space<hbm>> -> memref<1x10000x128xf32, #tpu.memory_space<hbm>>
        %dma_wait3A_96 = tpu.memref_squeeze %dma_wait3A_95 : memref<1x10000x128xf32, #tpu.memory_space<hbm>> -> memref<10000x128xf32, #tpu.memory_space<hbm>>
        %dma_wait3A_97 = arith.constant 0 : i32
        %dma_wait3A_98 = arith.constant 0 : i32
        %dma_wait3A_99 = tpu.memref_slice %dma_wait3A_96[%dma_wait3A_97, %dma_wait3A_98] : memref<10000x128xf32, #tpu.memory_space<hbm>> -> memref<10000x128xf32, #tpu.memory_space<hbm>>
        tpu.wait_indirect_dma semaphore(%arg13 : memref<!tpu.dma_semaphore, #tpu.memory_space<semaphore_mem>>) src(%dma_wait3A_99 : memref<10000x128xf32, #tpu.memory_space<hbm>>) dst(%arg11 : memref<96x128xf32, #tpu.memory_space<vmem>>)
        %add3A_100 = arith.constant 1 : i32
        %add3A_101 = arith.addi %add3A_76, %add3A_100 : i32
        %dma_start3A_102 = arith.constant 0 : i32
        %dma_start3A_103 = tpu.memref_slice %arg9[%add3A_101, %dma_start3A_102] : memref<106x96xi32, #tpu.memory_space<vmem>> -> memref<1x96xi32, #tpu.memory_space<vmem>>
        %dma_start3A_104 = tpu.memref_squeeze %dma_start3A_103 : memref<1x96xi32, #tpu.memory_space<vmem>> -> memref<96xi32, #tpu.memory_space<vmem>>
        %dma_start3A_105 = arith.constant 0 : i32
        %dma_start3A_106 = arith.constant 0 : i32
        %dma_start3A_107 = tpu.memref_slice %arg7[%dma_start3A_105, %dma_start3A_106] : memref<10112x128xf32, #tpu.memory_space<vmem_shared>> -> memref<10112x128xf32, #tpu.memory_space<vmem_shared>>
        tpu.enqueue_indirect_dma source(%arg11 : memref<96x128xf32, #tpu.memory_space<vmem>>) target(%dma_start3A_107 : memref<10112x128xf32, #tpu.memory_space<vmem_shared>>) offsets(%dma_start3A_104 : memref<96xi32, #tpu.memory_space<vmem>>) semaphore(%arg15 : memref<!tpu.dma_semaphore, #tpu.memory_space<semaphore_mem>>) {add = true}
        %dma_wait3A_108 = arith.constant 0 : i32
        %dma_wait3A_109 = tpu.memref_slice %arg9[%add3A_76, %dma_wait3A_108] : memref<106x96xi32, #tpu.memory_space<vmem>> -> memref<1x96xi32, #tpu.memory_space<vmem>>
        %dma_wait3A_110 = tpu.memref_squeeze %dma_wait3A_109 : memref<1x96xi32, #tpu.memory_space<vmem>> -> memref<96xi32, #tpu.memory_space<vmem>>
        %dma_wait3A_111 = arith.constant 0 : i32
        %dma_wait3A_112 = arith.constant 0 : i32
        %dma_wait3A_113 = tpu.memref_slice %arg7[%dma_wait3A_111, %dma_wait3A_112] : memref<10112x128xf32, #tpu.memory_space<vmem_shared>> -> memref<10112x128xf32, #tpu.memory_space<vmem_shared>>
        tpu.wait_indirect_dma semaphore(%arg14 : memref<!tpu.dma_semaphore, #tpu.memory_space<semaphore_mem>>) src(%arg10 : memref<96x128xf32, #tpu.memory_space<vmem>>) dst(%dma_wait3A_113 : memref<10112x128xf32, #tpu.memory_space<vmem_shared>>)
        %add3A_114 = arith.constant 2 : i32
        %add3A_115 = arith.addi %add3A_76, %add3A_114 : i32
        %lt3A = arith.constant 106 : i32
        %lt3A_116 = arith.cmpi slt, %add3A_115, %lt3A : i32
        %convert_element_type3A_117 = arith.extui %lt3A_116 : i1 to i32
        %cond3A_118 = arith.constant 0 : i32
        %cond3A_119 = arith.cmpi ne, %convert_element_type3A_117, %cond3A_118 : i32
        scf.if %cond3A_119 {
          %add3A_135 = arith.constant 2 : i32
          %add3A_136 = arith.addi %add3A_76, %add3A_135 : i32
          %mul3A_137 = arith.constant 96 : i32
          %mul3A_138 = arith.muli %add3A_136, %mul3A_137 : i32
          %dma_start3A_139 = tpu.memref_slice %arg8[%mul3A_138] : memref<10176xi32, #tpu.memory_space<vmem>> -> memref<96xi32, #tpu.memory_space<vmem>>
          %dma_start3A_140 = arith.constant 0 : i32
          %dma_start3A_141 = arith.constant 0 : i32
          %dma_start3A_142 = tpu.memref_slice %arg2[%scan3A, %dma_start3A_140, %dma_start3A_141] : memref<4x10000x128xf32, #tpu.memory_space<hbm>> -> memref<1x10000x128xf32, #tpu.memory_space<hbm>>
          %dma_start3A_143 = tpu.memref_squeeze %dma_start3A_142 : memref<1x10000x128xf32, #tpu.memory_space<hbm>> -> memref<10000x128xf32, #tpu.memory_space<hbm>>
          %dma_start3A_144 = arith.constant 0 : i32
          %dma_start3A_145 = arith.constant 0 : i32
          %dma_start3A_146 = tpu.memref_slice %dma_start3A_143[%dma_start3A_144, %dma_start3A_145] : memref<10000x128xf32, #tpu.memory_space<hbm>> -> memref<10000x128xf32, #tpu.memory_space<hbm>>
          tpu.enqueue_indirect_dma source(%dma_start3A_146 : memref<10000x128xf32, #tpu.memory_space<hbm>>) target(%arg10 : memref<96x128xf32, #tpu.memory_space<vmem>>) offsets(%dma_start3A_139 : memref<96xi32, #tpu.memory_space<vmem>>) semaphore(%arg12 : memref<!tpu.dma_semaphore, #tpu.memory_space<semaphore_mem>>)
        } else {
        }
        %add3A_120 = arith.constant 1 : i32
        %add3A_121 = arith.addi %add3A_76, %add3A_120 : i32
        %dma_wait3A_122 = arith.constant 0 : i32
        %dma_wait3A_123 = tpu.memref_slice %arg9[%add3A_121, %dma_wait3A_122] : memref<106x96xi32, #tpu.memory_space<vmem>> -> memref<1x96xi32, #tpu.memory_space<vmem>>
        %dma_wait3A_124 = tpu.memref_squeeze %dma_wait3A_123 : memref<1x96xi32, #tpu.memory_space<vmem>> -> memref<96xi32, #tpu.memory_space<vmem>>
        %dma_wait3A_125 = arith.constant 0 : i32
        %dma_wait3A_126 = arith.constant 0 : i32
        %dma_wait3A_127 = tpu.memref_slice %arg7[%dma_wait3A_125, %dma_wait3A_126] : memref<10112x128xf32, #tpu.memory_space<vmem_shared>> -> memref<10112x128xf32, #tpu.memory_space<vmem_shared>>
        tpu.wait_indirect_dma semaphore(%arg15 : memref<!tpu.dma_semaphore, #tpu.memory_space<semaphore_mem>>) src(%arg11 : memref<96x128xf32, #tpu.memory_space<vmem>>) dst(%dma_wait3A_127 : memref<10112x128xf32, #tpu.memory_space<vmem_shared>>)
        %add3A_128 = arith.constant 3 : i32
        %add3A_129 = arith.addi %add3A_76, %add3A_128 : i32
        %lt3A_130 = arith.constant 106 : i32
        %lt3A_131 = arith.cmpi slt, %add3A_129, %lt3A_130 : i32
        %convert_element_type3A_132 = arith.extui %lt3A_131 : i1 to i32
        %cond3A_133 = arith.constant 0 : i32
        %cond3A_134 = arith.cmpi ne, %convert_element_type3A_132, %cond3A_133 : i32
        scf.if %cond3A_134 {
          %add3A_135 = arith.constant 3 : i32
          %add3A_136 = arith.addi %add3A_76, %add3A_135 : i32
          %mul3A_137 = arith.constant 96 : i32
          %mul3A_138 = arith.muli %add3A_136, %mul3A_137 : i32
          %dma_start3A_139 = tpu.memref_slice %arg8[%mul3A_138] : memref<10176xi32, #tpu.memory_space<vmem>> -> memref<96xi32, #tpu.memory_space<vmem>>
          %dma_start3A_140 = arith.constant 0 : i32
          %dma_start3A_141 = arith.constant 0 : i32
          %dma_start3A_142 = tpu.memref_slice %arg2[%scan3A, %dma_start3A_140, %dma_start3A_141] : memref<4x10000x128xf32, #tpu.memory_space<hbm>> -> memref<1x10000x128xf32, #tpu.memory_space<hbm>>
          %dma_start3A_143 = tpu.memref_squeeze %dma_start3A_142 : memref<1x10000x128xf32, #tpu.memory_space<hbm>> -> memref<10000x128xf32, #tpu.memory_space<hbm>>
          %dma_start3A_144 = arith.constant 0 : i32
          %dma_start3A_145 = arith.constant 0 : i32
          %dma_start3A_146 = tpu.memref_slice %dma_start3A_143[%dma_start3A_144, %dma_start3A_145] : memref<10000x128xf32, #tpu.memory_space<hbm>> -> memref<10000x128xf32, #tpu.memory_space<hbm>>
          tpu.enqueue_indirect_dma source(%dma_start3A_146 : memref<10000x128xf32, #tpu.memory_space<hbm>>) target(%arg11 : memref<96x128xf32, #tpu.memory_space<vmem>>) offsets(%dma_start3A_139 : memref<96xi32, #tpu.memory_space<vmem>>) semaphore(%arg13 : memref<!tpu.dma_semaphore, #tpu.memory_space<semaphore_mem>>)
        } else {
        }
      }
      %scan3A_31 = arith.constant 53 : i32
      %barrier3A_32 = arith.constant 0 : index
      tpu.barrier barrier_id(%barrier3A_32)
      %mul3A_33 = arith.constant 632 : i32
      %mul3A_34 = arith.muli %arg1, %mul3A_33 : i32
      %mul3A_35 = arith.constant 632 : i32
      %mul3A_36 = arith.muli %arg1, %mul3A_35 : i32
      %run_scoped3A = arith.constant 2 : i32
      "tpu.region"() ({
        %run_scoped3A_73 = tpu.sem_alloc : memref<!tpu.dma_semaphore, #tpu.memory_space<semaphore_mem>>
        %dma_start3A_74 = arith.constant 0 : i32
        %dma_start3A_75 = arith.constant 0 : i32
        %dma_start3A_76 = tpu.memref_slice %arg6[%run_scoped3A, %dma_start3A_74, %dma_start3A_75] : memref<4x10112x128xf32, #tpu.memory_space<hbm>> -> memref<1x10112x128xf32, #tpu.memory_space<hbm>>
        %dma_start3A_77 = tpu.memref_squeeze %dma_start3A_76 : memref<1x10112x128xf32, #tpu.memory_space<hbm>> -> memref<10112x128xf32, #tpu.memory_space<hbm>>
        %dma_start3A_78 = arith.constant 0 : i32
        %dma_start3A_79 = tpu.memref_slice %dma_start3A_77[%mul3A_36, %dma_start3A_78] : memref<10112x128xf32, #tpu.memory_space<hbm>> -> memref<632x128xf32, #tpu.memory_space<hbm>>
        %dma_start3A_80 = arith.constant 0 : i32
        %dma_start3A_81 = tpu.memref_slice %arg7[%mul3A_34, %dma_start3A_80] : memref<10112x128xf32, #tpu.memory_space<vmem_shared>> -> memref<632x128xf32, #tpu.memory_space<vmem_shared>>
        tpu.enqueue_dma source(%dma_start3A_81 : memref<632x128xf32, #tpu.memory_space<vmem_shared>>) target(%dma_start3A_79 : memref<632x128xf32, #tpu.memory_space<hbm>>) target_semaphore(%run_scoped3A_73 : memref<!tpu.dma_semaphore, #tpu.memory_space<semaphore_mem>>)
        %dma_wait3A = arith.constant 0 : i32
        %dma_wait3A_82 = arith.constant 0 : i32
        %dma_wait3A_83 = tpu.memref_slice %arg6[%run_scoped3A, %dma_wait3A, %dma_wait3A_82] : memref<4x10112x128xf32, #tpu.memory_space<hbm>> -> memref<1x10112x128xf32, #tpu.memory_space<hbm>>
        %dma_wait3A_84 = tpu.memref_squeeze %dma_wait3A_83 : memref<1x10112x128xf32, #tpu.memory_space<hbm>> -> memref<10112x128xf32, #tpu.memory_space<hbm>>
        %dma_wait3A_85 = arith.constant 0 : i32
        %dma_wait3A_86 = tpu.memref_slice %dma_wait3A_84[%mul3A_36, %dma_wait3A_85] : memref<10112x128xf32, #tpu.memory_space<hbm>> -> memref<632x128xf32, #tpu.memory_space<hbm>>
        %dma_wait3A_87 = arith.constant 0 : i32
        %dma_wait3A_88 = tpu.memref_slice %arg7[%mul3A_34, %dma_wait3A_87] : memref<10112x128xf32, #tpu.memory_space<vmem_shared>> -> memref<632x128xf32, #tpu.memory_space<vmem_shared>>
        tpu.wait_dma2 semaphore(%run_scoped3A_73 : memref<!tpu.dma_semaphore, #tpu.memory_space<semaphore_mem>>) src(%dma_wait3A_88 : memref<632x128xf32, #tpu.memory_space<vmem_shared>>) dst(%dma_wait3A_86 : memref<632x128xf32, #tpu.memory_space<hbm>>)
        tpu.yield
      }) : () -> ()
      %barrier3A_37 = arith.constant 0 : index
      tpu.barrier barrier_id(%barrier3A_37)
      %mul3A_38 = arith.constant 632 : i32
      %mul3A_39 = arith.muli %arg1, %mul3A_38 : i32
      "tpu.region"() ({
        %run_scoped3A_73 = tpu.sem_alloc : memref<!tpu.dma_semaphore, #tpu.memory_space<semaphore_mem>>
        %dma_start3A_74 = arith.constant 0 : i32
        %dma_start3A_75 = tpu.memref_slice %arg7[%mul3A_39, %dma_start3A_74] : memref<10112x128xf32, #tpu.memory_space<vmem_shared>> -> memref<632x128xf32, #tpu.memory_space<vmem_shared>>
        tpu.enqueue_dma source(%arg5 : memref<632x128xf32, #tpu.memory_space<hbm>>) target(%dma_start3A_75 : memref<632x128xf32, #tpu.memory_space<vmem_shared>>) target_semaphore(%run_scoped3A_73 : memref<!tpu.dma_semaphore, #tpu.memory_space<semaphore_mem>>)
        %dma_wait3A = arith.constant 0 : i32
        %dma_wait3A_76 = tpu.memref_slice %arg7[%mul3A_39, %dma_wait3A] : memref<10112x128xf32, #tpu.memory_space<vmem_shared>> -> memref<632x128xf32, #tpu.memory_space<vmem_shared>>
        tpu.wait_dma2 semaphore(%run_scoped3A_73 : memref<!tpu.dma_semaphore, #tpu.memory_space<semaphore_mem>>) src(%arg5 : memref<632x128xf32, #tpu.memory_space<hbm>>) dst(%dma_wait3A_76 : memref<632x128xf32, #tpu.memory_space<vmem_shared>>)
        tpu.yield
      }) : () -> ()
      %barrier3A_40 = arith.constant 0 : index
      tpu.barrier barrier_id(%barrier3A_40)
      %dma_start3A_41 = arith.constant 3 : i32
      %dma_start3A_42 = arith.constant 0 : i32
      %dma_start3A_43 = tpu.memref_slice %arg8[%dma_start3A_42] : memref<10176xi32, #tpu.memory_space<vmem>> -> memref<96xi32, #tpu.memory_space<vmem>>
      %dma_start3A_44 = arith.constant 0 : i32
      %dma_start3A_45 = arith.constant 0 : i32
      %dma_start3A_46 = tpu.memref_slice %arg2[%dma_start3A_41, %dma_start3A_44, %dma_start3A_45] : memref<4x10000x128xf32, #tpu.memory_space<hbm>> -> memref<1x10000x128xf32, #tpu.memory_space<hbm>>
      %dma_start3A_47 = tpu.memref_squeeze %dma_start3A_46 : memref<1x10000x128xf32, #tpu.memory_space<hbm>> -> memref<10000x128xf32, #tpu.memory_space<hbm>>
      %dma_start3A_48 = arith.constant 0 : i32
      %dma_start3A_49 = arith.constant 0 : i32
      %dma_start3A_50 = tpu.memref_slice %dma_start3A_47[%dma_start3A_48, %dma_start3A_49] : memref<10000x128xf32, #tpu.memory_space<hbm>> -> memref<10000x128xf32, #tpu.memory_space<hbm>>
      tpu.enqueue_indirect_dma source(%dma_start3A_50 : memref<10000x128xf32, #tpu.memory_space<hbm>>) target(%arg10 : memref<96x128xf32, #tpu.memory_space<vmem>>) offsets(%dma_start3A_43 : memref<96xi32, #tpu.memory_space<vmem>>) semaphore(%arg12 : memref<!tpu.dma_semaphore, #tpu.memory_space<semaphore_mem>>)
      %dma_start3A_51 = arith.constant 3 : i32
      %dma_start3A_52 = arith.constant 96 : i32
      %dma_start3A_53 = tpu.memref_slice %arg8[%dma_start3A_52] : memref<10176xi32, #tpu.memory_space<vmem>> -> memref<96xi32, #tpu.memory_space<vmem>>
      %dma_start3A_54 = arith.constant 0 : i32
      %dma_start3A_55 = arith.constant 0 : i32
      %dma_start3A_56 = tpu.memref_slice %arg2[%dma_start3A_51, %dma_start3A_54, %dma_start3A_55] : memref<4x10000x128xf32, #tpu.memory_space<hbm>> -> memref<1x10000x128xf32, #tpu.memory_space<hbm>>
      %dma_start3A_57 = tpu.memref_squeeze %dma_start3A_56 : memref<1x10000x128xf32, #tpu.memory_space<hbm>> -> memref<10000x128xf32, #tpu.memory_space<hbm>>
      %dma_start3A_58 = arith.constant 0 : i32
      %dma_start3A_59 = arith.constant 0 : i32
      %dma_start3A_60 = tpu.memref_slice %dma_start3A_57[%dma_start3A_58, %dma_start3A_59] : memref<10000x128xf32, #tpu.memory_space<hbm>> -> memref<10000x128xf32, #tpu.memory_space<hbm>>
      tpu.enqueue_indirect_dma source(%dma_start3A_60 : memref<10000x128xf32, #tpu.memory_space<hbm>>) target(%arg11 : memref<96x128xf32, #tpu.memory_space<vmem>>) offsets(%dma_start3A_53 : memref<96xi32, #tpu.memory_space<vmem>>) semaphore(%arg13 : memref<!tpu.dma_semaphore, #tpu.memory_space<semaphore_mem>>)
      %scan3A_61 = arith.constant 3 : i32
      %scan3A_62 = arith.constant 0 : i32
      %scan3A_63 = arith.constant 53 : i32
      %scan3A_64 = arith.addi %scan3A_62, %scan3A_63 : i32
      %scan3A_65 = arith.constant 1 : i32
      scf.for %scan3A_73 = %scan3A_62 to %scan3A_64 step %scan3A_65  : i32 {
        %mul3A_74 = arith.constant 2 : i32
        %mul3A_75 = arith.muli %scan3A_73, %mul3A_74 : i32
        %add3A = arith.constant 0 : i32
        %add3A_76 = arith.addi %add3A, %mul3A_75 : i32
        %dma_wait3A = arith.constant 0 : i32
        %dma_wait3A_77 = tpu.memref_slice %arg8[%dma_wait3A] : memref<10176xi32, #tpu.memory_space<vmem>> -> memref<96xi32, #tpu.memory_space<vmem>>
        %dma_wait3A_78 = arith.constant 0 : i32
        %dma_wait3A_79 = arith.constant 0 : i32
        %dma_wait3A_80 = tpu.memref_slice %arg2[%scan3A_61, %dma_wait3A_78, %dma_wait3A_79] : memref<4x10000x128xf32, #tpu.memory_space<hbm>> -> memref<1x10000x128xf32, #tpu.memory_space<hbm>>
        %dma_wait3A_81 = tpu.memref_squeeze %dma_wait3A_80 : memref<1x10000x128xf32, #tpu.memory_space<hbm>> -> memref<10000x128xf32, #tpu.memory_space<hbm>>
        %dma_wait3A_82 = arith.constant 0 : i32
        %dma_wait3A_83 = arith.constant 0 : i32
        %dma_wait3A_84 = tpu.memref_slice %dma_wait3A_81[%dma_wait3A_82, %dma_wait3A_83] : memref<10000x128xf32, #tpu.memory_space<hbm>> -> memref<10000x128xf32, #tpu.memory_space<hbm>>
        tpu.wait_indirect_dma semaphore(%arg12 : memref<!tpu.dma_semaphore, #tpu.memory_space<semaphore_mem>>) src(%dma_wait3A_84 : memref<10000x128xf32, #tpu.memory_space<hbm>>) dst(%arg10 : memref<96x128xf32, #tpu.memory_space<vmem>>)
        %dma_start3A_85 = arith.constant 0 : i32
        %dma_start3A_86 = tpu.memref_slice %arg9[%add3A_76, %dma_start3A_85] : memref<106x96xi32, #tpu.memory_space<vmem>> -> memref<1x96xi32, #tpu.memory_space<vmem>>
        %dma_start3A_87 = tpu.memref_squeeze %dma_start3A_86 : memref<1x96xi32, #tpu.memory_space<vmem>> -> memref<96xi32, #tpu.memory_space<vmem>>
        %dma_start3A_88 = arith.constant 0 : i32
        %dma_start3A_89 = arith.constant 0 : i32
        %dma_start3A_90 = tpu.memref_slice %arg7[%dma_start3A_88, %dma_start3A_89] : memref<10112x128xf32, #tpu.memory_space<vmem_shared>> -> memref<10112x128xf32, #tpu.memory_space<vmem_shared>>
        tpu.enqueue_indirect_dma source(%arg10 : memref<96x128xf32, #tpu.memory_space<vmem>>) target(%dma_start3A_90 : memref<10112x128xf32, #tpu.memory_space<vmem_shared>>) offsets(%dma_start3A_87 : memref<96xi32, #tpu.memory_space<vmem>>) semaphore(%arg14 : memref<!tpu.dma_semaphore, #tpu.memory_space<semaphore_mem>>) {add = true}
        %dma_wait3A_91 = arith.constant 0 : i32
        %dma_wait3A_92 = tpu.memref_slice %arg8[%dma_wait3A_91] : memref<10176xi32, #tpu.memory_space<vmem>> -> memref<96xi32, #tpu.memory_space<vmem>>
        %dma_wait3A_93 = arith.constant 0 : i32
        %dma_wait3A_94 = arith.constant 0 : i32
        %dma_wait3A_95 = tpu.memref_slice %arg2[%scan3A_61, %dma_wait3A_93, %dma_wait3A_94] : memref<4x10000x128xf32, #tpu.memory_space<hbm>> -> memref<1x10000x128xf32, #tpu.memory_space<hbm>>
        %dma_wait3A_96 = tpu.memref_squeeze %dma_wait3A_95 : memref<1x10000x128xf32, #tpu.memory_space<hbm>> -> memref<10000x128xf32, #tpu.memory_space<hbm>>
        %dma_wait3A_97 = arith.constant 0 : i32
        %dma_wait3A_98 = arith.constant 0 : i32
        %dma_wait3A_99 = tpu.memref_slice %dma_wait3A_96[%dma_wait3A_97, %dma_wait3A_98] : memref<10000x128xf32, #tpu.memory_space<hbm>> -> memref<10000x128xf32, #tpu.memory_space<hbm>>
        tpu.wait_indirect_dma semaphore(%arg13 : memref<!tpu.dma_semaphore, #tpu.memory_space<semaphore_mem>>) src(%dma_wait3A_99 : memref<10000x128xf32, #tpu.memory_space<hbm>>) dst(%arg11 : memref<96x128xf32, #tpu.memory_space<vmem>>)
        %add3A_100 = arith.constant 1 : i32
        %add3A_101 = arith.addi %add3A_76, %add3A_100 : i32
        %dma_start3A_102 = arith.constant 0 : i32
        %dma_start3A_103 = tpu.memref_slice %arg9[%add3A_101, %dma_start3A_102] : memref<106x96xi32, #tpu.memory_space<vmem>> -> memref<1x96xi32, #tpu.memory_space<vmem>>
        %dma_start3A_104 = tpu.memref_squeeze %dma_start3A_103 : memref<1x96xi32, #tpu.memory_space<vmem>> -> memref<96xi32, #tpu.memory_space<vmem>>
        %dma_start3A_105 = arith.constant 0 : i32
        %dma_start3A_106 = arith.constant 0 : i32
        %dma_start3A_107 = tpu.memref_slice %arg7[%dma_start3A_105, %dma_start3A_106] : memref<10112x128xf32, #tpu.memory_space<vmem_shared>> -> memref<10112x128xf32, #tpu.memory_space<vmem_shared>>
        tpu.enqueue_indirect_dma source(%arg11 : memref<96x128xf32, #tpu.memory_space<vmem>>) target(%dma_start3A_107 : memref<10112x128xf32, #tpu.memory_space<vmem_shared>>) offsets(%dma_start3A_104 : memref<96xi32, #tpu.memory_space<vmem>>) semaphore(%arg15 : memref<!tpu.dma_semaphore, #tpu.memory_space<semaphore_mem>>) {add = true}
        %dma_wait3A_108 = arith.constant 0 : i32
        %dma_wait3A_109 = tpu.memref_slice %arg9[%add3A_76, %dma_wait3A_108] : memref<106x96xi32, #tpu.memory_space<vmem>> -> memref<1x96xi32, #tpu.memory_space<vmem>>
        %dma_wait3A_110 = tpu.memref_squeeze %dma_wait3A_109 : memref<1x96xi32, #tpu.memory_space<vmem>> -> memref<96xi32, #tpu.memory_space<vmem>>
        %dma_wait3A_111 = arith.constant 0 : i32
        %dma_wait3A_112 = arith.constant 0 : i32
        %dma_wait3A_113 = tpu.memref_slice %arg7[%dma_wait3A_111, %dma_wait3A_112] : memref<10112x128xf32, #tpu.memory_space<vmem_shared>> -> memref<10112x128xf32, #tpu.memory_space<vmem_shared>>
        tpu.wait_indirect_dma semaphore(%arg14 : memref<!tpu.dma_semaphore, #tpu.memory_space<semaphore_mem>>) src(%arg10 : memref<96x128xf32, #tpu.memory_space<vmem>>) dst(%dma_wait3A_113 : memref<10112x128xf32, #tpu.memory_space<vmem_shared>>)
        %add3A_114 = arith.constant 2 : i32
        %add3A_115 = arith.addi %add3A_76, %add3A_114 : i32
        %lt3A = arith.constant 106 : i32
        %lt3A_116 = arith.cmpi slt, %add3A_115, %lt3A : i32
        %convert_element_type3A_117 = arith.extui %lt3A_116 : i1 to i32
        %cond3A_118 = arith.constant 0 : i32
        %cond3A_119 = arith.cmpi ne, %convert_element_type3A_117, %cond3A_118 : i32
        scf.if %cond3A_119 {
          %add3A_135 = arith.constant 2 : i32
          %add3A_136 = arith.addi %add3A_76, %add3A_135 : i32
          %mul3A_137 = arith.constant 96 : i32
          %mul3A_138 = arith.muli %add3A_136, %mul3A_137 : i32
          %dma_start3A_139 = tpu.memref_slice %arg8[%mul3A_138] : memref<10176xi32, #tpu.memory_space<vmem>> -> memref<96xi32, #tpu.memory_space<vmem>>
          %dma_start3A_140 = arith.constant 0 : i32
          %dma_start3A_141 = arith.constant 0 : i32
          %dma_start3A_142 = tpu.memref_slice %arg2[%scan3A_61, %dma_start3A_140, %dma_start3A_141] : memref<4x10000x128xf32, #tpu.memory_space<hbm>> -> memref<1x10000x128xf32, #tpu.memory_space<hbm>>
          %dma_start3A_143 = tpu.memref_squeeze %dma_start3A_142 : memref<1x10000x128xf32, #tpu.memory_space<hbm>> -> memref<10000x128xf32, #tpu.memory_space<hbm>>
          %dma_start3A_144 = arith.constant 0 : i32
          %dma_start3A_145 = arith.constant 0 : i32
          %dma_start3A_146 = tpu.memref_slice %dma_start3A_143[%dma_start3A_144, %dma_start3A_145] : memref<10000x128xf32, #tpu.memory_space<hbm>> -> memref<10000x128xf32, #tpu.memory_space<hbm>>
          tpu.enqueue_indirect_dma source(%dma_start3A_146 : memref<10000x128xf32, #tpu.memory_space<hbm>>) target(%arg10 : memref<96x128xf32, #tpu.memory_space<vmem>>) offsets(%dma_start3A_139 : memref<96xi32, #tpu.memory_space<vmem>>) semaphore(%arg12 : memref<!tpu.dma_semaphore, #tpu.memory_space<semaphore_mem>>)
        } else {
        }
        %add3A_120 = arith.constant 1 : i32
        %add3A_121 = arith.addi %add3A_76, %add3A_120 : i32
        %dma_wait3A_122 = arith.constant 0 : i32
        %dma_wait3A_123 = tpu.memref_slice %arg9[%add3A_121, %dma_wait3A_122] : memref<106x96xi32, #tpu.memory_space<vmem>> -> memref<1x96xi32, #tpu.memory_space<vmem>>
        %dma_wait3A_124 = tpu.memref_squeeze %dma_wait3A_123 : memref<1x96xi32, #tpu.memory_space<vmem>> -> memref<96xi32, #tpu.memory_space<vmem>>
        %dma_wait3A_125 = arith.constant 0 : i32
        %dma_wait3A_126 = arith.constant 0 : i32
        %dma_wait3A_127 = tpu.memref_slice %arg7[%dma_wait3A_125, %dma_wait3A_126] : memref<10112x128xf32, #tpu.memory_space<vmem_shared>> -> memref<10112x128xf32, #tpu.memory_space<vmem_shared>>
        tpu.wait_indirect_dma semaphore(%arg15 : memref<!tpu.dma_semaphore, #tpu.memory_space<semaphore_mem>>) src(%arg11 : memref<96x128xf32, #tpu.memory_space<vmem>>) dst(%dma_wait3A_127 : memref<10112x128xf32, #tpu.memory_space<vmem_shared>>)
        %add3A_128 = arith.constant 3 : i32
        %add3A_129 = arith.addi %add3A_76, %add3A_128 : i32
        %lt3A_130 = arith.constant 106 : i32
        %lt3A_131 = arith.cmpi slt, %add3A_129, %lt3A_130 : i32
        %convert_element_type3A_132 = arith.extui %lt3A_131 : i1 to i32
        %cond3A_133 = arith.constant 0 : i32
        %cond3A_134 = arith.cmpi ne, %convert_element_type3A_132, %cond3A_133 : i32
        scf.if %cond3A_134 {
          %add3A_135 = arith.constant 3 : i32
          %add3A_136 = arith.addi %add3A_76, %add3A_135 : i32
          %mul3A_137 = arith.constant 96 : i32
          %mul3A_138 = arith.muli %add3A_136, %mul3A_137 : i32
          %dma_start3A_139 = tpu.memref_slice %arg8[%mul3A_138] : memref<10176xi32, #tpu.memory_space<vmem>> -> memref<96xi32, #tpu.memory_space<vmem>>
          %dma_start3A_140 = arith.constant 0 : i32
          %dma_start3A_141 = arith.constant 0 : i32
          %dma_start3A_142 = tpu.memref_slice %arg2[%scan3A_61, %dma_start3A_140, %dma_start3A_141] : memref<4x10000x128xf32, #tpu.memory_space<hbm>> -> memref<1x10000x128xf32, #tpu.memory_space<hbm>>
          %dma_start3A_143 = tpu.memref_squeeze %dma_start3A_142 : memref<1x10000x128xf32, #tpu.memory_space<hbm>> -> memref<10000x128xf32, #tpu.memory_space<hbm>>
          %dma_start3A_144 = arith.constant 0 : i32
          %dma_start3A_145 = arith.constant 0 : i32
          %dma_start3A_146 = tpu.memref_slice %dma_start3A_143[%dma_start3A_144, %dma_start3A_145] : memref<10000x128xf32, #tpu.memory_space<hbm>> -> memref<10000x128xf32, #tpu.memory_space<hbm>>
          tpu.enqueue_indirect_dma source(%dma_start3A_146 : memref<10000x128xf32, #tpu.memory_space<hbm>>) target(%arg11 : memref<96x128xf32, #tpu.memory_space<vmem>>) offsets(%dma_start3A_139 : memref<96xi32, #tpu.memory_space<vmem>>) semaphore(%arg13 : memref<!tpu.dma_semaphore, #tpu.memory_space<semaphore_mem>>)
        } else {
        }
      }
      %scan3A_66 = arith.constant 53 : i32
      %barrier3A_67 = arith.constant 0 : index
      tpu.barrier barrier_id(%barrier3A_67)
      %mul3A_68 = arith.constant 632 : i32
      %mul3A_69 = arith.muli %arg1, %mul3A_68 : i32
      %mul3A_70 = arith.constant 632 : i32
      %mul3A_71 = arith.muli %arg1, %mul3A_70 : i32
      %run_scoped3A_72 = arith.constant 3 : i32
      "tpu.region"() ({
        %run_scoped3A_73 = tpu.sem_alloc : memref<!tpu.dma_semaphore, #tpu.memory_space<semaphore_mem>>
        %dma_start3A_74 = arith.constant 0 : i32
        %dma_start3A_75 = arith.constant 0 : i32
        %dma_start3A_76 = tpu.memref_slice %arg6[%run_scoped3A_72, %dma_start3A_74, %dma_start3A_75] : memref<4x10112x128xf32, #tpu.memory_space<hbm>> -> memref<1x10112x128xf32, #tpu.memory_space<hbm>>
        %dma_start3A_77 = tpu.memref_squeeze %dma_start3A_76 : memref<1x10112x128xf32, #tpu.memory_space<hbm>> -> memref<10112x128xf32, #tpu.memory_space<hbm>>
        %dma_start3A_78 = arith.constant 0 : i32
        %dma_start3A_79 = tpu.memref_slice %dma_start3A_77[%mul3A_71, %dma_start3A_78] : memref<10112x128xf32, #tpu.memory_space<hbm>> -> memref<632x128xf32, #tpu.memory_space<hbm>>
        %dma_start3A_80 = arith.constant 0 : i32
        %dma_start3A_81 = tpu.memref_slice %arg7[%mul3A_69, %dma_start3A_80] : memref<10112x128xf32, #tpu.memory_space<vmem_shared>> -> memref<632x128xf32, #tpu.memory_space<vmem_shared>>
        tpu.enqueue_dma source(%dma_start3A_81 : memref<632x128xf32, #tpu.memory_space<vmem_shared>>) target(%dma_start3A_79 : memref<632x128xf32, #tpu.memory_space<hbm>>) target_semaphore(%run_scoped3A_73 : memref<!tpu.dma_semaphore, #tpu.memory_space<semaphore_mem>>)
        %dma_wait3A = arith.constant 0 : i32
        %dma_wait3A_82 = arith.constant 0 : i32
        %dma_wait3A_83 = tpu.memref_slice %arg6[%run_scoped3A_72, %dma_wait3A, %dma_wait3A_82] : memref<4x10112x128xf32, #tpu.memory_space<hbm>> -> memref<1x10112x128xf32, #tpu.memory_space<hbm>>
        %dma_wait3A_84 = tpu.memref_squeeze %dma_wait3A_83 : memref<1x10112x128xf32, #tpu.memory_space<hbm>> -> memref<10112x128xf32, #tpu.memory_space<hbm>>
        %dma_wait3A_85 = arith.constant 0 : i32
        %dma_wait3A_86 = tpu.memref_slice %dma_wait3A_84[%mul3A_71, %dma_wait3A_85] : memref<10112x128xf32, #tpu.memory_space<hbm>> -> memref<632x128xf32, #tpu.memory_space<hbm>>
        %dma_wait3A_87 = arith.constant 0 : i32
        %dma_wait3A_88 = tpu.memref_slice %arg7[%mul3A_69, %dma_wait3A_87] : memref<10112x128xf32, #tpu.memory_space<vmem_shared>> -> memref<632x128xf32, #tpu.memory_space<vmem_shared>>
        tpu.wait_dma2 semaphore(%run_scoped3A_73 : memref<!tpu.dma_semaphore, #tpu.memory_space<semaphore_mem>>) src(%dma_wait3A_88 : memref<632x128xf32, #tpu.memory_space<vmem_shared>>) dst(%dma_wait3A_86 : memref<632x128xf32, #tpu.memory_space<hbm>>)
        tpu.yield
      }) : () -> ()
    } else {
    }
    return
  }
}

module attributes {stable_mosaic.version = 14 : i64} {
  func.func @_tc_in_body(%arg0: i32, %arg1: memref<400x256xf32, #tpu.memory_space<vmem>>, %arg2: memref<256x256xf32, #tpu.memory_space<vmem>>, %arg3: memref<1x256xf32, #tpu.memory_space<vmem>>, %arg4: memref<400x256xf32, #tpu.memory_space<vmem>>, %arg5: memref<4x400x128xf32, #tpu.memory_space<vmem>>) attributes {dimension_semantics = [#tpu.dimension_semantics<arbitrary>], iteration_bounds = array<i64: 25>, scalar_prefetch = 0 : i64, scratch_operands = 0 : i64, tpu.core_type = #tpu.core_type<tc>, window_params = [{transform_indices = @transform_0, window_bounds = array<i64: 400, 256>}, {pipeline_mode = #tpu.pipeline_mode<synchronous>, transform_indices = @transform_1, window_bounds = array<i64: 256, 256>}, {pipeline_mode = #tpu.pipeline_mode<synchronous>, transform_indices = @transform_2, window_bounds = array<i64: 1, 256>}, {transform_indices = @transform_3, window_bounds = array<i64: 400, 256>}, {transform_indices = @transform_4, window_bounds = array<i64: 4, 400, 128>}]} {
    %get3A = arith.constant 0 : index
    %get3A_0 = arith.constant 0 : index
    %get3A_1 = vector.load %arg1[%get3A, %get3A_0] : memref<400x256xf32, #tpu.memory_space<vmem>>, vector<400x256xf32>
    %get3A_2 = arith.constant 0 : index
    %get3A_3 = arith.constant 0 : index
    %get3A_4 = vector.load %arg2[%get3A_2, %get3A_3] : memref<256x256xf32, #tpu.memory_space<vmem>>, vector<256x256xf32>
    %dot_general3A = arith.constant dense<0.000000e+00> : vector<400x256xf32>
    %dot_general3A_5 = tpu.matmul %get3A_1, %get3A_4, %dot_general3A {dimension_numbers = #tpu.dot_dimension_numbers<[1], [0], [0], [1], [0, 0, 1, 1], [], []>, transpose_lhs_hint = false} : vector<400x256xf32>, vector<256x256xf32>, vector<400x256xf32> -> vector<400x256xf32>
    %get3A_6 = arith.constant 0 : index
    %get3A_7 = arith.constant 0 : index
    %get3A_8 = vector.load %arg3[%get3A_6, %get3A_7] : memref<1x256xf32, #tpu.memory_space<vmem>>, vector<1x256xf32>
    %add3A = vector.broadcast %get3A_8 : vector<1x256xf32> to vector<400x256xf32>
    %add3A_9 = arith.addf %dot_general3A_5, %add3A : vector<400x256xf32>
    %swap3A = arith.constant 0 : index
    %swap3A_10 = arith.constant 0 : index
    %swap3A_11 = vector.load %arg4[%swap3A, %swap3A_10] : memref<400x256xf32, #tpu.memory_space<vmem>>, vector<400x256xf32>
    tpu.vector_store %arg4[%swap3A, %swap3A_10], %add3A_9 {strides = array<i32>} : memref<400x256xf32, #tpu.memory_space<vmem>>, vector<400x256xf32>,
    %max3A = arith.constant 0.000000e+00 : f32
    %max3A_12 = vector.broadcast %max3A : f32 to vector<400x256xf32>
    %max3A_13 = arith.maximumf %add3A_9, %max3A_12 : vector<400x256xf32>
    %add3A_14 = arith.constant 1.000000e-07 : f32
    %add3A_15 = vector.broadcast %add3A_14 : f32 to vector<400x256xf32>
    %add3A_16 = arith.addf %max3A_13, %add3A_15 : vector<400x256xf32>
    %exp3A = math.exp %add3A_16 : vector<400x256xf32>
    %mul3A = arith.mulf %exp3A, %add3A_16 : vector<400x256xf32>
    %slice3A = vector.extract_strided_slice %exp3A {offsets = [0, 0], sizes = [400, 128], strides = [1, 1]} : vector<400x256xf32> to vector<400x128xf32>
    %slice3A_17 = vector.extract_strided_slice %exp3A {offsets = [0, 128], sizes = [400, 128], strides = [1, 1]} : vector<400x256xf32> to vector<400x128xf32>
    %slice3A_18 = vector.extract_strided_slice %mul3A {offsets = [0, 0], sizes = [400, 128], strides = [1, 1]} : vector<400x256xf32> to vector<400x128xf32>
    %slice3A_19 = vector.extract_strided_slice %mul3A {offsets = [0, 128], sizes = [400, 128], strides = [1, 1]} : vector<400x256xf32> to vector<400x128xf32>
    %stack3A = vector.shape_cast %slice3A : vector<400x128xf32> to vector<1x400x128xf32>
    %stack3A_20 = vector.shape_cast %slice3A_17 : vector<400x128xf32> to vector<1x400x128xf32>
    %stack3A_21 = vector.shape_cast %slice3A_18 : vector<400x128xf32> to vector<1x400x128xf32>
    %stack3A_22 = vector.shape_cast %slice3A_19 : vector<400x128xf32> to vector<1x400x128xf32>
    %stack3A_23 = tpu.concatenate %stack3A, %stack3A_20, %stack3A_21, %stack3A_22 in 0 : vector<1x400x128xf32>, vector<1x400x128xf32>, vector<1x400x128xf32>, vector<1x400x128xf32> -> vector<4x400x128xf32>
    %swap3A_24 = arith.constant 0 : index
    %swap3A_25 = arith.constant 0 : index
    %swap3A_26 = arith.constant 0 : index
    %swap3A_27 = vector.load %arg5[%swap3A_24, %swap3A_25, %swap3A_26] : memref<4x400x128xf32, #tpu.memory_space<vmem>>, vector<4x400x128xf32>
    tpu.vector_store %arg5[%swap3A_24, %swap3A_25, %swap3A_26], %stack3A_23 {strides = array<i32>} : memref<4x400x128xf32, #tpu.memory_space<vmem>>, vector<4x400x128xf32>,
    return
  }
  func.func @transform_0(%arg0: i32) -> (i32, i32) {
    %c0_i32 = arith.constant 0 : i32
    %c0_i32_0 = arith.constant 0 : i32
    return %arg0, %c0_i32 : i32, i32
  }
  func.func @transform_1(%arg0: i32) -> (i32, i32) {
    %c0_i32 = arith.constant 0 : i32
    %c0_i32_0 = arith.constant 0 : i32
    %c0_i32_1 = arith.constant 0 : i32
    return %c0_i32, %c0_i32_0 : i32, i32
  }
  func.func @transform_2(%arg0: i32) -> (i32, i32) {
    %c0_i32 = arith.constant 0 : i32
    %c0_i32_0 = arith.constant 0 : i32
    %c0_i32_1 = arith.constant 0 : i32
    return %c0_i32, %c0_i32_0 : i32, i32
  }
  func.func @transform_3(%arg0: i32) -> (i32, i32) {
    %c0_i32 = arith.constant 0 : i32
    %c0_i32_0 = arith.constant 0 : i32
    return %arg0, %c0_i32 : i32, i32
  }
  func.func @transform_4(%arg0: i32) -> (i32, i32, i32) {
    %c0_i32 = arith.constant 0 : i32
    %c0_i32_0 = arith.constant 0 : i32
    %c0_i32_1 = arith.constant 0 : i32
    return %c0_i32, %arg0, %c0_i32_0 : i32, i32, i32
  }
}

module attributes {stable_mosaic.version = 14 : i64} {
  func.func @_tc_mlp1_body(%arg0: i32, %arg1: memref<400x256xf32, #tpu.memory_space<vmem>>, %arg2: memref<4x400x128xf32, #tpu.memory_space<vmem>>, %arg3: memref<256x512xf32, #tpu.memory_space<vmem>>, %arg4: memref<1x512xf32, #tpu.memory_space<vmem>>, %arg5: memref<400x512xf32, #tpu.memory_space<vmem>>, %arg6: memref<2x512xf32, #tpu.memory_space<vmem>>) attributes {dimension_semantics = [#tpu.dimension_semantics<arbitrary>], iteration_bounds = array<i64: 25>, scalar_prefetch = 0 : i64, scratch_operands = 0 : i64, tpu.core_type = #tpu.core_type<tc>, window_params = [{transform_indices = @transform_0, window_bounds = array<i64: 400, 256>}, {transform_indices = @transform_1, window_bounds = array<i64: 4, 400, 128>}, {pipeline_mode = #tpu.pipeline_mode<synchronous>, transform_indices = @transform_2, window_bounds = array<i64: 256, 512>}, {pipeline_mode = #tpu.pipeline_mode<synchronous>, transform_indices = @transform_3, window_bounds = array<i64: 1, 512>}, {transform_indices = @transform_4, window_bounds = array<i64: 400, 512>}, {pipeline_mode = #tpu.pipeline_mode<synchronous>, transform_indices = @transform_5, window_bounds = array<i64: 2, 512>}]} {
    %get3A = arith.constant 0 : index
    %get3A_0 = arith.constant 0 : index
    %get3A_1 = arith.constant 0 : index
    %get3A_2 = vector.load %arg2[%get3A, %get3A_0, %get3A_1] : memref<4x400x128xf32, #tpu.memory_space<vmem>>, vector<4x400x128xf32>
    %slice3A = vector.extract_strided_slice %get3A_2 {offsets = [0, 0, 0], sizes = [1, 400, 128], strides = [1, 1, 1]} : vector<4x400x128xf32> to vector<1x400x128xf32>
    %squeeze3A = vector.shape_cast %slice3A : vector<1x400x128xf32> to vector<400x128xf32>
    %slice3A_3 = vector.extract_strided_slice %get3A_2 {offsets = [1, 0, 0], sizes = [1, 400, 128], strides = [1, 1, 1]} : vector<4x400x128xf32> to vector<1x400x128xf32>
    %squeeze3A_4 = vector.shape_cast %slice3A_3 : vector<1x400x128xf32> to vector<400x128xf32>
    %concatenate3A = tpu.concatenate %squeeze3A, %squeeze3A_4 in 1 : vector<400x128xf32>, vector<400x128xf32> -> vector<400x256xf32>
    %slice3A_5 = vector.extract_strided_slice %get3A_2 {offsets = [2, 0, 0], sizes = [1, 400, 128], strides = [1, 1, 1]} : vector<4x400x128xf32> to vector<1x400x128xf32>
    %squeeze3A_6 = vector.shape_cast %slice3A_5 : vector<1x400x128xf32> to vector<400x128xf32>
    %slice3A_7 = vector.extract_strided_slice %get3A_2 {offsets = [3, 0, 0], sizes = [1, 400, 128], strides = [1, 1, 1]} : vector<4x400x128xf32> to vector<1x400x128xf32>
    %squeeze3A_8 = vector.shape_cast %slice3A_7 : vector<1x400x128xf32> to vector<400x128xf32>
    %concatenate3A_9 = tpu.concatenate %squeeze3A_6, %squeeze3A_8 in 1 : vector<400x128xf32>, vector<400x128xf32> -> vector<400x256xf32>
    %add3A = arith.constant 1.000000e-16 : f32
    %add3A_10 = vector.broadcast %add3A : f32 to vector<400x256xf32>
    %add3A_11 = arith.addf %concatenate3A, %add3A_10 : vector<400x256xf32>
    %div3A = arith.divf %concatenate3A_9, %add3A_11 : vector<400x256xf32>
    %get3A_12 = arith.constant 0 : index
    %get3A_13 = arith.constant 0 : index
    %get3A_14 = vector.load %arg1[%get3A_12, %get3A_13] : memref<400x256xf32, #tpu.memory_space<vmem>>, vector<400x256xf32>
    %add3A_15 = arith.addf %div3A, %get3A_14 : vector<400x256xf32>
    %get3A_16 = arith.constant 0 : index
    %get3A_17 = arith.constant 0 : index
    %get3A_18 = vector.load %arg3[%get3A_16, %get3A_17] : memref<256x512xf32, #tpu.memory_space<vmem>>, vector<256x512xf32>
    %dot_general3A = arith.constant dense<0.000000e+00> : vector<400x512xf32>
    %dot_general3A_19 = tpu.matmul %add3A_15, %get3A_18, %dot_general3A {dimension_numbers = #tpu.dot_dimension_numbers<[1], [0], [0], [1], [0, 0, 1, 1], [], []>, transpose_lhs_hint = false} : vector<400x256xf32>, vector<256x512xf32>, vector<400x512xf32> -> vector<400x512xf32>
    %get3A_20 = arith.constant 0 : index
    %get3A_21 = arith.constant 0 : index
    %get3A_22 = vector.load %arg4[%get3A_20, %get3A_21] : memref<1x512xf32, #tpu.memory_space<vmem>>, vector<1x512xf32>
    %add3A_23 = vector.broadcast %get3A_22 : vector<1x512xf32> to vector<400x512xf32>
    %add3A_24 = arith.addf %dot_general3A_19, %add3A_23 : vector<400x512xf32>
    %swap3A = arith.constant 0 : index
    %swap3A_25 = arith.constant 0 : index
    %swap3A_26 = vector.load %arg5[%swap3A, %swap3A_25] : memref<400x512xf32, #tpu.memory_space<vmem>>, vector<400x512xf32>
    tpu.vector_store %arg5[%swap3A, %swap3A_25], %add3A_24 {strides = array<i32>} : memref<400x512xf32, #tpu.memory_space<vmem>>, vector<400x512xf32>,
    %eq3A = arith.constant 0 : i32
    %eq3A_27 = arith.cmpi eq, %arg0, %eq3A : i32
    %convert_element_type3A = arith.extui %eq3A_27 : i1 to i32
    %cond3A = arith.constant 0 : i32
    %cond3A_28 = arith.cmpi ne, %convert_element_type3A, %cond3A : i32
    scf.if %cond3A_28 {
      %broadcast_in_dim3A = arith.constant 0.000000e+00 : f32
      %broadcast_in_dim3A_41 = vector.broadcast %broadcast_in_dim3A : f32 to vector<2x512xf32>
      %swap3A_42 = arith.constant 0 : index
      %swap3A_43 = arith.constant 0 : index
      %swap3A_44 = vector.load %arg6[%swap3A_42, %swap3A_43] : memref<2x512xf32, #tpu.memory_space<vmem>>, vector<2x512xf32>
      tpu.vector_store %arg6[%swap3A_42, %swap3A_43], %broadcast_in_dim3A_41 {strides = array<i32>} : memref<2x512xf32, #tpu.memory_space<vmem>>, vector<2x512xf32>,
    } else {
    }
    %get3A_29 = arith.constant 0 : index
    %get3A_30 = arith.constant 0 : index
    %get3A_31 = vector.load %arg6[%get3A_29, %get3A_30] : memref<2x512xf32, #tpu.memory_space<vmem>>, vector<2x512xf32>
    %reduce_sum3A = arith.constant dense<0.000000e+00> : vector<512xf32>
    %reduce_sum3A_32 = vector.multi_reduction <add>, %add3A_24, %reduce_sum3A [0] : vector<400x512xf32> to vector<512xf32>
    %mul3A = arith.mulf %add3A_24, %add3A_24 : vector<400x512xf32>
    %reduce_sum3A_33 = arith.constant dense<0.000000e+00> : vector<512xf32>
    %reduce_sum3A_34 = vector.multi_reduction <add>, %mul3A, %reduce_sum3A_33 [0] : vector<400x512xf32> to vector<512xf32>
    %stack3A = vector.shape_cast %reduce_sum3A_32 : vector<512xf32> to vector<1x512xf32>
    %stack3A_35 = vector.shape_cast %reduce_sum3A_34 : vector<512xf32> to vector<1x512xf32>
    %stack3A_36 = tpu.concatenate %stack3A, %stack3A_35 in 0 : vector<1x512xf32>, vector<1x512xf32> -> vector<2x512xf32>
    %add3A_37 = arith.addf %get3A_31, %stack3A_36 : vector<2x512xf32>
    %swap3A_38 = arith.constant 0 : index
    %swap3A_39 = arith.constant 0 : index
    %swap3A_40 = vector.load %arg6[%swap3A_38, %swap3A_39] : memref<2x512xf32, #tpu.memory_space<vmem>>, vector<2x512xf32>
    tpu.vector_store %arg6[%swap3A_38, %swap3A_39], %add3A_37 {strides = array<i32>} : memref<2x512xf32, #tpu.memory_space<vmem>>, vector<2x512xf32>,
    return
  }
  func.func @transform_0(%arg0: i32) -> (i32, i32) {
    %c0_i32 = arith.constant 0 : i32
    %c0_i32_0 = arith.constant 0 : i32
    return %arg0, %c0_i32 : i32, i32
  }
  func.func @transform_1(%arg0: i32) -> (i32, i32, i32) {
    %c0_i32 = arith.constant 0 : i32
    %c0_i32_0 = arith.constant 0 : i32
    %c0_i32_1 = arith.constant 0 : i32
    return %c0_i32, %arg0, %c0_i32_0 : i32, i32, i32
  }
  func.func @transform_2(%arg0: i32) -> (i32, i32) {
    %c0_i32 = arith.constant 0 : i32
    %c0_i32_0 = arith.constant 0 : i32
    %c0_i32_1 = arith.constant 0 : i32
    return %c0_i32, %c0_i32_0 : i32, i32
  }
  func.func @transform_3(%arg0: i32) -> (i32, i32) {
    %c0_i32 = arith.constant 0 : i32
    %c0_i32_0 = arith.constant 0 : i32
    %c0_i32_1 = arith.constant 0 : i32
    return %c0_i32, %c0_i32_0 : i32, i32
  }
  func.func @transform_4(%arg0: i32) -> (i32, i32) {
    %c0_i32 = arith.constant 0 : i32
    %c0_i32_0 = arith.constant 0 : i32
    return %arg0, %c0_i32 : i32, i32
  }
  func.func @transform_5(%arg0: i32) -> (i32, i32) {
    %c0_i32 = arith.constant 0 : i32
    %c0_i32_0 = arith.constant 0 : i32
    %c0_i32_1 = arith.constant 0 : i32
    return %c0_i32, %c0_i32_0 : i32, i32
  }
}

module attributes {stable_mosaic.version = 14 : i64} {
  func.func @_tc_mlp2_body(%arg0: i32, %arg1: memref<400x512xf32, #tpu.memory_space<vmem>>, %arg2: memref<2x512xf32, #tpu.memory_space<vmem>>, %arg3: memref<1x512xf32, #tpu.memory_space<vmem>>, %arg4: memref<1x512xf32, #tpu.memory_space<vmem>>, %arg5: memref<512x256xf32, #tpu.memory_space<vmem>>, %arg6: memref<1x256xf32, #tpu.memory_space<vmem>>, %arg7: memref<400x256xf32, #tpu.memory_space<vmem>>, %arg8: memref<4x400x128xf32, #tpu.memory_space<vmem>>) attributes {dimension_semantics = [#tpu.dimension_semantics<arbitrary>], iteration_bounds = array<i64: 25>, scalar_prefetch = 0 : i64, scratch_operands = 0 : i64, tpu.core_type = #tpu.core_type<tc>, window_params = [{transform_indices = @transform_0, window_bounds = array<i64: 400, 512>}, {pipeline_mode = #tpu.pipeline_mode<synchronous>, transform_indices = @transform_1, window_bounds = array<i64: 2, 512>}, {pipeline_mode = #tpu.pipeline_mode<synchronous>, transform_indices = @transform_2, window_bounds = array<i64: 1, 512>}, {pipeline_mode = #tpu.pipeline_mode<synchronous>, transform_indices = @transform_3, window_bounds = array<i64: 1, 512>}, {pipeline_mode = #tpu.pipeline_mode<synchronous>, transform_indices = @transform_4, window_bounds = array<i64: 512, 256>}, {pipeline_mode = #tpu.pipeline_mode<synchronous>, transform_indices = @transform_5, window_bounds = array<i64: 1, 256>}, {transform_indices = @transform_6, window_bounds = array<i64: 400, 256>}, {transform_indices = @transform_7, window_bounds = array<i64: 4, 400, 128>}]} {
    %get3A = arith.constant 0 : index
    %get3A_0 = arith.constant 0 : index
    %get3A_1 = vector.load %arg2[%get3A, %get3A_0] : memref<2x512xf32, #tpu.memory_space<vmem>>, vector<2x512xf32>
    %slice3A = vector.extract_strided_slice %get3A_1 {offsets = [0, 0], sizes = [1, 512], strides = [1, 1]} : vector<2x512xf32> to vector<1x512xf32>
    %div3A = arith.constant 1.000000e+04 : f32
    %div3A_2 = vector.broadcast %div3A : f32 to vector<1x512xf32>
    %div3A_3 = arith.divf %slice3A, %div3A_2 : vector<1x512xf32>
    %slice3A_4 = vector.extract_strided_slice %get3A_1 {offsets = [1, 0], sizes = [1, 512], strides = [1, 1]} : vector<2x512xf32> to vector<1x512xf32>
    %div3A_5 = arith.constant 1.000000e+04 : f32
    %div3A_6 = vector.broadcast %div3A_5 : f32 to vector<1x512xf32>
    %div3A_7 = arith.divf %slice3A_4, %div3A_6 : vector<1x512xf32>
    %mul3A = arith.mulf %div3A_3, %div3A_3 : vector<1x512xf32>
    %sub3A = arith.subf %div3A_7, %mul3A : vector<1x512xf32>
    %add3A = arith.constant 9.99999974E-6 : f32
    %add3A_8 = vector.broadcast %add3A : f32 to vector<1x512xf32>
    %add3A_9 = arith.addf %sub3A, %add3A_8 : vector<1x512xf32>
    %rsqrt3A = math.rsqrt %add3A_9 : vector<1x512xf32>
    %get3A_10 = arith.constant 0 : index
    %get3A_11 = arith.constant 0 : index
    %get3A_12 = vector.load %arg1[%get3A_10, %get3A_11] : memref<400x512xf32, #tpu.memory_space<vmem>>, vector<400x512xf32>
    %sub3A_13 = vector.broadcast %div3A_3 : vector<1x512xf32> to vector<400x512xf32>
    %sub3A_14 = arith.subf %get3A_12, %sub3A_13 : vector<400x512xf32>
    %get3A_15 = arith.constant 0 : index
    %get3A_16 = arith.constant 0 : index
    %get3A_17 = vector.load %arg3[%get3A_15, %get3A_16] : memref<1x512xf32, #tpu.memory_space<vmem>>, vector<1x512xf32>
    %mul3A_18 = arith.mulf %rsqrt3A, %get3A_17 : vector<1x512xf32>
    %mul3A_19 = vector.broadcast %mul3A_18 : vector<1x512xf32> to vector<400x512xf32>
    %mul3A_20 = arith.mulf %sub3A_14, %mul3A_19 : vector<400x512xf32>
    %get3A_21 = arith.constant 0 : index
    %get3A_22 = arith.constant 0 : index
    %get3A_23 = vector.load %arg4[%get3A_21, %get3A_22] : memref<1x512xf32, #tpu.memory_space<vmem>>, vector<1x512xf32>
    %add3A_24 = vector.broadcast %get3A_23 : vector<1x512xf32> to vector<400x512xf32>
    %add3A_25 = arith.addf %mul3A_20, %add3A_24 : vector<400x512xf32>
    %max3A = arith.constant 0.000000e+00 : f32
    %max3A_26 = vector.broadcast %max3A : f32 to vector<400x512xf32>
    %max3A_27 = arith.maximumf %add3A_25, %max3A_26 : vector<400x512xf32>
    %get3A_28 = arith.constant 0 : index
    %get3A_29 = arith.constant 0 : index
    %get3A_30 = vector.load %arg5[%get3A_28, %get3A_29] : memref<512x256xf32, #tpu.memory_space<vmem>>, vector<512x256xf32>
    %dot_general3A = arith.constant dense<0.000000e+00> : vector<400x256xf32>
    %dot_general3A_31 = tpu.matmul %max3A_27, %get3A_30, %dot_general3A {dimension_numbers = #tpu.dot_dimension_numbers<[1], [0], [0], [1], [0, 0, 1, 1], [], []>, transpose_lhs_hint = false} : vector<400x512xf32>, vector<512x256xf32>, vector<400x256xf32> -> vector<400x256xf32>
    %get3A_32 = arith.constant 0 : index
    %get3A_33 = arith.constant 0 : index
    %get3A_34 = vector.load %arg6[%get3A_32, %get3A_33] : memref<1x256xf32, #tpu.memory_space<vmem>>, vector<1x256xf32>
    %add3A_35 = vector.broadcast %get3A_34 : vector<1x256xf32> to vector<400x256xf32>
    %add3A_36 = arith.addf %dot_general3A_31, %add3A_35 : vector<400x256xf32>
    %max3A_37 = arith.constant 0.000000e+00 : f32
    %max3A_38 = vector.broadcast %max3A_37 : f32 to vector<400x256xf32>
    %max3A_39 = arith.maximumf %add3A_36, %max3A_38 : vector<400x256xf32>
    %swap3A = arith.constant 0 : index
    %swap3A_40 = arith.constant 0 : index
    %swap3A_41 = vector.load %arg7[%swap3A, %swap3A_40] : memref<400x256xf32, #tpu.memory_space<vmem>>, vector<400x256xf32>
    tpu.vector_store %arg7[%swap3A, %swap3A_40], %max3A_39 {strides = array<i32>} : memref<400x256xf32, #tpu.memory_space<vmem>>, vector<400x256xf32>,
    %add3A_42 = arith.constant 1.000000e-07 : f32
    %add3A_43 = vector.broadcast %add3A_42 : f32 to vector<400x256xf32>
    %add3A_44 = arith.addf %max3A_39, %add3A_43 : vector<400x256xf32>
    %exp3A = math.exp %add3A_44 : vector<400x256xf32>
    %mul3A_45 = arith.mulf %exp3A, %add3A_44 : vector<400x256xf32>
    %slice3A_46 = vector.extract_strided_slice %exp3A {offsets = [0, 0], sizes = [400, 128], strides = [1, 1]} : vector<400x256xf32> to vector<400x128xf32>
    %slice3A_47 = vector.extract_strided_slice %exp3A {offsets = [0, 128], sizes = [400, 128], strides = [1, 1]} : vector<400x256xf32> to vector<400x128xf32>
    %slice3A_48 = vector.extract_strided_slice %mul3A_45 {offsets = [0, 0], sizes = [400, 128], strides = [1, 1]} : vector<400x256xf32> to vector<400x128xf32>
    %slice3A_49 = vector.extract_strided_slice %mul3A_45 {offsets = [0, 128], sizes = [400, 128], strides = [1, 1]} : vector<400x256xf32> to vector<400x128xf32>
    %stack3A = vector.shape_cast %slice3A_46 : vector<400x128xf32> to vector<1x400x128xf32>
    %stack3A_50 = vector.shape_cast %slice3A_47 : vector<400x128xf32> to vector<1x400x128xf32>
    %stack3A_51 = vector.shape_cast %slice3A_48 : vector<400x128xf32> to vector<1x400x128xf32>
    %stack3A_52 = vector.shape_cast %slice3A_49 : vector<400x128xf32> to vector<1x400x128xf32>
    %stack3A_53 = tpu.concatenate %stack3A, %stack3A_50, %stack3A_51, %stack3A_52 in 0 : vector<1x400x128xf32>, vector<1x400x128xf32>, vector<1x400x128xf32>, vector<1x400x128xf32> -> vector<4x400x128xf32>
    %swap3A_54 = arith.constant 0 : index
    %swap3A_55 = arith.constant 0 : index
    %swap3A_56 = arith.constant 0 : index
    %swap3A_57 = vector.load %arg8[%swap3A_54, %swap3A_55, %swap3A_56] : memref<4x400x128xf32, #tpu.memory_space<vmem>>, vector<4x400x128xf32>
    tpu.vector_store %arg8[%swap3A_54, %swap3A_55, %swap3A_56], %stack3A_53 {strides = array<i32>} : memref<4x400x128xf32, #tpu.memory_space<vmem>>, vector<4x400x128xf32>,
    return
  }
  func.func @transform_0(%arg0: i32) -> (i32, i32) {
    %c0_i32 = arith.constant 0 : i32
    %c0_i32_0 = arith.constant 0 : i32
    return %arg0, %c0_i32 : i32, i32
  }
  func.func @transform_1(%arg0: i32) -> (i32, i32) {
    %c0_i32 = arith.constant 0 : i32
    %c0_i32_0 = arith.constant 0 : i32
    %c0_i32_1 = arith.constant 0 : i32
    return %c0_i32, %c0_i32_0 : i32, i32
  }
  func.func @transform_2(%arg0: i32) -> (i32, i32) {
    %c0_i32 = arith.constant 0 : i32
    %c0_i32_0 = arith.constant 0 : i32
    %c0_i32_1 = arith.constant 0 : i32
    return %c0_i32, %c0_i32_0 : i32, i32
  }
  func.func @transform_3(%arg0: i32) -> (i32, i32) {
    %c0_i32 = arith.constant 0 : i32
    %c0_i32_0 = arith.constant 0 : i32
    %c0_i32_1 = arith.constant 0 : i32
    return %c0_i32, %c0_i32_0 : i32, i32
  }
  func.func @transform_4(%arg0: i32) -> (i32, i32) {
    %c0_i32 = arith.constant 0 : i32
    %c0_i32_0 = arith.constant 0 : i32
    %c0_i32_1 = arith.constant 0 : i32
    return %c0_i32, %c0_i32_0 : i32, i32
  }
  func.func @transform_5(%arg0: i32) -> (i32, i32) {
    %c0_i32 = arith.constant 0 : i32
    %c0_i32_0 = arith.constant 0 : i32
    %c0_i32_1 = arith.constant 0 : i32
    return %c0_i32, %c0_i32_0 : i32, i32
  }
  func.func @transform_6(%arg0: i32) -> (i32, i32) {
    %c0_i32 = arith.constant 0 : i32
    %c0_i32_0 = arith.constant 0 : i32
    return %arg0, %c0_i32 : i32, i32
  }
  func.func @transform_7(%arg0: i32) -> (i32, i32, i32) {
    %c0_i32 = arith.constant 0 : i32
    %c0_i32_0 = arith.constant 0 : i32
    %c0_i32_1 = arith.constant 0 : i32
    return %c0_i32, %arg0, %c0_i32_0 : i32, i32, i32
  }
}

module attributes {stable_mosaic.version = 14 : i64} {
  func.func @_tc_mlp2_body(%arg0: i32, %arg1: memref<400x512xf32, #tpu.memory_space<vmem>>, %arg2: memref<2x512xf32, #tpu.memory_space<vmem>>, %arg3: memref<1x512xf32, #tpu.memory_space<vmem>>, %arg4: memref<1x512xf32, #tpu.memory_space<vmem>>, %arg5: memref<512x256xf32, #tpu.memory_space<vmem>>, %arg6: memref<1x256xf32, #tpu.memory_space<vmem>>, %arg7: memref<400x256xf32, #tpu.memory_space<vmem>>) attributes {dimension_semantics = [#tpu.dimension_semantics<arbitrary>], iteration_bounds = array<i64: 25>, scalar_prefetch = 0 : i64, scratch_operands = 0 : i64, tpu.core_type = #tpu.core_type<tc>, window_params = [{transform_indices = @transform_0, window_bounds = array<i64: 400, 512>}, {pipeline_mode = #tpu.pipeline_mode<synchronous>, transform_indices = @transform_1, window_bounds = array<i64: 2, 512>}, {pipeline_mode = #tpu.pipeline_mode<synchronous>, transform_indices = @transform_2, window_bounds = array<i64: 1, 512>}, {pipeline_mode = #tpu.pipeline_mode<synchronous>, transform_indices = @transform_3, window_bounds = array<i64: 1, 512>}, {pipeline_mode = #tpu.pipeline_mode<synchronous>, transform_indices = @transform_4, window_bounds = array<i64: 512, 256>}, {pipeline_mode = #tpu.pipeline_mode<synchronous>, transform_indices = @transform_5, window_bounds = array<i64: 1, 256>}, {transform_indices = @transform_6, window_bounds = array<i64: 400, 256>}]} {
    %get3A = arith.constant 0 : index
    %get3A_0 = arith.constant 0 : index
    %get3A_1 = vector.load %arg2[%get3A, %get3A_0] : memref<2x512xf32, #tpu.memory_space<vmem>>, vector<2x512xf32>
    %slice3A = vector.extract_strided_slice %get3A_1 {offsets = [0, 0], sizes = [1, 512], strides = [1, 1]} : vector<2x512xf32> to vector<1x512xf32>
    %div3A = arith.constant 1.000000e+04 : f32
    %div3A_2 = vector.broadcast %div3A : f32 to vector<1x512xf32>
    %div3A_3 = arith.divf %slice3A, %div3A_2 : vector<1x512xf32>
    %slice3A_4 = vector.extract_strided_slice %get3A_1 {offsets = [1, 0], sizes = [1, 512], strides = [1, 1]} : vector<2x512xf32> to vector<1x512xf32>
    %div3A_5 = arith.constant 1.000000e+04 : f32
    %div3A_6 = vector.broadcast %div3A_5 : f32 to vector<1x512xf32>
    %div3A_7 = arith.divf %slice3A_4, %div3A_6 : vector<1x512xf32>
    %mul3A = arith.mulf %div3A_3, %div3A_3 : vector<1x512xf32>
    %sub3A = arith.subf %div3A_7, %mul3A : vector<1x512xf32>
    %add3A = arith.constant 9.99999974E-6 : f32
    %add3A_8 = vector.broadcast %add3A : f32 to vector<1x512xf32>
    %add3A_9 = arith.addf %sub3A, %add3A_8 : vector<1x512xf32>
    %rsqrt3A = math.rsqrt %add3A_9 : vector<1x512xf32>
    %get3A_10 = arith.constant 0 : index
    %get3A_11 = arith.constant 0 : index
    %get3A_12 = vector.load %arg1[%get3A_10, %get3A_11] : memref<400x512xf32, #tpu.memory_space<vmem>>, vector<400x512xf32>
    %sub3A_13 = vector.broadcast %div3A_3 : vector<1x512xf32> to vector<400x512xf32>
    %sub3A_14 = arith.subf %get3A_12, %sub3A_13 : vector<400x512xf32>
    %get3A_15 = arith.constant 0 : index
    %get3A_16 = arith.constant 0 : index
    %get3A_17 = vector.load %arg3[%get3A_15, %get3A_16] : memref<1x512xf32, #tpu.memory_space<vmem>>, vector<1x512xf32>
    %mul3A_18 = arith.mulf %rsqrt3A, %get3A_17 : vector<1x512xf32>
    %mul3A_19 = vector.broadcast %mul3A_18 : vector<1x512xf32> to vector<400x512xf32>
    %mul3A_20 = arith.mulf %sub3A_14, %mul3A_19 : vector<400x512xf32>
    %get3A_21 = arith.constant 0 : index
    %get3A_22 = arith.constant 0 : index
    %get3A_23 = vector.load %arg4[%get3A_21, %get3A_22] : memref<1x512xf32, #tpu.memory_space<vmem>>, vector<1x512xf32>
    %add3A_24 = vector.broadcast %get3A_23 : vector<1x512xf32> to vector<400x512xf32>
    %add3A_25 = arith.addf %mul3A_20, %add3A_24 : vector<400x512xf32>
    %max3A = arith.constant 0.000000e+00 : f32
    %max3A_26 = vector.broadcast %max3A : f32 to vector<400x512xf32>
    %max3A_27 = arith.maximumf %add3A_25, %max3A_26 : vector<400x512xf32>
    %get3A_28 = arith.constant 0 : index
    %get3A_29 = arith.constant 0 : index
    %get3A_30 = vector.load %arg5[%get3A_28, %get3A_29] : memref<512x256xf32, #tpu.memory_space<vmem>>, vector<512x256xf32>
    %dot_general3A = arith.constant dense<0.000000e+00> : vector<400x256xf32>
    %dot_general3A_31 = tpu.matmul %max3A_27, %get3A_30, %dot_general3A {dimension_numbers = #tpu.dot_dimension_numbers<[1], [0], [0], [1], [0, 0, 1, 1], [], []>, transpose_lhs_hint = false} : vector<400x512xf32>, vector<512x256xf32>, vector<400x256xf32> -> vector<400x256xf32>
    %get3A_32 = arith.constant 0 : index
    %get3A_33 = arith.constant 0 : index
    %get3A_34 = vector.load %arg6[%get3A_32, %get3A_33] : memref<1x256xf32, #tpu.memory_space<vmem>>, vector<1x256xf32>
    %add3A_35 = vector.broadcast %get3A_34 : vector<1x256xf32> to vector<400x256xf32>
    %add3A_36 = arith.addf %dot_general3A_31, %add3A_35 : vector<400x256xf32>
    %max3A_37 = arith.constant 0.000000e+00 : f32
    %max3A_38 = vector.broadcast %max3A_37 : f32 to vector<400x256xf32>
    %max3A_39 = arith.maximumf %add3A_36, %max3A_38 : vector<400x256xf32>
    %swap3A = arith.constant 0 : index
    %swap3A_40 = arith.constant 0 : index
    %swap3A_41 = vector.load %arg7[%swap3A, %swap3A_40] : memref<400x256xf32, #tpu.memory_space<vmem>>, vector<400x256xf32>
    tpu.vector_store %arg7[%swap3A, %swap3A_40], %max3A_39 {strides = array<i32>} : memref<400x256xf32, #tpu.memory_space<vmem>>, vector<400x256xf32>,
    return
  }
  func.func @transform_0(%arg0: i32) -> (i32, i32) {
    %c0_i32 = arith.constant 0 : i32
    %c0_i32_0 = arith.constant 0 : i32
    return %arg0, %c0_i32 : i32, i32
  }
  func.func @transform_1(%arg0: i32) -> (i32, i32) {
    %c0_i32 = arith.constant 0 : i32
    %c0_i32_0 = arith.constant 0 : i32
    %c0_i32_1 = arith.constant 0 : i32
    return %c0_i32, %c0_i32_0 : i32, i32
  }
  func.func @transform_2(%arg0: i32) -> (i32, i32) {
    %c0_i32 = arith.constant 0 : i32
    %c0_i32_0 = arith.constant 0 : i32
    %c0_i32_1 = arith.constant 0 : i32
    return %c0_i32, %c0_i32_0 : i32, i32
  }
  func.func @transform_3(%arg0: i32) -> (i32, i32) {
    %c0_i32 = arith.constant 0 : i32
    %c0_i32_0 = arith.constant 0 : i32
    %c0_i32_1 = arith.constant 0 : i32
    return %c0_i32, %c0_i32_0 : i32, i32
  }
  func.func @transform_4(%arg0: i32) -> (i32, i32) {
    %c0_i32 = arith.constant 0 : i32
    %c0_i32_0 = arith.constant 0 : i32
    %c0_i32_1 = arith.constant 0 : i32
    return %c0_i32, %c0_i32_0 : i32, i32
  }
  func.func @transform_5(%arg0: i32) -> (i32, i32) {
    %c0_i32 = arith.constant 0 : i32
    %c0_i32_0 = arith.constant 0 : i32
    %c0_i32_1 = arith.constant 0 : i32
    return %c0_i32, %c0_i32_0 : i32, i32
  }
  func.func @transform_6(%arg0: i32) -> (i32, i32) {
    %c0_i32 = arith.constant 0 : i32
    %c0_i32_0 = arith.constant 0 : i32
    return %arg0, %c0_i32 : i32, i32
  }
}

</mosaic_0001>

<sc_bundles>
// kernel: kernel.12.cloned.1.call-start
scs
__scs_entry_jumppad:
0x0: {  	(pc) =	sbr.rel $0x88, $3  }
0x1: {  	(tag) =	ssettag $0x0;
	lr =	simm.s32 $0x1  }
0x2: {  	[smem:$0x3F91] =	sst lr;
	_ =	strace $0xD0000000  }
0x3: {  	_ = 	snop  }
0x4: {  	_ = 	snop  }
0x5: {  	_ = 	snop  }
0x6: {  	_ = 	snop  }
0x7: {  	_ = 	snop  }
__scs_overlays_trampoline_lowered:
0x8: {  	[smem:$0x3FA0] =	sst s0  }
0x9: {  	[smem:$0x3FA1] =	sst s1  }
0xa: {  	[smem:$0x3FA2] =	sst s2  }
0xb: {  	[smem:$0x3FA3] =	sst s3  }
0xc: {  	[smem:$0x3FA4] =	sst s4  }
0xd: {  	[smem:$0x3FA5] =	sst s5  }
0xe: {  	[smem:$0x3FA6] =	sst s6  }
0xf: {  	[smem:$0x3FA7] =	sst s7  }
0x10: {  	[smem:$0x3FA8] =	sst s8  }
0x11: {  	[smem:$0x3FA9] =	sst s9;
	s0 =	simm.s32 @!p0 $0x0  }
0x12: {  	s1 =	sld [smem:$0x3F8F];
	s0 =	simm.s32 @p0 $0x1  }
0x13: {  	[smem:$0x3FAA] =	sst s0;
	s0 =	simm.s32 @!p1 $0x0  }
0x14: {  	s2 =	sld [smem:$0x3F8E];
	s0 =	simm.s32 @p1 $0x1  }
0x15: {  	[smem:$0x3FAB] =	sst s0;
	s0 =	simm.s32 @!p2 $0x0  }
0x16: {  	s3 =	sld [smem:$0x3FDB];
	s0 =	simm.s32 @p2 $0x1  }
0x17: {  	s4 =	simm.s32 $0x1BF5;
	[smem:$0x3FAD] =	sst s0  }
0x18: {  	s0 =	sld [smem:$0x3F90];
	_ =	swait.ge [sflag:s4], $0x0  }
0x19: {  	s7 =	sld [smem:$0x3F91]  }
0x1a: {  	s8 =	sadd.s32 $0xFFFFE003, lr  }
0x1b: {  	s9 =	sadd.s32 $0xFFFFFEF7, lr;
	s5 =	simm.s32 $0xFFFFFFFF;
	p2 =	slt.u32 s8, $0xFFFFF086  }
0x1c: {  	p1 =	slt.u32 s9, $0xF7A;
	s5 =	simm.s32 @!p2 $0x0  }
0x1d: {  	s5 =	simm.s32 @p1 $0x1;
	p0 =	seq.s32 s7, s2  }
0x1e: {  	s7 =	smul.u32 @!p0 $0xF7A, s2;
	p2 =	seq.s32 @!p0 s5, $0x0  }
0x1f: {  	s9 =	smul.u32 $0xF7A, s1;
	s8 =	simm.s32 @!p0 $0x1BF5;
	p2 =	por !p2, p0  }
0x20: {  	[sflag:s8] =	ssyncset.s32 @!p0 $0xFFFFF086;
	s6 =	sadd.s32 @!p0 s3, s7;
	s7 =	simm.s32 @!p0 $0x108  }
0x21: {  	s3 =	sadd.s32 s3, s9;
	s6 =	sadd.s32 @!p0 $0x88, s6;
	s7 =	simm.s32 @p2 $0x1082  }
0x22: {  	[simem:s7], [sflag:s8] =	dma.local @!p0 [hbm:s6], $0xF7A  }
0x23: {  	s9 =	sor.u32 $0xD0000000, s2;
	s6 =	simm.s32 $0x108;
	_ =	swait.ge @!p0 [sflag:s8], $0x0  }
0x24: {  	s3 =	sadd.s32 $0x88, s3;
	s6 =	simm.s32 @!p1 $0x1082;
	[sflag:s4] =	ssyncset.s32 $0xFFFFF086  }
0x25: {  	[simem:s6], [sflag:s4] =	dma.local [hbm:s3], $0xF7A  }
0x26: {  	[smem:$0x3F91] =	sst s1;
	(tag) =	ssettag s2;
	_ =	strace s9  }
0x27: {  	s1 =	sld [smem:$0x3FA1]  }
0x28: {  	s2 =	sld [smem:$0x3FA2]  }
0x29: {  	s4 =	sld [smem:$0x3FA4]  }
0x2a: {  	p0 =	seq.s32 s5, $0x0;
	s5 =	sld [smem:$0x3FA5]  }
0x2b: {  	s6 =	sld [smem:$0x3FA6]  }
0x2c: {  	s7 =	sld [smem:$0x3FA7]  }
0x2d: {  	s3 =	simm.s32 $0x108;
	s8 =	sld [smem:$0x3FA8]  }
0x2e: {  	s3 =	simm.s32 @!p0 $0x1082;
	s9 =	sld [smem:$0x3FA9]  }
0x2f: {  	lr =	sadd.s32 s0, s3;
	s0 =	sld [smem:$0x3FA0]  }
0x30: {  	s3 =	sld [smem:$0x3FA3]  }
0x31: {  	[smem:$0x3FAC] =	sst s10  }
0x32: {  	s10 =	sld [smem:$0x3FAA];
	_ =	sdelay $0x3  }
0x33: {  	p0 =	seq.s32 s10, $0x1;
	s10 =	sld [smem:$0x3FAC];
	_ =	sdelay $0x3  }
0x34: {  	[smem:$0x3FAC] =	sst s10  }
0x35: {  	s10 =	sld [smem:$0x3FAB];
	_ =	sdelay $0x3  }
0x36: {  	p1 =	seq.s32 s10, $0x1;
	s10 =	sld [smem:$0x3FAC];
	_ =	sdelay $0x3  }
0x37: {  	[smem:$0x3FAC] =	sst s10  }
0x38: {  	s10 =	sld [smem:$0x3FAD]  }
0x39: {  	_ = 	snop;
	(pc) =	sbr.ind lr, $3  }
0x3a: {  	_ = 	snop  }
0x3b: {  	_ = 	snop  }
0x3c: {  	p2 =	seq.s32 s10, $0x1;
	s10 =	sld [smem:$0x3FAC]  }
0x3d: {  	_ =	shalt  }
0x3e: {  	_ =	shalt  }
0x3f: {  	_ =	shalt  }
0x40: {  	_ =	shalt  }
0x41: {  	_ =	shalt  }
0x42: {  	_ =	shalt  }
0x43: {  	_ =	shalt  }
0x44: {  	_ =	shalt  }
0x45: {  	_ =	shalt  }
0x46: {  	_ =	shalt  }
0x47: {  	_ =	shalt  }
0x48: {  	_ =	shalt  }
0x49: {  	_ =	shalt  }
0x4a: {  	_ =	shalt  }
0x4b: {  	_ =	shalt  }
0x4c: {  	_ =	shalt  }
0x4d: {  	_ =	shalt  }
0x4e: {  	_ =	shalt  }
0x4f: {  	_ =	shalt  }
0x50: {  	_ =	shalt  }
0x51: {  	_ =	shalt  }
0x52: {  	_ =	shalt  }
0x53: {  	_ =	shalt  }
0x54: {  	_ =	shalt  }
0x55: {  	_ =	shalt  }
0x56: {  	_ =	shalt  }
0x57: {  	_ =	shalt  }
0x58: {  	_ =	shalt  }
0x59: {  	_ =	shalt  }
0x5a: {  	_ =	shalt  }
0x5b: {  	_ =	shalt  }
0x5c: {  	_ =	shalt  }
0x5d: {  	_ =	shalt  }
0x5e: {  	_ =	shalt  }
0x5f: {  	_ =	shalt  }
0x60: {  	_ =	shalt  }
0x61: {  	_ =	shalt  }
0x62: {  	_ =	shalt  }
0x63: {  	_ =	shalt  }
0x64: {  	_ =	shalt  }
0x65: {  	_ =	shalt  }
0x66: {  	_ =	shalt  }
0x67: {  	_ =	shalt  }
0x68: {  	_ =	shalt  }
0x69: {  	_ =	shalt  }
0x6a: {  	_ =	shalt  }
0x6b: {  	_ =	shalt  }
0x6c: {  	_ =	shalt  }
0x6d: {  	_ =	shalt  }
0x6e: {  	_ =	shalt  }
0x6f: {  	_ =	shalt  }
0x70: {  	_ =	shalt  }
0x71: {  	_ =	shalt  }
0x72: {  	_ =	shalt  }
0x73: {  	_ =	shalt  }
0x74: {  	_ =	shalt  }
0x75: {  	_ =	shalt  }
0x76: {  	_ =	shalt  }
0x77: {  	_ =	shalt  }
0x78: {  	_ =	shalt  }
0x79: {  	_ =	shalt  }
0x7a: {  	_ =	shalt  }
0x7b: {  	_ =	shalt  }
0x7c: {  	_ =	shalt  }
0x7d: {  	_ =	shalt  }
0x7e: {  	_ =	shalt  }
0x7f: {  	_ =	shalt  }
0x80: {  	_ =	shalt  }
0x81: {  	_ =	shalt  }
0x82: {  	_ =	shalt  }
0x83: {  	_ =	shalt  }
0x84: {  	_ =	shalt  }
0x85: {  	_ =	shalt  }
0x86: {  	_ =	shalt  }
0x87: {  	_ =	shalt  }
.Lfunc_end0:
.L_simem_size_0:
called_computation.1_lowered:
.L_overlay_start_0:
0x88: {  	s2 =	sld [smem:$0x3FD9]  }
0x89: {  	s3 =	sld [smem:$0x3FFE];
	_ =	sdelay $0x1  }
0x8a: {  	s1 =	srdreg.scid  }
0x8b: {  	s0 =	sand.u32 $0x1, s1  }
0x8c: {  	s17 =	sshll.u32 s0, $0xA;
	s2 =	sadd.s32 s3, s2  }
0x8d: {  	s2 =	sadd.s32 s2, s17  }
0x8e: {  	[smem:$0x3FB8] =	sst s2  }
0x8f: {  	_ = 	snop  }
0x90: {  	s2 =	sld [smem:$0x3FD0];
	(tm) =	ssettm $0x1  }
0x91: {  	s18 =	sld [smem:$0x3FFB];
	_ =	sdelay $0x3  }
0x92: {  	_ =	strace s18  }
0x93: {  	s3 =	sld [smem:$0x3FFC];
	_ =	sdelay $0x3  }
0x94: {  	_ =	strace s3  }
0x95: {  	s3 =	sld [smem:$0x3FFD];
	_ =	sdelay $0x3  }
0x96: {  	_ =	strace s3  }
0x97: {  	_ =	strace $0x8FFFFFFF  }
0x98: {  	s19 =	sld [smem:$0x3FDB];
	_ =	sdelay $0x1  }
0x99: {  	s4 =	simm.s32 $_scs_section_size  }
0x9a: {  	s5 =	simm.s32 $_size__tile_overlayer_lowered;
	s6 =	simm.s32 $_tile_overlayer_lowered  }
0x9b: {  	s22 =	simm.s32 $0x1BFF;
	s21 =	sshll.u32 s6, $0x1;
	s3 =	sadd.s32 s4, s19  }
0x9c: {  	s7 =	simm.s32 $0x0;
	s20 =	sshll.u32 s5, $0x1;
	s5 =	sadd.s32 s21, s3  }
0x9d: {  	[timem:s7], [sflag:s22] =	dma.local [hbm:s5], s20  }
0x9e: {  	_ =	swait.ge [sflag:s22], s20  }
0x9f: {  	s4 =	ssub.s32 $0x0, s20;
	[sflag:s22] =	ssyncset.done $0x0  }
0xa0: {  	[sflag:s22] =	ssyncadd.s32 s4;
	_ =	sdelay $0x1  }
0xa1: {  	s23 =	simm.s32 $0x1B8B  }
0xa2: {  	_ =	swait.ge [sflag:s23], $0x1  }
0xa3: {  	[sflag:s23] =	ssyncset.done $0x0  }
0xa4: {  	s25 =	simm.s32 $0x1B8E;
	s24 =	sld [smem:$0x3FFE];
	[sflag:s23] =	ssyncadd.s32 $0xFFFFFFFF  }
0xa5: {  	s26 =	simm.s32 $execute0_lowered;
	[smem:$0x3FD2] =	sst s25  }
0xa6: {  	s5 =	sshll.u32 s26, $0x1;
	_ =	strace $0x80000049;
	[dreg:$0x1] =	wrdreg $0xFFFFFFFF  }
0xa7: {  	s28 =	simm.s32 $_size_execute0_lowered;
	s3 =	sadd.s32 s3, s5;
	[dreg:$0x0] =	wrdreg $0x0  }
0xa8: {  	s5 =	sshll.u32 s28, $0x1;
	[dreg:$0x2] =	wrdreg s3  }
0xa9: {  	[dreg:$0x3] =	wrdreg s5  }
0xaa: {  	[dreg:$0x4] =	wrdreg $0xC0  }
0xab: {  	_ =	task [dreg:s7], $0x5FFFF  }
0xac: {  	[dreg:$0x1] =	wrdreg $0xFFFFFFFF  }
0xad: {  	[dreg:$0x0] =	wrdreg $0x60  }
0xae: {  	[dreg:$0x2] =	wrdreg s24  }
0xaf: {  	[dreg:$0x3] =	wrdreg s2  }
0xb0: {  	[dreg:$0x4] =	wrdreg $0x0  }
0xb1: {  	[dreg:$0x5] =	wrdreg $0x9  }
0xb2: {  	_ =	task.clear_ibuf [dreg:s7], $0x6FFFF;
	_ =	strace $0x90000049  }
0xb3: {  	s29 =	simm.s32 $0x9;
	_ =	strace $0x8000004B  }
0xb4: {  	_ =	swait.ge [sflag:s29], $0x1  }
0xb5: {  	[sflag:s29] =	ssyncadd.s32 $0xFFFFFFFF  }
0xb6: {  	_ =	strace $0x9000004B  }
0xb7: {  	_ =	sfence  }
0xb8: {  	s30 =	sld [smem:$0x0];
	_ =	sdelay $0x2  }
0xb9: {  	s31 =	sshll.u32 s1, $0xD;
	s1 =	sshrl.u32 s1, $0x2  }
0xba: {  	s3 =	sand.u32 $0x4000, s31;
	s1 =	sadd.s32 s1, s30  }
0xbb: {  	s0 =	sor.u32 s3, s0;
	s1 =	sshll.u32 s1, $0x11  }
0xbc: {  	s0 =	sor.u32 s1, s0  }
0xbd: {  	s0 =	sadd.s32 $0x8F2B, s0  }
0xbe: {  	[sflag:s0] =	ssyncadd.remote.s32 $0x1  }
0xbf: {  	_ =	sfence.sel $0xFFFF  }
0xc0: {  	[dreg:$0x0] =	wrdreg $0xFFFFFFFF;
	(pc) =	sbr.abs _section_cstart, $3  }
0xc1: {  	[dreg:$0x1] =	wrdreg $0xFFFFFFFF  }
0xc2: {  	_ =	task.clear_ibuf [dreg:s7], $0x2FFFF;
	_ =	strace $0x9FFFFFFF  }
0xc3: {  	(tm) =	ssettm $0x7FFFFFFF  }
tec
execute0_lowered:
.L_overlay_start_1:
0x0: {  	(tag) =	ssettag $0x1  }
0x1: {  	s0 =	rddreg [dreg:$0x0]  }
0x2: {  	s1 =	rddreg [dreg:$0x1]  }
0x3: {  	s2 =	rddreg [dreg:$0x2];
	s3 =	simm.s32 $0x0;
	s14 =	stileid.u32  }
0x4: {  	s6 =	srdreg.scid;
	s18 =	simm.s32 $0x13C00;
	s19 =	simm.s32 $0x5  }
0x5: {  	s28 =	simm.s32 $0x1CC00;
	s29 =	simm.s32 $0x1;
	s30 =	simm.s32 $0x2  }
0x6: {  	s31 =	simm.s32 $0x3;
	s16 =	simm.s32 $0x0;
	[smem:$0x7FF] =	sst s3  }
0x7: {  	s21 =	sshrl.u32 s14, $0x3;
	s5 =	sshll.u32 s14, $0x7;
	s8 =	smul.u32 $0x700, s14  }
0x8: {  	s4 =	sadd.s32 $0xA6400, s0;
	s9 =	sand.u32 $0x1, s6;
	s11 =	smul.u32 $0x4F000, s14  }
0x9: {  	s6 =	sadd.s32 $0xA3C00, s0;
	s24 =	sadd.s32 $0x16A000, s0;
	s25 =	sadd.s32 $0x191800, s0  }
0xa: {  	s13 =	sadd.s32 $0x11B700, s0;
	s26 =	sshll.u32 s14, $0x6;
	_ =	strace $0x8000004A  }
0xb: {  	s3 =	smul.u32 $0x14000, s21;
	s5 =	sand.u32 $0x380, s5;
	s7 =	ssub.s32 $0x2, s9  }
0xc: {  	p0 =	seq.s32 s9, $0x1;
	[dreg:$0x5] =	wrdreg s24;
	s21 =	sor.u32 $0x1C05, s26  }
0xd: {  	s24 =	simm.s32 $0x19C00;
	s26 =	simm.s32 $0x13C60;
	s10 =	sshrl.u32 s7, $0x1  }
0xe: {  	s8 =	sadd.s32 s1, s8;
	s22 =	sshrl.u32 s11, $0x2;
	s3 =	sor.u32 s5, s3  }
0xf: {  	s5 =	smul.u32 $0x2780, s14;
	s15 =	ssub.s32 s7, s10;
	s1 =	sadd.s32 s22, s2  }
0x10: {  	s10 =	sadd.s32 $0xCD500, s0;
	s3 =	sshrl.u32 s3, $0x3;
	s15 =	smax.u32 s15, $0x1  }
.Ltmp0:
0x11: {  	s22 =	sshrl.u32 s1, $0x3;
	s1 =	simm.s32 $0x19800;
	(pc) =	sbr.rel .LBB2_1-.Ltmp0, $4  }
0x12: {  	s3 =	sadd.s32 s3, s0;
	s12 =	sadd.s32 s5, s0;
	s25 =	sadd.s32 s5, s25  }
0x13: {  	s7 =	sadd.s32 $0x2800, s3;
	s23 =	sadd.s32 $0x142800, s12;
	s12 =	sadd.s32 $0xF4600, s0  }
0x14: {  	s0 =	sadd.s32 $0x1B9000, s0;
	s3 =	simm.s32 $0x19880;
	[dreg:$0x4] =	wrdreg s23  }
0x15: {  	[dreg:$0x6] =	wrdreg s0;
	s23 =	simm.s32 $0x60;
	s0 =	simm.s32 $0x4  }
.LBB2_11:
0x16: {  	[tilespmem:s28], [sflag:$0x2] =	stream.indirect.gather [hbm4b:s13+s23], $0x80, s17, s23, $0xb8;
	[tilespmem:$0x1FC00] =	vst v63  }
0x17: {  	s9 =	rddreg [dreg:$0x6]  }
.LBB2_12:
0x18: {  	_ =	swait.ge [sflag:s29], $0x3000  }
0x19: {  	[sflag:s29] =	ssyncset.done $0x0  }
0x1a: {  	[sflag:s29] =	ssyncadd.s32 $0xFFFFD000  }
0x1b: {  	[spmem:s2] =	stream.indirect.scatter.add.f32 [tilespmem:s24], [sflag:$0x3], $0x80, s1, s23, $0xb8;
	[tilespmem:$0x1FC00] =	vst v63  }
0x1c: {  	_ =	swait.ge [sflag:s30], $0x3000  }
0x1d: {  	[sflag:s30] =	ssyncset.done $0x0  }
0x1e: {  	[sflag:s30] =	ssyncadd.s32 $0xFFFFD000  }
0x1f: {  	[spmem:s2] =	stream.indirect.scatter.add.f32 [tilespmem:s28], [sflag:$0x4], $0x80, s3, s23, $0xb8;
	[tilespmem:$0x1FC00] =	vst v63  }
0x20: {  	_ =	swait.ge [sflag:s31], $0x3000  }
0x21: {  	[sflag:s31] =	ssyncset.done $0x0  }
0x22: {  	[sflag:s31] =	ssyncadd.s32 $0xFFFFD000  }
0x23: {  	_ =	swait.ge [sflag:s0], $0x3000  }
0x24: {  	s16 =	sadd.s32 $0x1, s16;
	[sflag:s0] =	ssyncset.done $0x0  }
0x25: {  	p1 =	sne.s32 s16, s15;
	[sflag:s0] =	ssyncadd.s32 $0xFFFFD000  }
.Ltmp1:
0x26: {  	s9 =	sadd.s32 s5, s9;
	[bflag:$0x0] =	sbarrier.arrive $0xFFFF;
	(pc) =	sbr.rel @!p1 .LBB2_13-.Ltmp1, $4  }
0x27: {  	[hbm:s9], [sflag:s21] =	dma.local [spmem:s22], $0x2780  }
0x28: {  	_ =	swait.ge [sflag:s19], $0x2780  }
0x29: {  	[sflag:s19] =	ssyncset.done $0x0  }
0x2a: {  	[sflag:s19] =	ssyncadd.s32 $0xFFFFD880  }
.LBB2_1:
0x2b: {  	s9 =	simm.s32 $0x80;
	s11 =	simm.s32 $0x400  }
0x2c: {  	[tilespmem:s18], [sflag:$0x5] =	stream.strided.gather [hbm4b:s7+s9], $0x2800, s11, s9, $0x38;
	[tilespmem:$0x1FC00] =	vst v63  }
0x2d: {  	_ =	swait.ge [sflag:s19], $0x2800  }
0x2e: {  	[sflag:s19] =	ssyncset.done $0x0  }
0x2f: {  	s17 =	simm.s32 $0x0;
	s20 =	simm.s32 $0x16400;
	[sflag:s19] =	ssyncadd.s32 $0xFFFFD800  }
0x30: {  	[tilespmem:s20], [sflag:$0x5] =	stream.linear.gather [hbm4b:s8+s17], $0x3500, $0x38;
	[tilespmem:$0x1FC00] =	vst v63  }
0x31: {  	_ =	swait.ge [sflag:s19], $0x3500  }
0x32: {  	[sflag:s19] =	ssyncset.done $0x0  }
0x33: {  	[sflag:s19] =	ssyncadd.s32 $0xFFFFCB00  }
0x34: {  	[spmem:s22], [sflag:s21] =	dma.local [hbm:s6], $0x2780  }
.Ltmp2:
0x35: {  	_ =	swait.ge [sflag:s19], $0x2780;
	(pc) =	sbr.rel @!p0 .LBB2_2-.Ltmp2, $3  }
0x36: {  	[sflag:s19] =	ssyncset.done $0x0  }
0x37: {  	[sflag:s19] =	ssyncadd.s32 $0xFFFFD880  }
0x38: {  	[bflag:$0x0] =	sbarrier.arrive $0xFFFF;
	_ =	sdelay $0x1  }
0x39: {  	[tilespmem:s24], [sflag:$0x1] =	stream.indirect.gather [hbm4b:s12+s23], $0x80, s18, s23, $0xb8;
	[tilespmem:$0x1FC00] =	vst v63  }
0x3a: {  	_ = 	snop  }
0x3b: {  	[tilespmem:s28], [sflag:$0x2] =	stream.indirect.gather [hbm4b:s12+s23], $0x80, s26, s23, $0xb8;
	[tilespmem:$0x1FC00] =	vst v63  }
0x3c: {  	_ =	swait.ge [sflag:s29], $0x3000  }
0x3d: {  	[sflag:s29] =	ssyncset.done $0x0  }
0x3e: {  	s9 =	simm.s32 $0x16400;
	[sflag:s29] =	ssyncadd.s32 $0xFFFFD000  }
0x3f: {  	[spmem:s2] =	stream.indirect.scatter.add.f32 [tilespmem:s24], [sflag:$0x3], $0x80, s9, s23, $0xb8;
	[tilespmem:$0x1FC00] =	vst v63  }
0x40: {  	_ =	swait.ge [sflag:s30], $0x3000  }
0x41: {  	[sflag:s30] =	ssyncset.done $0x0  }
0x42: {  	s17 =	simm.s32 $0x16480;
	[sflag:s30] =	ssyncadd.s32 $0xFFFFD000  }
0x43: {  	[spmem:s2] =	stream.indirect.scatter.add.f32 [tilespmem:s28], [sflag:$0x4], $0x80, s17, s23, $0xb8;
	[tilespmem:$0x1FC00] =	vst v63  }
0x44: {  	_ =	swait.ge [sflag:s31], $0x3000  }
0x45: {  	[sflag:s31] =	ssyncset.done $0x0  }
0x46: {  	s20 =	simm.s32 $0x13CC0;
	[sflag:s31] =	ssyncadd.s32 $0xFFFFD000  }
0x47: {  	[tilespmem:s24], [sflag:$0x1] =	stream.indirect.gather [hbm4b:s12+s23], $0x80, s20, s23, $0xb8;
	[tilespmem:$0x1FC00] =	vst v63  }
0x48: {  	_ =	swait.ge [sflag:s0], $0x3000  }
0x49: {  	s9 =	simm.s32 $0x400;
	[sflag:s0] =	ssyncset.done $0x0  }
0x4a: {  	s17 =	simm.s32 $0x13D20;
	s20 =	simm.s32 $0x13DE0;
	[sflag:s0] =	ssyncadd.s32 $0xFFFFD000  }
.LBB2_8:
0x4b: {  	[tilespmem:s28], [sflag:$0x2] =	stream.indirect.gather [hbm4b:s12+s23], $0x80, s17, s23, $0xb8;
	[tilespmem:$0x1FC00] =	vst v63  }
0x4c: {  	s11 =	smov.u32 s9;
	s17 =	smov.u32 s20  }
0x4d: {  	p1 =	sne.s32 s9, $0xCC00;
	s9 =	sadd.s32 $0x400, s9;
	_ =	swait.ge [sflag:s29], $0x3000  }
0x4e: {  	s11 =	sshra.s32 s11, $0x2;
	[sflag:s29] =	ssyncset.done $0x0  }
0x4f: {  	s14 =	sadd.s32 $0x16400, s11;
	[sflag:s29] =	ssyncadd.s32 $0xFFFFD000  }
0x50: {  	[spmem:s2] =	stream.indirect.scatter.add.f32 [tilespmem:s24], [sflag:$0x3], $0x80, s14, s23, $0xb8;
	[tilespmem:$0x1FC00] =	vst v63  }
0x51: {  	_ =	swait.ge [sflag:s30], $0x3000  }
0x52: {  	[sflag:s30] =	ssyncset.done $0x0  }
0x53: {  	s11 =	sadd.s32 $0x16480, s11;
	[sflag:s30] =	ssyncadd.s32 $0xFFFFD000  }
0x54: {  	[spmem:s2] =	stream.indirect.scatter.add.f32 [tilespmem:s28], [sflag:$0x4], $0x80, s11, s23, $0xb8;
	[tilespmem:$0x1FC00] =	vst v63  }
0x55: {  	_ =	swait.ge [sflag:s31], $0x3000  }
0x56: {  	[sflag:s31] =	ssyncset.done $0x0  }
.Ltmp3:
0x57: {  	s11 =	sadd.s32 $0xFFFFFFA0, s20;
	[sflag:s31] =	ssyncadd.s32 $0xFFFFD000;
	(pc) =	sbr.rel @p1 .LBB2_8-.Ltmp3, $4  }
0x58: {  	[tilespmem:s24], [sflag:$0x1] =	stream.indirect.gather [hbm4b:s12+s23], $0x80, s11, s23, $0xb8;
	[tilespmem:$0x1FC00] =	vst v63  }
0x59: {  	_ =	swait.ge [sflag:s0], $0x3000  }
0x5a: {  	[sflag:s0] =	ssyncset.done $0x0  }
0x5b: {  	s20 =	sadd.s32 $0xC0, s20;
	[sflag:s0] =	ssyncadd.s32 $0xFFFFD000  }
0x5c: {  	[tilespmem:s28], [sflag:$0x2] =	stream.indirect.gather [hbm4b:s12+s23], $0x80, s17, s23, $0xb8;
	[tilespmem:$0x1FC00] =	vst v63  }
0x5d: {  	_ =	swait.ge [sflag:s29], $0x3000  }
0x5e: {  	[sflag:s29] =	ssyncset.done $0x0  }
0x5f: {  	[sflag:s29] =	ssyncadd.s32 $0xFFFFD000  }
0x60: {  	[spmem:s2] =	stream.indirect.scatter.add.f32 [tilespmem:s24], [sflag:$0x3], $0x80, s1, s23, $0xb8;
	[tilespmem:$0x1FC00] =	vst v63  }
0x61: {  	_ =	swait.ge [sflag:s30], $0x3000  }
0x62: {  	[sflag:s30] =	ssyncset.done $0x0  }
0x63: {  	[sflag:s30] =	ssyncadd.s32 $0xFFFFD000  }
0x64: {  	[spmem:s2] =	stream.indirect.scatter.add.f32 [tilespmem:s28], [sflag:$0x4], $0x80, s3, s23, $0xb8;
	[tilespmem:$0x1FC00] =	vst v63  }
0x65: {  	_ =	swait.ge [sflag:s31], $0x3000  }
0x66: {  	[sflag:s31] =	ssyncset.done $0x0  }
0x67: {  	[sflag:s31] =	ssyncadd.s32 $0xFFFFD000  }
0x68: {  	_ =	swait.ge [sflag:s0], $0x3000  }
0x69: {  	[sflag:s0] =	ssyncset.done $0x0  }
0x6a: {  	[sflag:s0] =	ssyncadd.s32 $0xFFFFD000  }
0x6b: {  	[bflag:$0x0] =	sbarrier.arrive $0xFFFF  }
0x6c: {  	[hbm:s25], [sflag:s21] =	dma.local [spmem:s22], $0x2780  }
0x6d: {  	_ =	swait.ge [sflag:s19], $0x2780  }
0x6e: {  	[sflag:s19] =	ssyncset.done $0x0  }
0x6f: {  	[sflag:s19] =	ssyncadd.s32 $0xFFFFD880  }
0x70: {  	[bflag:$0x0] =	sbarrier.arrive $0xFFFF  }
0x71: {  	[spmem:s22], [sflag:s21] =	dma.local [hbm:s6], $0x2780  }
0x72: {  	_ =	swait.ge [sflag:s19], $0x2780  }
0x73: {  	[sflag:s19] =	ssyncset.done $0x0  }
0x74: {  	[sflag:s19] =	ssyncadd.s32 $0xFFFFD880  }
0x75: {  	[bflag:$0x0] =	sbarrier.arrive $0xFFFF  }
0x76: {  	[tilespmem:s24], [sflag:$0x1] =	stream.indirect.gather [hbm4b:s13+s23], $0x80, s18, s23, $0xb8;
	[tilespmem:$0x1FC00] =	vst v63  }
0x77: {  	_ = 	snop  }
0x78: {  	[tilespmem:s28], [sflag:$0x2] =	stream.indirect.gather [hbm4b:s13+s23], $0x80, s26, s23, $0xb8;
	[tilespmem:$0x1FC00] =	vst v63  }
0x79: {  	_ =	swait.ge [sflag:s29], $0x3000  }
0x7a: {  	[sflag:s29] =	ssyncset.done $0x0  }
0x7b: {  	s9 =	simm.s32 $0x16400;
	[sflag:s29] =	ssyncadd.s32 $0xFFFFD000  }
0x7c: {  	[spmem:s2] =	stream.indirect.scatter.add.f32 [tilespmem:s24], [sflag:$0x3], $0x80, s9, s23, $0xb8;
	[tilespmem:$0x1FC00] =	vst v63  }
0x7d: {  	_ =	swait.ge [sflag:s30], $0x3000  }
0x7e: {  	[sflag:s30] =	ssyncset.done $0x0  }
0x7f: {  	s17 =	simm.s32 $0x16480;
	[sflag:s30] =	ssyncadd.s32 $0xFFFFD000  }
0x80: {  	[spmem:s2] =	stream.indirect.scatter.add.f32 [tilespmem:s28], [sflag:$0x4], $0x80, s17, s23, $0xb8;
	[tilespmem:$0x1FC00] =	vst v63  }
0x81: {  	_ =	swait.ge [sflag:s31], $0x3000  }
0x82: {  	[sflag:s31] =	ssyncset.done $0x0  }
0x83: {  	s20 =	simm.s32 $0x13CC0;
	[sflag:s31] =	ssyncadd.s32 $0xFFFFD000  }
0x84: {  	[tilespmem:s24], [sflag:$0x1] =	stream.indirect.gather [hbm4b:s13+s23], $0x80, s20, s23, $0xb8;
	[tilespmem:$0x1FC00] =	vst v63  }
0x85: {  	_ =	swait.ge [sflag:s0], $0x3000  }
0x86: {  	s9 =	simm.s32 $0x400;
	[sflag:s0] =	ssyncset.done $0x0  }
0x87: {  	s17 =	simm.s32 $0x13D20;
	s20 =	simm.s32 $0x13DE0;
	[sflag:s0] =	ssyncadd.s32 $0xFFFFD000  }
.LBB2_10:
0x88: {  	[tilespmem:s28], [sflag:$0x2] =	stream.indirect.gather [hbm4b:s13+s23], $0x80, s17, s23, $0xb8;
	[tilespmem:$0x1FC00] =	vst v63  }
0x89: {  	s11 =	smov.u32 s9;
	s17 =	smov.u32 s20  }
0x8a: {  	p1 =	sne.s32 s9, $0xCC00;
	s9 =	sadd.s32 $0x400, s9;
	_ =	swait.ge [sflag:s29], $0x3000  }
0x8b: {  	s11 =	sshra.s32 s11, $0x2;
	[sflag:s29] =	ssyncset.done $0x0  }
0x8c: {  	s14 =	sadd.s32 $0x16400, s11;
	[sflag:s29] =	ssyncadd.s32 $0xFFFFD000  }
0x8d: {  	[spmem:s2] =	stream.indirect.scatter.add.f32 [tilespmem:s24], [sflag:$0x3], $0x80, s14, s23, $0xb8;
	[tilespmem:$0x1FC00] =	vst v63  }
0x8e: {  	_ =	swait.ge [sflag:s30], $0x3000  }
0x8f: {  	[sflag:s30] =	ssyncset.done $0x0  }
0x90: {  	s11 =	sadd.s32 $0x16480, s11;
	[sflag:s30] =	ssyncadd.s32 $0xFFFFD000  }
0x91: {  	[spmem:s2] =	stream.indirect.scatter.add.f32 [tilespmem:s28], [sflag:$0x4], $0x80, s11, s23, $0xb8;
	[tilespmem:$0x1FC00] =	vst v63  }
0x92: {  	_ =	swait.ge [sflag:s31], $0x3000  }
0x93: {  	[sflag:s31] =	ssyncset.done $0x0  }
.Ltmp4:
0x94: {  	s11 =	sadd.s32 $0xFFFFFFA0, s20;
	[sflag:s31] =	ssyncadd.s32 $0xFFFFD000;
	(pc) =	sbr.rel @p1 .LBB2_10-.Ltmp4, $4  }
0x95: {  	[tilespmem:s24], [sflag:$0x1] =	stream.indirect.gather [hbm4b:s13+s23], $0x80, s11, s23, $0xb8;
	[tilespmem:$0x1FC00] =	vst v63  }
0x96: {  	_ =	swait.ge [sflag:s0], $0x3000  }
0x97: {  	[sflag:s0] =	ssyncset.done $0x0  }
0x98: {  	s20 =	sadd.s32 $0xC0, s20;
	[sflag:s0] =	ssyncadd.s32 $0xFFFFD000  }
.Ltmp5:
0x99: {  	_ = 	snop;
	(pc) =	sbr.rel .LBB2_11-.Ltmp5, $1  }
0x9a: {  	_ =	sdelay $0x3  }
.LBB2_2:
0x9b: {  	[tilespmem:s24], [sflag:$0x1] =	stream.indirect.gather [hbm4b:s4+s23], $0x80, s18, s23, $0xb8;
	[tilespmem:$0x1FC00] =	vst v63  }
0x9c: {  	_ = 	snop  }
0x9d: {  	[tilespmem:s28], [sflag:$0x2] =	stream.indirect.gather [hbm4b:s4+s23], $0x80, s26, s23, $0xb8;
	[tilespmem:$0x1FC00] =	vst v63  }
0x9e: {  	_ =	swait.ge [sflag:s29], $0x3000  }
0x9f: {  	[sflag:s29] =	ssyncset.done $0x0  }
0xa0: {  	s9 =	simm.s32 $0x16400;
	[sflag:s29] =	ssyncadd.s32 $0xFFFFD000  }
0xa1: {  	[spmem:s2] =	stream.indirect.scatter.add.f32 [tilespmem:s24], [sflag:$0x3], $0x80, s9, s23, $0xb8;
	[tilespmem:$0x1FC00] =	vst v63  }
0xa2: {  	_ =	swait.ge [sflag:s30], $0x3000  }
0xa3: {  	[sflag:s30] =	ssyncset.done $0x0  }
0xa4: {  	s17 =	simm.s32 $0x16480;
	[sflag:s30] =	ssyncadd.s32 $0xFFFFD000  }
0xa5: {  	[spmem:s2] =	stream.indirect.scatter.add.f32 [tilespmem:s28], [sflag:$0x4], $0x80, s17, s23, $0xb8;
	[tilespmem:$0x1FC00] =	vst v63  }
0xa6: {  	_ =	swait.ge [sflag:s31], $0x3000  }
0xa7: {  	[sflag:s31] =	ssyncset.done $0x0  }
0xa8: {  	s20 =	simm.s32 $0x13CC0;
	[sflag:s31] =	ssyncadd.s32 $0xFFFFD000  }
0xa9: {  	[tilespmem:s24], [sflag:$0x1] =	stream.indirect.gather [hbm4b:s4+s23], $0x80, s20, s23, $0xb8;
	[tilespmem:$0x1FC00] =	vst v63  }
0xaa: {  	_ =	swait.ge [sflag:s0], $0x3000  }
0xab: {  	s9 =	simm.s32 $0x400;
	[sflag:s0] =	ssyncset.done $0x0  }
0xac: {  	s17 =	simm.s32 $0x13D20;
	s20 =	simm.s32 $0x13DE0;
	[sflag:s0] =	ssyncadd.s32 $0xFFFFD000  }
.LBB2_3:
0xad: {  	[tilespmem:s28], [sflag:$0x2] =	stream.indirect.gather [hbm4b:s4+s23], $0x80, s17, s23, $0xb8;
	[tilespmem:$0x1FC00] =	vst v63  }
0xae: {  	s11 =	smov.u32 s9;
	s17 =	smov.u32 s20  }
0xaf: {  	p1 =	sne.s32 s9, $0xCC00;
	s9 =	sadd.s32 $0x400, s9;
	_ =	swait.ge [sflag:s29], $0x3000  }
0xb0: {  	s11 =	sshra.s32 s11, $0x2;
	[sflag:s29] =	ssyncset.done $0x0  }
0xb1: {  	s14 =	sadd.s32 $0x16400, s11;
	[sflag:s29] =	ssyncadd.s32 $0xFFFFD000  }
0xb2: {  	[spmem:s2] =	stream.indirect.scatter.add.f32 [tilespmem:s24], [sflag:$0x3], $0x80, s14, s23, $0xb8;
	[tilespmem:$0x1FC00] =	vst v63  }
0xb3: {  	_ =	swait.ge [sflag:s30], $0x3000  }
0xb4: {  	[sflag:s30] =	ssyncset.done $0x0  }
0xb5: {  	s11 =	sadd.s32 $0x16480, s11;
	[sflag:s30] =	ssyncadd.s32 $0xFFFFD000  }
0xb6: {  	[spmem:s2] =	stream.indirect.scatter.add.f32 [tilespmem:s28], [sflag:$0x4], $0x80, s11, s23, $0xb8;
	[tilespmem:$0x1FC00] =	vst v63  }
0xb7: {  	_ =	swait.ge [sflag:s31], $0x3000  }
0xb8: {  	[sflag:s31] =	ssyncset.done $0x0  }
.Ltmp6:
0xb9: {  	s11 =	sadd.s32 $0xFFFFFFA0, s20;
	[sflag:s31] =	ssyncadd.s32 $0xFFFFD000;
	(pc) =	sbr.rel @p1 .LBB2_3-.Ltmp6, $4  }
0xba: {  	[tilespmem:s24], [sflag:$0x1] =	stream.indirect.gather [hbm4b:s4+s23], $0x80, s11, s23, $0xb8;
	[tilespmem:$0x1FC00] =	vst v63  }
0xbb: {  	_ =	swait.ge [sflag:s0], $0x3000  }
0xbc: {  	[sflag:s0] =	ssyncset.done $0x0  }
0xbd: {  	s20 =	sadd.s32 $0xC0, s20;
	[sflag:s0] =	ssyncadd.s32 $0xFFFFD000  }
0xbe: {  	[tilespmem:s28], [sflag:$0x2] =	stream.indirect.gather [hbm4b:s4+s23], $0x80, s17, s23, $0xb8;
	[tilespmem:$0x1FC00] =	vst v63  }
0xbf: {  	_ =	swait.ge [sflag:s29], $0x3000  }
0xc0: {  	[sflag:s29] =	ssyncset.done $0x0  }
0xc1: {  	[sflag:s29] =	ssyncadd.s32 $0xFFFFD000  }
0xc2: {  	[spmem:s2] =	stream.indirect.scatter.add.f32 [tilespmem:s24], [sflag:$0x3], $0x80, s1, s23, $0xb8;
	[tilespmem:$0x1FC00] =	vst v63  }
0xc3: {  	_ =	swait.ge [sflag:s30], $0x3000  }
0xc4: {  	[sflag:s30] =	ssyncset.done $0x0  }
0xc5: {  	[sflag:s30] =	ssyncadd.s32 $0xFFFFD000  }
0xc6: {  	[spmem:s2] =	stream.indirect.scatter.add.f32 [tilespmem:s28], [sflag:$0x4], $0x80, s3, s23, $0xb8;
	[tilespmem:$0x1FC00] =	vst v63  }
0xc7: {  	_ =	swait.ge [sflag:s31], $0x3000  }
0xc8: {  	[sflag:s31] =	ssyncset.done $0x0  }
0xc9: {  	[sflag:s31] =	ssyncadd.s32 $0xFFFFD000  }
0xca: {  	_ =	swait.ge [sflag:s0], $0x3000  }
0xcb: {  	[sflag:s0] =	ssyncset.done $0x0  }
0xcc: {  	[sflag:s0] =	ssyncadd.s32 $0xFFFFD000  }
0xcd: {  	[bflag:$0x0] =	sbarrier.arrive $0xFFFF  }
0xce: {  	s9 =	rddreg [dreg:$0x4]  }
0xcf: {  	[hbm:s9], [sflag:s21] =	dma.local [spmem:s22], $0x2780  }
0xd0: {  	_ =	swait.ge [sflag:s19], $0x2780  }
0xd1: {  	[sflag:s19] =	ssyncset.done $0x0  }
0xd2: {  	[sflag:s19] =	ssyncadd.s32 $0xFFFFD880  }
0xd3: {  	[bflag:$0x0] =	sbarrier.arrive $0xFFFF  }
0xd4: {  	[spmem:s22], [sflag:s21] =	dma.local [hbm:s6], $0x2780  }
0xd5: {  	_ =	swait.ge [sflag:s19], $0x2780  }
0xd6: {  	[sflag:s19] =	ssyncset.done $0x0  }
0xd7: {  	[sflag:s19] =	ssyncadd.s32 $0xFFFFD880  }
0xd8: {  	[bflag:$0x0] =	sbarrier.arrive $0xFFFF  }
0xd9: {  	[tilespmem:s24], [sflag:$0x1] =	stream.indirect.gather [hbm4b:s10+s23], $0x80, s18, s23, $0xb8;
	[tilespmem:$0x1FC00] =	vst v63  }
0xda: {  	_ = 	snop  }
0xdb: {  	[tilespmem:s28], [sflag:$0x2] =	stream.indirect.gather [hbm4b:s10+s23], $0x80, s26, s23, $0xb8;
	[tilespmem:$0x1FC00] =	vst v63  }
0xdc: {  	_ =	swait.ge [sflag:s29], $0x3000  }
0xdd: {  	[sflag:s29] =	ssyncset.done $0x0  }
0xde: {  	s14 =	simm.s32 $0x16400;
	[sflag:s29] =	ssyncadd.s32 $0xFFFFD000  }
0xdf: {  	[spmem:s2] =	stream.indirect.scatter.add.f32 [tilespmem:s24], [sflag:$0x3], $0x80, s14, s23, $0xb8;
	[tilespmem:$0x1FC00] =	vst v63  }
0xe0: {  	_ =	swait.ge [sflag:s30], $0x3000  }
0xe1: {  	[sflag:s30] =	ssyncset.done $0x0  }
0xe2: {  	s17 =	simm.s32 $0x16480;
	[sflag:s30] =	ssyncadd.s32 $0xFFFFD000  }
0xe3: {  	[spmem:s2] =	stream.indirect.scatter.add.f32 [tilespmem:s28], [sflag:$0x4], $0x80, s17, s23, $0xb8;
	[tilespmem:$0x1FC00] =	vst v63  }
0xe4: {  	_ =	swait.ge [sflag:s31], $0x3000  }
0xe5: {  	[sflag:s31] =	ssyncset.done $0x0  }
0xe6: {  	s20 =	simm.s32 $0x13CC0;
	[sflag:s31] =	ssyncadd.s32 $0xFFFFD000  }
0xe7: {  	[tilespmem:s24], [sflag:$0x1] =	stream.indirect.gather [hbm4b:s10+s23], $0x80, s20, s23, $0xb8;
	[tilespmem:$0x1FC00] =	vst v63  }
0xe8: {  	_ =	swait.ge [sflag:s0], $0x3000  }
0xe9: {  	s9 =	simm.s32 $0x400;
	[sflag:s0] =	ssyncset.done $0x0  }
0xea: {  	s17 =	simm.s32 $0x13D20;
	s20 =	simm.s32 $0x13DE0;
	[sflag:s0] =	ssyncadd.s32 $0xFFFFD000  }
.LBB2_5:
0xeb: {  	[tilespmem:s28], [sflag:$0x2] =	stream.indirect.gather [hbm4b:s10+s23], $0x80, s17, s23, $0xb8;
	[tilespmem:$0x1FC00] =	vst v63  }
0xec: {  	s11 =	smov.u32 s9;
	s17 =	smov.u32 s20  }
0xed: {  	p1 =	seq.s32 s9, $0xCC00;
	s9 =	sadd.s32 $0x400, s9;
	_ =	swait.ge [sflag:s29], $0x3000  }
0xee: {  	s11 =	sshra.s32 s11, $0x2;
	[sflag:s29] =	ssyncset.done $0x0  }
0xef: {  	s14 =	sadd.s32 $0x16400, s11;
	[sflag:s29] =	ssyncadd.s32 $0xFFFFD000  }
0xf0: {  	[spmem:s2] =	stream.indirect.scatter.add.f32 [tilespmem:s24], [sflag:$0x3], $0x80, s14, s23, $0xb8;
	[tilespmem:$0x1FC00] =	vst v63  }
0xf1: {  	_ =	swait.ge [sflag:s30], $0x3000  }
0xf2: {  	[sflag:s30] =	ssyncset.done $0x0  }
0xf3: {  	s11 =	sadd.s32 $0x16480, s11;
	[sflag:s30] =	ssyncadd.s32 $0xFFFFD000  }
0xf4: {  	[spmem:s2] =	stream.indirect.scatter.add.f32 [tilespmem:s28], [sflag:$0x4], $0x80, s11, s23, $0xb8;
	[tilespmem:$0x1FC00] =	vst v63  }
0xf5: {  	_ =	swait.ge [sflag:s31], $0x3000  }
0xf6: {  	[sflag:s31] =	ssyncset.done $0x0  }
.Ltmp7:
0xf7: {  	s11 =	sadd.s32 $0xFFFFFFA0, s20;
	[sflag:s31] =	ssyncadd.s32 $0xFFFFD000;
	(pc) =	sbr.rel @!p1 .LBB2_5-.Ltmp7, $4  }
0xf8: {  	[tilespmem:s24], [sflag:$0x1] =	stream.indirect.gather [hbm4b:s10+s23], $0x80, s11, s23, $0xb8;
	[tilespmem:$0x1FC00] =	vst v63  }
0xf9: {  	_ =	swait.ge [sflag:s0], $0x3000  }
0xfa: {  	[sflag:s0] =	ssyncset.done $0x0  }
0xfb: {  	s20 =	sadd.s32 $0xC0, s20;
	[sflag:s0] =	ssyncadd.s32 $0xFFFFD000  }
.Ltmp8:
0xfc: {  	(pc) =	sbr.rel .LBB2_12-.Ltmp8, $3  }
0xfd: {  	_ =	sdelay $0x1  }
0xfe: {  	[tilespmem:s28], [sflag:$0x2] =	stream.indirect.gather [hbm4b:s10+s23], $0x80, s17, s23, $0xb8;
	[tilespmem:$0x1FC00] =	vst v63  }
0xff: {  	s9 =	rddreg [dreg:$0x5]  }
.LBB2_13:
0x100: {  	_ =	sfence.sel $0x180000  }
0x101: {  	[bflag:$0x0] =	sbarrier.arrive $0xFFFF  }
0x102: {  	_ =	strace $0x9000004A  }
0x103: {  	s0 =	stileid.u32;
	[bflag:$0x2] =	sbarrier.arrive $0xFFFF  }
0x104: {  	p0 =	sne.s32 s0, $0x0;
	s0 =	rddreg [dreg:$0x3]  }
0x105: {  	s0 =	sadd.s32 @!p0 $0x100000, s0  }
0x106: {  	[sflag:s0] =	ssyncadd.tile.s32 @!p0 $0x1;
	_ =	shalt  }
.Lfunc_end2:
_tile_overlayer_lowered:
.L_overlay_start_2:
0x107: {  	(tag) =	ssettag $0x2  }
0x108: {  	s0 =	rddreg [dreg:$0x0];
	s2 =	stileid.u32  }
0x109: {  	s1 =	rddreg [dreg:$0x1];
	p0 =	sne.s32 s2, $0x0  }
0x10a: {  	s3 =	rddreg [dreg:$0x2];
	[bflag:$0x3] =	sbarrier.arrive $0xFFFF;
	s2 =	simm.s32 @!p0 $0x1C05  }
0x10b: {  	[timem:s3], [sflag:s2] =	dma.local @!p0 [hbm:s0], s1  }
0x10c: {  	s0 =	simm.s32 @!p0 $0x5  }
0x10d: {  	_ =	swait.ge @!p0 [sflag:s0], s1  }
0x10e: {  	s1 =	ssub.s32 @!p0 $0x0, s1;
	[sflag:s0] =	ssyncset.done @!p0 $0x0  }
0x10f: {  	[sflag:s0] =	ssyncadd.s32 @!p0 s1  }
0x110: {  	[bflag:$0x3] =	sbarrier.arrive $0xFFFF  }
0x111: {  	_ =	shalt  }

// kernel: kernel.9.cloned.1.call-start
scs
__scs_entry_jumppad:
0x0: {  	(pc) =	sbr.rel $0x88, $3  }
0x1: {  	(tag) =	ssettag $0x0;
	lr =	simm.s32 $0x1  }
0x2: {  	[smem:$0x3F91] =	sst lr;
	_ =	strace $0xD0000000  }
0x3: {  	_ = 	snop  }
0x4: {  	_ = 	snop  }
0x5: {  	_ = 	snop  }
0x6: {  	_ = 	snop  }
0x7: {  	_ = 	snop  }
__scs_overlays_trampoline_lowered:
0x8: {  	[smem:$0x3FA0] =	sst s0  }
0x9: {  	[smem:$0x3FA1] =	sst s1  }
0xa: {  	[smem:$0x3FA2] =	sst s2  }
0xb: {  	[smem:$0x3FA3] =	sst s3  }
0xc: {  	[smem:$0x3FA4] =	sst s4  }
0xd: {  	[smem:$0x3FA5] =	sst s5  }
0xe: {  	[smem:$0x3FA6] =	sst s6  }
0xf: {  	[smem:$0x3FA7] =	sst s7  }
0x10: {  	[smem:$0x3FA8] =	sst s8  }
0x11: {  	[smem:$0x3FA9] =	sst s9;
	s0 =	simm.s32 @!p0 $0x0  }
0x12: {  	s1 =	sld [smem:$0x3F8F];
	s0 =	simm.s32 @p0 $0x1  }
0x13: {  	[smem:$0x3FAA] =	sst s0;
	s0 =	simm.s32 @!p1 $0x0  }
0x14: {  	s2 =	sld [smem:$0x3F8E];
	s0 =	simm.s32 @p1 $0x1  }
0x15: {  	[smem:$0x3FAB] =	sst s0;
	s0 =	simm.s32 @!p2 $0x0  }
0x16: {  	s3 =	sld [smem:$0x3FDB];
	s0 =	simm.s32 @p2 $0x1  }
0x17: {  	s4 =	simm.s32 $0x1BF5;
	[smem:$0x3FAD] =	sst s0  }
0x18: {  	s0 =	sld [smem:$0x3F90];
	_ =	swait.ge [sflag:s4], $0x0  }
0x19: {  	s7 =	sld [smem:$0x3F91]  }
0x1a: {  	s8 =	sadd.s32 $0xFFFFE003, lr  }
0x1b: {  	s9 =	sadd.s32 $0xFFFFFEF7, lr;
	s5 =	simm.s32 $0xFFFFFFFF;
	p2 =	slt.u32 s8, $0xFFFFF086  }
0x1c: {  	p1 =	slt.u32 s9, $0xF7A;
	s5 =	simm.s32 @!p2 $0x0  }
0x1d: {  	s5 =	simm.s32 @p1 $0x1;
	p0 =	seq.s32 s7, s2  }
0x1e: {  	s7 =	smul.u32 @!p0 $0xF7A, s2;
	p2 =	seq.s32 @!p0 s5, $0x0  }
0x1f: {  	s9 =	smul.u32 $0xF7A, s1;
	s8 =	simm.s32 @!p0 $0x1BF5;
	p2 =	por !p2, p0  }
0x20: {  	[sflag:s8] =	ssyncset.s32 @!p0 $0xFFFFF086;
	s6 =	sadd.s32 @!p0 s3, s7;
	s7 =	simm.s32 @!p0 $0x108  }
0x21: {  	s3 =	sadd.s32 s3, s9;
	s6 =	sadd.s32 @!p0 $0x88, s6;
	s7 =	simm.s32 @p2 $0x1082  }
0x22: {  	[simem:s7], [sflag:s8] =	dma.local @!p0 [hbm:s6], $0xF7A  }
0x23: {  	s9 =	sor.u32 $0xD0000000, s2;
	s6 =	simm.s32 $0x108;
	_ =	swait.ge @!p0 [sflag:s8], $0x0  }
0x24: {  	s3 =	sadd.s32 $0x88, s3;
	s6 =	simm.s32 @!p1 $0x1082;
	[sflag:s4] =	ssyncset.s32 $0xFFFFF086  }
0x25: {  	[simem:s6], [sflag:s4] =	dma.local [hbm:s3], $0xF7A  }
0x26: {  	[smem:$0x3F91] =	sst s1;
	(tag) =	ssettag s2;
	_ =	strace s9  }
0x27: {  	s1 =	sld [smem:$0x3FA1]  }
0x28: {  	s2 =	sld [smem:$0x3FA2]  }
0x29: {  	s4 =	sld [smem:$0x3FA4]  }
0x2a: {  	p0 =	seq.s32 s5, $0x0;
	s5 =	sld [smem:$0x3FA5]  }
0x2b: {  	s6 =	sld [smem:$0x3FA6]  }
0x2c: {  	s7 =	sld [smem:$0x3FA7]  }
0x2d: {  	s3 =	simm.s32 $0x108;
	s8 =	sld [smem:$0x3FA8]  }
0x2e: {  	s3 =	simm.s32 @!p0 $0x1082;
	s9 =	sld [smem:$0x3FA9]  }
0x2f: {  	lr =	sadd.s32 s0, s3;
	s0 =	sld [smem:$0x3FA0]  }
0x30: {  	s3 =	sld [smem:$0x3FA3]  }
0x31: {  	[smem:$0x3FAC] =	sst s10  }
0x32: {  	s10 =	sld [smem:$0x3FAA];
	_ =	sdelay $0x3  }
0x33: {  	p0 =	seq.s32 s10, $0x1;
	s10 =	sld [smem:$0x3FAC];
	_ =	sdelay $0x3  }
0x34: {  	[smem:$0x3FAC] =	sst s10  }
0x35: {  	s10 =	sld [smem:$0x3FAB];
	_ =	sdelay $0x3  }
0x36: {  	p1 =	seq.s32 s10, $0x1;
	s10 =	sld [smem:$0x3FAC];
	_ =	sdelay $0x3  }
0x37: {  	[smem:$0x3FAC] =	sst s10  }
0x38: {  	s10 =	sld [smem:$0x3FAD]  }
0x39: {  	_ = 	snop;
	(pc) =	sbr.ind lr, $3  }
0x3a: {  	_ = 	snop  }
0x3b: {  	_ = 	snop  }
0x3c: {  	p2 =	seq.s32 s10, $0x1;
	s10 =	sld [smem:$0x3FAC]  }
0x3d: {  	_ =	shalt  }
0x3e: {  	_ =	shalt  }
0x3f: {  	_ =	shalt  }
0x40: {  	_ =	shalt  }
0x41: {  	_ =	shalt  }
0x42: {  	_ =	shalt  }
0x43: {  	_ =	shalt  }
0x44: {  	_ =	shalt  }
0x45: {  	_ =	shalt  }
0x46: {  	_ =	shalt  }
0x47: {  	_ =	shalt  }
0x48: {  	_ =	shalt  }
0x49: {  	_ =	shalt  }
0x4a: {  	_ =	shalt  }
0x4b: {  	_ =	shalt  }
0x4c: {  	_ =	shalt  }
0x4d: {  	_ =	shalt  }
0x4e: {  	_ =	shalt  }
0x4f: {  	_ =	shalt  }
0x50: {  	_ =	shalt  }
0x51: {  	_ =	shalt  }
0x52: {  	_ =	shalt  }
0x53: {  	_ =	shalt  }
0x54: {  	_ =	shalt  }
0x55: {  	_ =	shalt  }
0x56: {  	_ =	shalt  }
0x57: {  	_ =	shalt  }
0x58: {  	_ =	shalt  }
0x59: {  	_ =	shalt  }
0x5a: {  	_ =	shalt  }
0x5b: {  	_ =	shalt  }
0x5c: {  	_ =	shalt  }
0x5d: {  	_ =	shalt  }
0x5e: {  	_ =	shalt  }
0x5f: {  	_ =	shalt  }
0x60: {  	_ =	shalt  }
0x61: {  	_ =	shalt  }
0x62: {  	_ =	shalt  }
0x63: {  	_ =	shalt  }
0x64: {  	_ =	shalt  }
0x65: {  	_ =	shalt  }
0x66: {  	_ =	shalt  }
0x67: {  	_ =	shalt  }
0x68: {  	_ =	shalt  }
0x69: {  	_ =	shalt  }
0x6a: {  	_ =	shalt  }
0x6b: {  	_ =	shalt  }
0x6c: {  	_ =	shalt  }
0x6d: {  	_ =	shalt  }
0x6e: {  	_ =	shalt  }
0x6f: {  	_ =	shalt  }
0x70: {  	_ =	shalt  }
0x71: {  	_ =	shalt  }
0x72: {  	_ =	shalt  }
0x73: {  	_ =	shalt  }
0x74: {  	_ =	shalt  }
0x75: {  	_ =	shalt  }
0x76: {  	_ =	shalt  }
0x77: {  	_ =	shalt  }
0x78: {  	_ =	shalt  }
0x79: {  	_ =	shalt  }
0x7a: {  	_ =	shalt  }
0x7b: {  	_ =	shalt  }
0x7c: {  	_ =	shalt  }
0x7d: {  	_ =	shalt  }
0x7e: {  	_ =	shalt  }
0x7f: {  	_ =	shalt  }
0x80: {  	_ =	shalt  }
0x81: {  	_ =	shalt  }
0x82: {  	_ =	shalt  }
0x83: {  	_ =	shalt  }
0x84: {  	_ =	shalt  }
0x85: {  	_ =	shalt  }
0x86: {  	_ =	shalt  }
0x87: {  	_ =	shalt  }
.Lfunc_end0:
.L_simem_size_0:
called_computation_lowered:
.L_overlay_start_0:
0x88: {  	s2 =	sld [smem:$0x3FD9]  }
0x89: {  	s3 =	sld [smem:$0x3FFE];
	_ =	sdelay $0x1  }
0x8a: {  	s1 =	srdreg.scid  }
0x8b: {  	s0 =	sand.u32 $0x1, s1  }
0x8c: {  	s17 =	sshll.u32 s0, $0xA;
	s2 =	sadd.s32 s3, s2  }
0x8d: {  	s2 =	sadd.s32 s2, s17  }
0x8e: {  	[smem:$0x3FB8] =	sst s2  }
0x8f: {  	_ = 	snop  }
0x90: {  	s2 =	sld [smem:$0x3FD0];
	(tm) =	ssettm $0x1  }
0x91: {  	s18 =	sld [smem:$0x3FFB];
	_ =	sdelay $0x3  }
0x92: {  	_ =	strace s18  }
0x93: {  	s3 =	sld [smem:$0x3FFC];
	_ =	sdelay $0x3  }
0x94: {  	_ =	strace s3  }
0x95: {  	s3 =	sld [smem:$0x3FFD];
	_ =	sdelay $0x3  }
0x96: {  	_ =	strace s3  }
0x97: {  	_ =	strace $0x8FFFFFFF  }
0x98: {  	s19 =	sld [smem:$0x3FDB];
	_ =	sdelay $0x1  }
0x99: {  	s4 =	simm.s32 $_scs_section_size  }
0x9a: {  	s5 =	simm.s32 $_size__tile_overlayer_lowered;
	s6 =	simm.s32 $_tile_overlayer_lowered  }
0x9b: {  	s22 =	simm.s32 $0x1BFF;
	s21 =	sshll.u32 s6, $0x1;
	s3 =	sadd.s32 s4, s19  }
0x9c: {  	s7 =	simm.s32 $0x0;
	s20 =	sshll.u32 s5, $0x1;
	s5 =	sadd.s32 s21, s3  }
0x9d: {  	[timem:s7], [sflag:s22] =	dma.local [hbm:s5], s20  }
0x9e: {  	_ =	swait.ge [sflag:s22], s20  }
0x9f: {  	s4 =	ssub.s32 $0x0, s20;
	[sflag:s22] =	ssyncset.done $0x0  }
0xa0: {  	[sflag:s22] =	ssyncadd.s32 s4;
	_ =	sdelay $0x1  }
0xa1: {  	s23 =	simm.s32 $0x1B8B  }
0xa2: {  	_ =	swait.ge [sflag:s23], $0x1  }
0xa3: {  	[sflag:s23] =	ssyncset.done $0x0  }
0xa4: {  	s25 =	simm.s32 $0x1B8E;
	s24 =	sld [smem:$0x3FFE];
	[sflag:s23] =	ssyncadd.s32 $0xFFFFFFFF  }
0xa5: {  	s26 =	simm.s32 $execute0_lowered;
	[smem:$0x3FD2] =	sst s25  }
0xa6: {  	s5 =	sshll.u32 s26, $0x1;
	_ =	strace $0x80000046;
	[dreg:$0x1] =	wrdreg $0xFFFFFFFF  }
0xa7: {  	s28 =	simm.s32 $_size_execute0_lowered;
	s3 =	sadd.s32 s3, s5;
	[dreg:$0x0] =	wrdreg $0x0  }
0xa8: {  	s5 =	sshll.u32 s28, $0x1;
	[dreg:$0x2] =	wrdreg s3  }
0xa9: {  	[dreg:$0x3] =	wrdreg s5  }
0xaa: {  	[dreg:$0x4] =	wrdreg $0xC0  }
0xab: {  	_ =	task [dreg:s7], $0x5FFFF  }
0xac: {  	[dreg:$0x1] =	wrdreg $0xFFFFFFFF  }
0xad: {  	[dreg:$0x0] =	wrdreg $0x60  }
0xae: {  	[dreg:$0x2] =	wrdreg s24  }
0xaf: {  	[dreg:$0x3] =	wrdreg s2  }
0xb0: {  	[dreg:$0x4] =	wrdreg $0x0  }
0xb1: {  	[dreg:$0x5] =	wrdreg $0x9  }
0xb2: {  	_ =	task.clear_ibuf [dreg:s7], $0x6FFFF;
	_ =	strace $0x90000046  }
0xb3: {  	s29 =	simm.s32 $0x9;
	_ =	strace $0x80000048  }
0xb4: {  	_ =	swait.ge [sflag:s29], $0x1  }
0xb5: {  	[sflag:s29] =	ssyncadd.s32 $0xFFFFFFFF  }
0xb6: {  	_ =	strace $0x90000048  }
0xb7: {  	_ =	sfence  }
0xb8: {  	s30 =	sld [smem:$0x0];
	_ =	sdelay $0x2  }
0xb9: {  	s31 =	sshll.u32 s1, $0xD;
	s1 =	sshrl.u32 s1, $0x2  }
0xba: {  	s3 =	sand.u32 $0x4000, s31;
	s1 =	sadd.s32 s1, s30  }
0xbb: {  	s0 =	sor.u32 s3, s0;
	s1 =	sshll.u32 s1, $0x11  }
0xbc: {  	s0 =	sor.u32 s1, s0  }
0xbd: {  	s0 =	sadd.s32 $0x8F2B, s0  }
0xbe: {  	[sflag:s0] =	ssyncadd.remote.s32 $0x1  }
0xbf: {  	_ =	sfence.sel $0xFFFF  }
0xc0: {  	[dreg:$0x0] =	wrdreg $0xFFFFFFFF;
	(pc) =	sbr.abs _section_cstart, $3  }
0xc1: {  	[dreg:$0x1] =	wrdreg $0xFFFFFFFF  }
0xc2: {  	_ =	task.clear_ibuf [dreg:s7], $0x2FFFF;
	_ =	strace $0x9FFFFFFF  }
0xc3: {  	(tm) =	ssettm $0x7FFFFFFF  }
tec
execute0_lowered:
.L_overlay_start_1:
0x0: {  	(tag) =	ssettag $0x1  }
0x1: {  	s0 =	rddreg [dreg:$0x0]  }
0x2: {  	s1 =	rddreg [dreg:$0x1]  }
0x3: {  	s2 =	rddreg [dreg:$0x2];
	s3 =	simm.s32 $0x0;
	s14 =	stileid.u32  }
0x4: {  	s6 =	srdreg.scid;
	s18 =	simm.s32 $0x13C00;
	s19 =	simm.s32 $0x5  }
0x5: {  	s28 =	simm.s32 $0x1CC00;
	s29 =	simm.s32 $0x1;
	s30 =	simm.s32 $0x2  }
0x6: {  	s31 =	simm.s32 $0x3;
	s16 =	simm.s32 $0x0;
	[smem:$0x7FF] =	sst s3  }
0x7: {  	s21 =	sshrl.u32 s14, $0x3;
	s5 =	sshll.u32 s14, $0x7;
	s8 =	smul.u32 $0x700, s14  }
0x8: {  	s4 =	sadd.s32 $0x7800, s0;
	s9 =	sand.u32 $0x1, s6;
	s11 =	smul.u32 $0x4F000, s14  }
0x9: {  	s6 =	sadd.s32 $0xA3C00, s0;
	s24 =	sadd.s32 $0xCDC00, s0;
	s25 =	sadd.s32 $0xF5400, s0  }
0xa: {  	s13 =	sadd.s32 $0x7CB00, s0;
	s26 =	sshll.u32 s14, $0x6;
	_ =	strace $0x80000047  }
0xb: {  	s3 =	smul.u32 $0x14000, s21;
	s5 =	sand.u32 $0x380, s5;
	s7 =	ssub.s32 $0x2, s9  }
0xc: {  	p0 =	seq.s32 s9, $0x1;
	[dreg:$0x5] =	wrdreg s24;
	s21 =	sor.u32 $0x1C05, s26  }
0xd: {  	s24 =	simm.s32 $0x19C00;
	s26 =	simm.s32 $0x13C60;
	s10 =	sshrl.u32 s7, $0x1  }
0xe: {  	s8 =	sadd.s32 s1, s8;
	s22 =	sshrl.u32 s11, $0x2;
	s3 =	sor.u32 s5, s3  }
0xf: {  	s5 =	smul.u32 $0x2780, s14;
	s15 =	ssub.s32 s7, s10;
	s1 =	sadd.s32 s22, s2  }
0x10: {  	s10 =	sadd.s32 $0x2E900, s0;
	s3 =	sshrl.u32 s3, $0x3;
	s15 =	smax.u32 s15, $0x1  }
.Ltmp0:
0x11: {  	s22 =	sshrl.u32 s1, $0x3;
	s1 =	simm.s32 $0x19800;
	(pc) =	sbr.rel .LBB2_1-.Ltmp0, $4  }
0x12: {  	s3 =	sadd.s32 s3, s0;
	s12 =	sadd.s32 s5, s0;
	s25 =	sadd.s32 s5, s25  }
0x13: {  	s7 =	sadd.s32 $0x2800, s3;
	s23 =	sadd.s32 $0xA6400, s12;
	s12 =	sadd.s32 $0x55A00, s0  }
0x14: {  	s0 =	sadd.s32 $0x11CC00, s0;
	s3 =	simm.s32 $0x19880;
	[dreg:$0x4] =	wrdreg s23  }
0x15: {  	[dreg:$0x6] =	wrdreg s0;
	s23 =	simm.s32 $0x60;
	s0 =	simm.s32 $0x4  }
.LBB2_11:
0x16: {  	[tilespmem:s28], [sflag:$0x2] =	stream.indirect.gather [hbm4b:s13+s23], $0x80, s17, s23, $0xb8;
	[tilespmem:$0x1FC00] =	vst v63  }
0x17: {  	s9 =	rddreg [dreg:$0x6]  }
.LBB2_12:
0x18: {  	_ =	swait.ge [sflag:s29], $0x3000  }
0x19: {  	[sflag:s29] =	ssyncset.done $0x0  }
0x1a: {  	[sflag:s29] =	ssyncadd.s32 $0xFFFFD000  }
0x1b: {  	[spmem:s2] =	stream.indirect.scatter.add.f32 [tilespmem:s24], [sflag:$0x3], $0x80, s1, s23, $0xb8;
	[tilespmem:$0x1FC00] =	vst v63  }
0x1c: {  	_ =	swait.ge [sflag:s30], $0x3000  }
0x1d: {  	[sflag:s30] =	ssyncset.done $0x0  }
0x1e: {  	[sflag:s30] =	ssyncadd.s32 $0xFFFFD000  }
0x1f: {  	[spmem:s2] =	stream.indirect.scatter.add.f32 [tilespmem:s28], [sflag:$0x4], $0x80, s3, s23, $0xb8;
	[tilespmem:$0x1FC00] =	vst v63  }
0x20: {  	_ =	swait.ge [sflag:s31], $0x3000  }
0x21: {  	[sflag:s31] =	ssyncset.done $0x0  }
0x22: {  	[sflag:s31] =	ssyncadd.s32 $0xFFFFD000  }
0x23: {  	_ =	swait.ge [sflag:s0], $0x3000  }
0x24: {  	s16 =	sadd.s32 $0x1, s16;
	[sflag:s0] =	ssyncset.done $0x0  }
0x25: {  	p1 =	sne.s32 s16, s15;
	[sflag:s0] =	ssyncadd.s32 $0xFFFFD000  }
.Ltmp1:
0x26: {  	s9 =	sadd.s32 s5, s9;
	[bflag:$0x0] =	sbarrier.arrive $0xFFFF;
	(pc) =	sbr.rel @!p1 .LBB2_13-.Ltmp1, $4  }
0x27: {  	[hbm:s9], [sflag:s21] =	dma.local [spmem:s22], $0x2780  }
0x28: {  	_ =	swait.ge [sflag:s19], $0x2780  }
0x29: {  	[sflag:s19] =	ssyncset.done $0x0  }
0x2a: {  	[sflag:s19] =	ssyncadd.s32 $0xFFFFD880  }
.LBB2_1:
0x2b: {  	s9 =	simm.s32 $0x80;
	s11 =	simm.s32 $0x400  }
0x2c: {  	[tilespmem:s18], [sflag:$0x5] =	stream.strided.gather [hbm4b:s7+s9], $0x2800, s11, s9, $0x38;
	[tilespmem:$0x1FC00] =	vst v63  }
0x2d: {  	_ =	swait.ge [sflag:s19], $0x2800  }
0x2e: {  	[sflag:s19] =	ssyncset.done $0x0  }
0x2f: {  	s17 =	simm.s32 $0x0;
	s20 =	simm.s32 $0x16400;
	[sflag:s19] =	ssyncadd.s32 $0xFFFFD800  }
0x30: {  	[tilespmem:s20], [sflag:$0x5] =	stream.linear.gather [hbm4b:s8+s17], $0x3500, $0x38;
	[tilespmem:$0x1FC00] =	vst v63  }
0x31: {  	_ =	swait.ge [sflag:s19], $0x3500  }
0x32: {  	[sflag:s19] =	ssyncset.done $0x0  }
0x33: {  	[sflag:s19] =	ssyncadd.s32 $0xFFFFCB00  }
0x34: {  	[spmem:s22], [sflag:s21] =	dma.local [hbm:s6], $0x2780  }
.Ltmp2:
0x35: {  	_ =	swait.ge [sflag:s19], $0x2780;
	(pc) =	sbr.rel @!p0 .LBB2_2-.Ltmp2, $3  }
0x36: {  	[sflag:s19] =	ssyncset.done $0x0  }
0x37: {  	[sflag:s19] =	ssyncadd.s32 $0xFFFFD880  }
0x38: {  	[bflag:$0x0] =	sbarrier.arrive $0xFFFF;
	_ =	sdelay $0x1  }
0x39: {  	[tilespmem:s24], [sflag:$0x1] =	stream.indirect.gather [hbm4b:s12+s23], $0x80, s18, s23, $0xb8;
	[tilespmem:$0x1FC00] =	vst v63  }
0x3a: {  	_ = 	snop  }
0x3b: {  	[tilespmem:s28], [sflag:$0x2] =	stream.indirect.gather [hbm4b:s12+s23], $0x80, s26, s23, $0xb8;
	[tilespmem:$0x1FC00] =	vst v63  }
0x3c: {  	_ =	swait.ge [sflag:s29], $0x3000  }
0x3d: {  	[sflag:s29] =	ssyncset.done $0x0  }
0x3e: {  	s9 =	simm.s32 $0x16400;
	[sflag:s29] =	ssyncadd.s32 $0xFFFFD000  }
0x3f: {  	[spmem:s2] =	stream.indirect.scatter.add.f32 [tilespmem:s24], [sflag:$0x3], $0x80, s9, s23, $0xb8;
	[tilespmem:$0x1FC00] =	vst v63  }
0x40: {  	_ =	swait.ge [sflag:s30], $0x3000  }
0x41: {  	[sflag:s30] =	ssyncset.done $0x0  }
0x42: {  	s17 =	simm.s32 $0x16480;
	[sflag:s30] =	ssyncadd.s32 $0xFFFFD000  }
0x43: {  	[spmem:s2] =	stream.indirect.scatter.add.f32 [tilespmem:s28], [sflag:$0x4], $0x80, s17, s23, $0xb8;
	[tilespmem:$0x1FC00] =	vst v63  }
0x44: {  	_ =	swait.ge [sflag:s31], $0x3000  }
0x45: {  	[sflag:s31] =	ssyncset.done $0x0  }
0x46: {  	s20 =	simm.s32 $0x13CC0;
	[sflag:s31] =	ssyncadd.s32 $0xFFFFD000  }
0x47: {  	[tilespmem:s24], [sflag:$0x1] =	stream.indirect.gather [hbm4b:s12+s23], $0x80, s20, s23, $0xb8;
	[tilespmem:$0x1FC00] =	vst v63  }
0x48: {  	_ =	swait.ge [sflag:s0], $0x3000  }
0x49: {  	s9 =	simm.s32 $0x400;
	[sflag:s0] =	ssyncset.done $0x0  }
0x4a: {  	s17 =	simm.s32 $0x13D20;
	s20 =	simm.s32 $0x13DE0;
	[sflag:s0] =	ssyncadd.s32 $0xFFFFD000  }
.LBB2_8:
0x4b: {  	[tilespmem:s28], [sflag:$0x2] =	stream.indirect.gather [hbm4b:s12+s23], $0x80, s17, s23, $0xb8;
	[tilespmem:$0x1FC00] =	vst v63  }
0x4c: {  	s11 =	smov.u32 s9;
	s17 =	smov.u32 s20  }
0x4d: {  	p1 =	sne.s32 s9, $0xCC00;
	s9 =	sadd.s32 $0x400, s9;
	_ =	swait.ge [sflag:s29], $0x3000  }
0x4e: {  	s11 =	sshra.s32 s11, $0x2;
	[sflag:s29] =	ssyncset.done $0x0  }
0x4f: {  	s14 =	sadd.s32 $0x16400, s11;
	[sflag:s29] =	ssyncadd.s32 $0xFFFFD000  }
0x50: {  	[spmem:s2] =	stream.indirect.scatter.add.f32 [tilespmem:s24], [sflag:$0x3], $0x80, s14, s23, $0xb8;
	[tilespmem:$0x1FC00] =	vst v63  }
0x51: {  	_ =	swait.ge [sflag:s30], $0x3000  }
0x52: {  	[sflag:s30] =	ssyncset.done $0x0  }
0x53: {  	s11 =	sadd.s32 $0x16480, s11;
	[sflag:s30] =	ssyncadd.s32 $0xFFFFD000  }
0x54: {  	[spmem:s2] =	stream.indirect.scatter.add.f32 [tilespmem:s28], [sflag:$0x4], $0x80, s11, s23, $0xb8;
	[tilespmem:$0x1FC00] =	vst v63  }
0x55: {  	_ =	swait.ge [sflag:s31], $0x3000  }
0x56: {  	[sflag:s31] =	ssyncset.done $0x0  }
.Ltmp3:
0x57: {  	s11 =	sadd.s32 $0xFFFFFFA0, s20;
	[sflag:s31] =	ssyncadd.s32 $0xFFFFD000;
	(pc) =	sbr.rel @p1 .LBB2_8-.Ltmp3, $4  }
0x58: {  	[tilespmem:s24], [sflag:$0x1] =	stream.indirect.gather [hbm4b:s12+s23], $0x80, s11, s23, $0xb8;
	[tilespmem:$0x1FC00] =	vst v63  }
0x59: {  	_ =	swait.ge [sflag:s0], $0x3000  }
0x5a: {  	[sflag:s0] =	ssyncset.done $0x0  }
0x5b: {  	s20 =	sadd.s32 $0xC0, s20;
	[sflag:s0] =	ssyncadd.s32 $0xFFFFD000  }
0x5c: {  	[tilespmem:s28], [sflag:$0x2] =	stream.indirect.gather [hbm4b:s12+s23], $0x80, s17, s23, $0xb8;
	[tilespmem:$0x1FC00] =	vst v63  }
0x5d: {  	_ =	swait.ge [sflag:s29], $0x3000  }
0x5e: {  	[sflag:s29] =	ssyncset.done $0x0  }
0x5f: {  	[sflag:s29] =	ssyncadd.s32 $0xFFFFD000  }
0x60: {  	[spmem:s2] =	stream.indirect.scatter.add.f32 [tilespmem:s24], [sflag:$0x3], $0x80, s1, s23, $0xb8;
	[tilespmem:$0x1FC00] =	vst v63  }
0x61: {  	_ =	swait.ge [sflag:s30], $0x3000  }
0x62: {  	[sflag:s30] =	ssyncset.done $0x0  }
0x63: {  	[sflag:s30] =	ssyncadd.s32 $0xFFFFD000  }
0x64: {  	[spmem:s2] =	stream.indirect.scatter.add.f32 [tilespmem:s28], [sflag:$0x4], $0x80, s3, s23, $0xb8;
	[tilespmem:$0x1FC00] =	vst v63  }
0x65: {  	_ =	swait.ge [sflag:s31], $0x3000  }
0x66: {  	[sflag:s31] =	ssyncset.done $0x0  }
0x67: {  	[sflag:s31] =	ssyncadd.s32 $0xFFFFD000  }
0x68: {  	_ =	swait.ge [sflag:s0], $0x3000  }
0x69: {  	[sflag:s0] =	ssyncset.done $0x0  }
0x6a: {  	[sflag:s0] =	ssyncadd.s32 $0xFFFFD000  }
0x6b: {  	[bflag:$0x0] =	sbarrier.arrive $0xFFFF  }
0x6c: {  	[hbm:s25], [sflag:s21] =	dma.local [spmem:s22], $0x2780  }
0x6d: {  	_ =	swait.ge [sflag:s19], $0x2780  }
0x6e: {  	[sflag:s19] =	ssyncset.done $0x0  }
0x6f: {  	[sflag:s19] =	ssyncadd.s32 $0xFFFFD880  }
0x70: {  	[bflag:$0x0] =	sbarrier.arrive $0xFFFF  }
0x71: {  	[spmem:s22], [sflag:s21] =	dma.local [hbm:s6], $0x2780  }
0x72: {  	_ =	swait.ge [sflag:s19], $0x2780  }
0x73: {  	[sflag:s19] =	ssyncset.done $0x0  }
0x74: {  	[sflag:s19] =	ssyncadd.s32 $0xFFFFD880  }
0x75: {  	[bflag:$0x0] =	sbarrier.arrive $0xFFFF  }
0x76: {  	[tilespmem:s24], [sflag:$0x1] =	stream.indirect.gather [hbm4b:s13+s23], $0x80, s18, s23, $0xb8;
	[tilespmem:$0x1FC00] =	vst v63  }
0x77: {  	_ = 	snop  }
0x78: {  	[tilespmem:s28], [sflag:$0x2] =	stream.indirect.gather [hbm4b:s13+s23], $0x80, s26, s23, $0xb8;
	[tilespmem:$0x1FC00] =	vst v63  }
0x79: {  	_ =	swait.ge [sflag:s29], $0x3000  }
0x7a: {  	[sflag:s29] =	ssyncset.done $0x0  }
0x7b: {  	s9 =	simm.s32 $0x16400;
	[sflag:s29] =	ssyncadd.s32 $0xFFFFD000  }
0x7c: {  	[spmem:s2] =	stream.indirect.scatter.add.f32 [tilespmem:s24], [sflag:$0x3], $0x80, s9, s23, $0xb8;
	[tilespmem:$0x1FC00] =	vst v63  }
0x7d: {  	_ =	swait.ge [sflag:s30], $0x3000  }
0x7e: {  	[sflag:s30] =	ssyncset.done $0x0  }
0x7f: {  	s17 =	simm.s32 $0x16480;
	[sflag:s30] =	ssyncadd.s32 $0xFFFFD000  }
0x80: {  	[spmem:s2] =	stream.indirect.scatter.add.f32 [tilespmem:s28], [sflag:$0x4], $0x80, s17, s23, $0xb8;
	[tilespmem:$0x1FC00] =	vst v63  }
0x81: {  	_ =	swait.ge [sflag:s31], $0x3000  }
0x82: {  	[sflag:s31] =	ssyncset.done $0x0  }
0x83: {  	s20 =	simm.s32 $0x13CC0;
	[sflag:s31] =	ssyncadd.s32 $0xFFFFD000  }
0x84: {  	[tilespmem:s24], [sflag:$0x1] =	stream.indirect.gather [hbm4b:s13+s23], $0x80, s20, s23, $0xb8;
	[tilespmem:$0x1FC00] =	vst v63  }
0x85: {  	_ =	swait.ge [sflag:s0], $0x3000  }
0x86: {  	s9 =	simm.s32 $0x400;
	[sflag:s0] =	ssyncset.done $0x0  }
0x87: {  	s17 =	simm.s32 $0x13D20;
	s20 =	simm.s32 $0x13DE0;
	[sflag:s0] =	ssyncadd.s32 $0xFFFFD000  }
.LBB2_10:
0x88: {  	[tilespmem:s28], [sflag:$0x2] =	stream.indirect.gather [hbm4b:s13+s23], $0x80, s17, s23, $0xb8;
	[tilespmem:$0x1FC00] =	vst v63  }
0x89: {  	s11 =	smov.u32 s9;
	s17 =	smov.u32 s20  }
0x8a: {  	p1 =	sne.s32 s9, $0xCC00;
	s9 =	sadd.s32 $0x400, s9;
	_ =	swait.ge [sflag:s29], $0x3000  }
0x8b: {  	s11 =	sshra.s32 s11, $0x2;
	[sflag:s29] =	ssyncset.done $0x0  }
0x8c: {  	s14 =	sadd.s32 $0x16400, s11;
	[sflag:s29] =	ssyncadd.s32 $0xFFFFD000  }
0x8d: {  	[spmem:s2] =	stream.indirect.scatter.add.f32 [tilespmem:s24], [sflag:$0x3], $0x80, s14, s23, $0xb8;
	[tilespmem:$0x1FC00] =	vst v63  }
0x8e: {  	_ =	swait.ge [sflag:s30], $0x3000  }
0x8f: {  	[sflag:s30] =	ssyncset.done $0x0  }
0x90: {  	s11 =	sadd.s32 $0x16480, s11;
	[sflag:s30] =	ssyncadd.s32 $0xFFFFD000  }
0x91: {  	[spmem:s2] =	stream.indirect.scatter.add.f32 [tilespmem:s28], [sflag:$0x4], $0x80, s11, s23, $0xb8;
	[tilespmem:$0x1FC00] =	vst v63  }
0x92: {  	_ =	swait.ge [sflag:s31], $0x3000  }
0x93: {  	[sflag:s31] =	ssyncset.done $0x0  }
.Ltmp4:
0x94: {  	s11 =	sadd.s32 $0xFFFFFFA0, s20;
	[sflag:s31] =	ssyncadd.s32 $0xFFFFD000;
	(pc) =	sbr.rel @p1 .LBB2_10-.Ltmp4, $4  }
0x95: {  	[tilespmem:s24], [sflag:$0x1] =	stream.indirect.gather [hbm4b:s13+s23], $0x80, s11, s23, $0xb8;
	[tilespmem:$0x1FC00] =	vst v63  }
0x96: {  	_ =	swait.ge [sflag:s0], $0x3000  }
0x97: {  	[sflag:s0] =	ssyncset.done $0x0  }
0x98: {  	s20 =	sadd.s32 $0xC0, s20;
	[sflag:s0] =	ssyncadd.s32 $0xFFFFD000  }
.Ltmp5:
0x99: {  	_ = 	snop;
	(pc) =	sbr.rel .LBB2_11-.Ltmp5, $1  }
0x9a: {  	_ =	sdelay $0x3  }
.LBB2_2:
0x9b: {  	[tilespmem:s24], [sflag:$0x1] =	stream.indirect.gather [hbm4b:s4+s23], $0x80, s18, s23, $0xb8;
	[tilespmem:$0x1FC00] =	vst v63  }
0x9c: {  	_ = 	snop  }
0x9d: {  	[tilespmem:s28], [sflag:$0x2] =	stream.indirect.gather [hbm4b:s4+s23], $0x80, s26, s23, $0xb8;
	[tilespmem:$0x1FC00] =	vst v63  }
0x9e: {  	_ =	swait.ge [sflag:s29], $0x3000  }
0x9f: {  	[sflag:s29] =	ssyncset.done $0x0  }
0xa0: {  	s9 =	simm.s32 $0x16400;
	[sflag:s29] =	ssyncadd.s32 $0xFFFFD000  }
0xa1: {  	[spmem:s2] =	stream.indirect.scatter.add.f32 [tilespmem:s24], [sflag:$0x3], $0x80, s9, s23, $0xb8;
	[tilespmem:$0x1FC00] =	vst v63  }
0xa2: {  	_ =	swait.ge [sflag:s30], $0x3000  }
0xa3: {  	[sflag:s30] =	ssyncset.done $0x0  }
0xa4: {  	s17 =	simm.s32 $0x16480;
	[sflag:s30] =	ssyncadd.s32 $0xFFFFD000  }
0xa5: {  	[spmem:s2] =	stream.indirect.scatter.add.f32 [tilespmem:s28], [sflag:$0x4], $0x80, s17, s23, $0xb8;
	[tilespmem:$0x1FC00] =	vst v63  }
0xa6: {  	_ =	swait.ge [sflag:s31], $0x3000  }
0xa7: {  	[sflag:s31] =	ssyncset.done $0x0  }
0xa8: {  	s20 =	simm.s32 $0x13CC0;
	[sflag:s31] =	ssyncadd.s32 $0xFFFFD000  }
0xa9: {  	[tilespmem:s24], [sflag:$0x1] =	stream.indirect.gather [hbm4b:s4+s23], $0x80, s20, s23, $0xb8;
	[tilespmem:$0x1FC00] =	vst v63  }
0xaa: {  	_ =	swait.ge [sflag:s0], $0x3000  }
0xab: {  	s9 =	simm.s32 $0x400;
	[sflag:s0] =	ssyncset.done $0x0  }
0xac: {  	s17 =	simm.s32 $0x13D20;
	s20 =	simm.s32 $0x13DE0;
	[sflag:s0] =	ssyncadd.s32 $0xFFFFD000  }
.LBB2_3:
0xad: {  	[tilespmem:s28], [sflag:$0x2] =	stream.indirect.gather [hbm4b:s4+s23], $0x80, s17, s23, $0xb8;
	[tilespmem:$0x1FC00] =	vst v63  }
0xae: {  	s11 =	smov.u32 s9;
	s17 =	smov.u32 s20  }
0xaf: {  	p1 =	sne.s32 s9, $0xCC00;
	s9 =	sadd.s32 $0x400, s9;
	_ =	swait.ge [sflag:s29], $0x3000  }
0xb0: {  	s11 =	sshra.s32 s11, $0x2;
	[sflag:s29] =	ssyncset.done $0x0  }
0xb1: {  	s14 =	sadd.s32 $0x16400, s11;
	[sflag:s29] =	ssyncadd.s32 $0xFFFFD000  }
0xb2: {  	[spmem:s2] =	stream.indirect.scatter.add.f32 [tilespmem:s24], [sflag:$0x3], $0x80, s14, s23, $0xb8;
	[tilespmem:$0x1FC00] =	vst v63  }
0xb3: {  	_ =	swait.ge [sflag:s30], $0x3000  }
0xb4: {  	[sflag:s30] =	ssyncset.done $0x0  }
0xb5: {  	s11 =	sadd.s32 $0x16480, s11;
	[sflag:s30] =	ssyncadd.s32 $0xFFFFD000  }
0xb6: {  	[spmem:s2] =	stream.indirect.scatter.add.f32 [tilespmem:s28], [sflag:$0x4], $0x80, s11, s23, $0xb8;
	[tilespmem:$0x1FC00] =	vst v63  }
0xb7: {  	_ =	swait.ge [sflag:s31], $0x3000  }
0xb8: {  	[sflag:s31] =	ssyncset.done $0x0  }
.Ltmp6:
0xb9: {  	s11 =	sadd.s32 $0xFFFFFFA0, s20;
	[sflag:s31] =	ssyncadd.s32 $0xFFFFD000;
	(pc) =	sbr.rel @p1 .LBB2_3-.Ltmp6, $4  }
0xba: {  	[tilespmem:s24], [sflag:$0x1] =	stream.indirect.gather [hbm4b:s4+s23], $0x80, s11, s23, $0xb8;
	[tilespmem:$0x1FC00] =	vst v63  }
0xbb: {  	_ =	swait.ge [sflag:s0], $0x3000  }
0xbc: {  	[sflag:s0] =	ssyncset.done $0x0  }
0xbd: {  	s20 =	sadd.s32 $0xC0, s20;
	[sflag:s0] =	ssyncadd.s32 $0xFFFFD000  }
0xbe: {  	[tilespmem:s28], [sflag:$0x2] =	stream.indirect.gather [hbm4b:s4+s23], $0x80, s17, s23, $0xb8;
	[tilespmem:$0x1FC00] =	vst v63  }
0xbf: {  	_ =	swait.ge [sflag:s29], $0x3000  }
0xc0: {  	[sflag:s29] =	ssyncset.done $0x0  }
0xc1: {  	[sflag:s29] =	ssyncadd.s32 $0xFFFFD000  }
0xc2: {  	[spmem:s2] =	stream.indirect.scatter.add.f32 [tilespmem:s24], [sflag:$0x3], $0x80, s1, s23, $0xb8;
	[tilespmem:$0x1FC00] =	vst v63  }
0xc3: {  	_ =	swait.ge [sflag:s30], $0x3000  }
0xc4: {  	[sflag:s30] =	ssyncset.done $0x0  }
0xc5: {  	[sflag:s30] =	ssyncadd.s32 $0xFFFFD000  }
0xc6: {  	[spmem:s2] =	stream.indirect.scatter.add.f32 [tilespmem:s28], [sflag:$0x4], $0x80, s3, s23, $0xb8;
	[tilespmem:$0x1FC00] =	vst v63  }
0xc7: {  	_ =	swait.ge [sflag:s31], $0x3000  }
0xc8: {  	[sflag:s31] =	ssyncset.done $0x0  }
0xc9: {  	[sflag:s31] =	ssyncadd.s32 $0xFFFFD000  }
0xca: {  	_ =	swait.ge [sflag:s0], $0x3000  }
0xcb: {  	[sflag:s0] =	ssyncset.done $0x0  }
0xcc: {  	[sflag:s0] =	ssyncadd.s32 $0xFFFFD000  }
0xcd: {  	[bflag:$0x0] =	sbarrier.arrive $0xFFFF  }
0xce: {  	s9 =	rddreg [dreg:$0x4]  }
0xcf: {  	[hbm:s9], [sflag:s21] =	dma.local [spmem:s22], $0x2780  }
0xd0: {  	_ =	swait.ge [sflag:s19], $0x2780  }
0xd1: {  	[sflag:s19] =	ssyncset.done $0x0  }
0xd2: {  	[sflag:s19] =	ssyncadd.s32 $0xFFFFD880  }
0xd3: {  	[bflag:$0x0] =	sbarrier.arrive $0xFFFF  }
0xd4: {  	[spmem:s22], [sflag:s21] =	dma.local [hbm:s6], $0x2780  }
0xd5: {  	_ =	swait.ge [sflag:s19], $0x2780  }
0xd6: {  	[sflag:s19] =	ssyncset.done $0x0  }
0xd7: {  	[sflag:s19] =	ssyncadd.s32 $0xFFFFD880  }
0xd8: {  	[bflag:$0x0] =	sbarrier.arrive $0xFFFF  }
0xd9: {  	[tilespmem:s24], [sflag:$0x1] =	stream.indirect.gather [hbm4b:s10+s23], $0x80, s18, s23, $0xb8;
	[tilespmem:$0x1FC00] =	vst v63  }
0xda: {  	_ = 	snop  }
0xdb: {  	[tilespmem:s28], [sflag:$0x2] =	stream.indirect.gather [hbm4b:s10+s23], $0x80, s26, s23, $0xb8;
	[tilespmem:$0x1FC00] =	vst v63  }
0xdc: {  	_ =	swait.ge [sflag:s29], $0x3000  }
0xdd: {  	[sflag:s29] =	ssyncset.done $0x0  }
0xde: {  	s14 =	simm.s32 $0x16400;
	[sflag:s29] =	ssyncadd.s32 $0xFFFFD000  }
0xdf: {  	[spmem:s2] =	stream.indirect.scatter.add.f32 [tilespmem:s24], [sflag:$0x3], $0x80, s14, s23, $0xb8;
	[tilespmem:$0x1FC00] =	vst v63  }
0xe0: {  	_ =	swait.ge [sflag:s30], $0x3000  }
0xe1: {  	[sflag:s30] =	ssyncset.done $0x0  }
0xe2: {  	s17 =	simm.s32 $0x16480;
	[sflag:s30] =	ssyncadd.s32 $0xFFFFD000  }
0xe3: {  	[spmem:s2] =	stream.indirect.scatter.add.f32 [tilespmem:s28], [sflag:$0x4], $0x80, s17, s23, $0xb8;
	[tilespmem:$0x1FC00] =	vst v63  }
0xe4: {  	_ =	swait.ge [sflag:s31], $0x3000  }
0xe5: {  	[sflag:s31] =	ssyncset.done $0x0  }
0xe6: {  	s20 =	simm.s32 $0x13CC0;
	[sflag:s31] =	ssyncadd.s32 $0xFFFFD000  }
0xe7: {  	[tilespmem:s24], [sflag:$0x1] =	stream.indirect.gather [hbm4b:s10+s23], $0x80, s20, s23, $0xb8;
	[tilespmem:$0x1FC00] =	vst v63  }
0xe8: {  	_ =	swait.ge [sflag:s0], $0x3000  }
0xe9: {  	s9 =	simm.s32 $0x400;
	[sflag:s0] =	ssyncset.done $0x0  }
0xea: {  	s17 =	simm.s32 $0x13D20;
	s20 =	simm.s32 $0x13DE0;
	[sflag:s0] =	ssyncadd.s32 $0xFFFFD000  }
.LBB2_5:
0xeb: {  	[tilespmem:s28], [sflag:$0x2] =	stream.indirect.gather [hbm4b:s10+s23], $0x80, s17, s23, $0xb8;
	[tilespmem:$0x1FC00] =	vst v63  }
0xec: {  	s11 =	smov.u32 s9;
	s17 =	smov.u32 s20  }
0xed: {  	p1 =	seq.s32 s9, $0xCC00;
	s9 =	sadd.s32 $0x400, s9;
	_ =	swait.ge [sflag:s29], $0x3000  }
0xee: {  	s11 =	sshra.s32 s11, $0x2;
	[sflag:s29] =	ssyncset.done $0x0  }
0xef: {  	s14 =	sadd.s32 $0x16400, s11;
	[sflag:s29] =	ssyncadd.s32 $0xFFFFD000  }
0xf0: {  	[spmem:s2] =	stream.indirect.scatter.add.f32 [tilespmem:s24], [sflag:$0x3], $0x80, s14, s23, $0xb8;
	[tilespmem:$0x1FC00] =	vst v63  }
0xf1: {  	_ =	swait.ge [sflag:s30], $0x3000  }
0xf2: {  	[sflag:s30] =	ssyncset.done $0x0  }
0xf3: {  	s11 =	sadd.s32 $0x16480, s11;
	[sflag:s30] =	ssyncadd.s32 $0xFFFFD000  }
0xf4: {  	[spmem:s2] =	stream.indirect.scatter.add.f32 [tilespmem:s28], [sflag:$0x4], $0x80, s11, s23, $0xb8;
	[tilespmem:$0x1FC00] =	vst v63  }
0xf5: {  	_ =	swait.ge [sflag:s31], $0x3000  }
0xf6: {  	[sflag:s31] =	ssyncset.done $0x0  }
.Ltmp7:
0xf7: {  	s11 =	sadd.s32 $0xFFFFFFA0, s20;
	[sflag:s31] =	ssyncadd.s32 $0xFFFFD000;
	(pc) =	sbr.rel @!p1 .LBB2_5-.Ltmp7, $4  }
0xf8: {  	[tilespmem:s24], [sflag:$0x1] =	stream.indirect.gather [hbm4b:s10+s23], $0x80, s11, s23, $0xb8;
	[tilespmem:$0x1FC00] =	vst v63  }
0xf9: {  	_ =	swait.ge [sflag:s0], $0x3000  }
0xfa: {  	[sflag:s0] =	ssyncset.done $0x0  }
0xfb: {  	s20 =	sadd.s32 $0xC0, s20;
	[sflag:s0] =	ssyncadd.s32 $0xFFFFD000  }
.Ltmp8:
0xfc: {  	(pc) =	sbr.rel .LBB2_12-.Ltmp8, $3  }
0xfd: {  	_ =	sdelay $0x1  }
0xfe: {  	[tilespmem:s28], [sflag:$0x2] =	stream.indirect.gather [hbm4b:s10+s23], $0x80, s17, s23, $0xb8;
	[tilespmem:$0x1FC00] =	vst v63  }
0xff: {  	s9 =	rddreg [dreg:$0x5]  }
.LBB2_13:
0x100: {  	_ =	sfence.sel $0x180000  }
0x101: {  	[bflag:$0x0] =	sbarrier.arrive $0xFFFF  }
0x102: {  	_ =	strace $0x90000047  }
0x103: {  	s0 =	stileid.u32;
	[bflag:$0x2] =	sbarrier.arrive $0xFFFF  }
0x104: {  	p0 =	sne.s32 s0, $0x0;
	s0 =	rddreg [dreg:$0x3]  }
0x105: {  	s0 =	sadd.s32 @!p0 $0x100000, s0  }
0x106: {  	[sflag:s0] =	ssyncadd.tile.s32 @!p0 $0x1;
	_ =	shalt  }
.Lfunc_end2:
_tile_overlayer_lowered:
.L_overlay_start_2:
0x107: {  	(tag) =	ssettag $0x2  }
0x108: {  	s0 =	rddreg [dreg:$0x0];
	s2 =	stileid.u32  }
0x109: {  	s1 =	rddreg [dreg:$0x1];
	p0 =	sne.s32 s2, $0x0  }
0x10a: {  	s3 =	rddreg [dreg:$0x2];
	[bflag:$0x3] =	sbarrier.arrive $0xFFFF;
	s2 =	simm.s32 @!p0 $0x1C05  }
0x10b: {  	[timem:s3], [sflag:s2] =	dma.local @!p0 [hbm:s0], s1  }
0x10c: {  	s0 =	simm.s32 @!p0 $0x5  }
0x10d: {  	_ =	swait.ge @!p0 [sflag:s0], s1  }
0x10e: {  	s1 =	ssub.s32 @!p0 $0x0, s1;
	[sflag:s0] =	ssyncset.done @!p0 $0x0  }
0x10f: {  	[sflag:s0] =	ssyncadd.s32 @!p0 s1  }
0x110: {  	[bflag:$0x3] =	sbarrier.arrive $0xFFFF  }
0x111: {  	_ =	shalt  }

</sc_bundles>
